<compile_context>
chip_gen: v7x
topology: tpu7x:2x2x1
jax: 0.10.2.dev20260603
libtpu: 0.0.44.dev20260713+nightly
codegen_flags: <defaults>
</compile_context>

<pallas_src>
import functools

import jax
import jax.numpy as jnp
from jax import lax
from jax.experimental import pallas as pl
from jax.experimental.pallas import tpu as pltpu
from jax.experimental.pallas import tpu_sc as plsc

_NUM_CORES = 2
_NUM_SUBCORES = 16
_NUM_WORKERS = _NUM_CORES * _NUM_SUBCORES
_LANES = 16

_C = 16
_NBUF = 4
_AHEAD = 3


@functools.lru_cache(maxsize=None)
def _build(V, D, B):
    scale = float(D) ** 0.5
    b_per_w = B // _NUM_WORKERS
    C = _C
    NBUF = _NBUF
    A = _AHEAD
    nsteps = b_per_w // C
    ngroups = nsteps // NBUF

    mesh = plsc.VectorSubcoreMesh(
        core_axis_name="c", subcore_axis_name="s",
        num_cores=_NUM_CORES, num_subcores=_NUM_SUBCORES)

    @functools.partial(
        pl.kernel,
        out_type=jax.ShapeDtypeStruct((B, D), jnp.float32),
        mesh=mesh,
        scratch_types=(
            [pltpu.VMEM((b_per_w,), jnp.int32)]
            + [pltpu.VMEM((C, D), jnp.float32) for _ in range(NBUF)]
            + [pltpu.SemaphoreType.DMA, pltpu.SemaphoreType.DMA]
        ),
    )
    def emb_kernel(idx_hbm, table_hbm, out_hbm, idx_v, *rest):
        bufs = rest[:NBUF]
        gsem, osem = rest[NBUF], rest[NBUF + 1]
        wid = lax.axis_index("s") * _NUM_CORES + lax.axis_index("c")
        base = wid * b_per_w
        pltpu.sync_copy(idx_hbm.at[pl.ds(base, b_per_w)], idx_v)

        def gather(g, buf):
            off = pl.multiple_of(g * C, 8)
            iv = idx_v[pl.ds(off, C)]
            return pltpu.async_copy(table_hbm.at[iv], buf, gsem)

        def store(g, buf):
            return pltpu.async_copy(
                buf, out_hbm.at[pl.ds(base + g * C, C)], osem)

        def wait_one(sem, buf):
            pltpu.make_async_copy(out_hbm.at[pl.ds(0, C)], buf, sem).wait()

        def scale_buf(buf):
            def eighth_body(i, _):
                r = i >> 3
                h = (i & 7) * (D // 8)
                for c in range(D // (8 * _LANES)):
                    sl = pl.ds(h + c * _LANES, _LANES)
                    buf[r, sl] = buf[r, sl] * scale
                return 0
            lax.fori_loop(0, 8 * C, eighth_body, 0)

        def step(g, b):
            wait_one(gsem, bufs[b])
            scale_buf(bufs[b])
            nb = (b + A) % NBUF
            wait_one(osem, bufs[nb])
            gather(g + A, bufs[nb])
            store(g, bufs[b])

        for g in range(A):
            gather(g, bufs[g % NBUF])

        for g in range(NBUF):
            b = g % NBUF
            wait_one(gsem, bufs[b])
            scale_buf(bufs[b])
            if g >= NBUF - A:
                wait_one(osem, bufs[(b + A) % NBUF])
            gather(g + A, bufs[(b + A) % NBUF])
            store(g, bufs[b])

        def group_body(grp, _):
            g0 = grp * NBUF
            for b in range(NBUF):
                step(g0 + b, b)
            return 0
        lax.fori_loop(1, ngroups - 1, group_body, 0)

        for g in range(NBUF * (ngroups - 1), nsteps):
            b = g % NBUF
            wait_one(gsem, bufs[b])
            scale_buf(bufs[b])
            if g + A < nsteps:
                wait_one(osem, bufs[(b + A) % NBUF])
                gather(g + A, bufs[(b + A) % NBUF])
            store(g, bufs[b])
        for g in range(NBUF - A):
            wait_one(osem, bufs[0])
        for g in range(A):
            wait_one(osem, bufs[0])

    return emb_kernel


def kernel(x, emb_weight):
    n, s = x.shape
    V, D = emb_weight.shape
    idx = x.reshape(n * s).astype(jnp.int32)
    out = _build(V, D, n * s)(idx, emb_weight)
    return out.reshape(n, s, D)

# --- scband reference (transcript-rebuilt; emitter-appended) ---
"""Pipeline reference for scband-token-embedding-79577154060740 (READ-ONLY COPY).

The authoritative reference and input builder live on the scoring server;
editing this copy changes nothing except your own understanding.
"""

import jax, jax.numpy as jnp
import numpy as np

EMBEDDING_DIM = 1024
NUM_EMBEDDINGS = 100000
PADDING_IDX = 0


def setup_inputs(seed: int = 0) -> dict:
    key = jax.random.key(seed)
    k_x, k_w = jax.random.split(key)
    x = jax.random.randint(k_x, (4, 8192), 0, NUM_EMBEDDINGS, dtype=jnp.int64 if jax.config.jax_enable_x64 else jnp.int32)
    emb_weight = jax.random.normal(k_w, (NUM_EMBEDDINGS, EMBEDDING_DIM), dtype=jnp.float32) * (EMBEDDING_DIM ** -0.5)
    emb_weight = emb_weight.at[PADDING_IDX].set(0.0)
    return {"x": x, "emb_weight": emb_weight}


def reference(x, emb_weight):
    scale = EMBEDDING_DIM ** 0.5
    out = jnp.take(emb_weight, x, axis=0) * scale
    return out

if __name__ == "__main__":
    import jax
    _d = setup_inputs()
    print(jax.jit(kernel)(*tuple(_d.values())))

</pallas_src>

<mosaic_0001>
#map = affine_map<(d0, d1) -> (0)>
#map1 = affine_map<(d0, d1) -> (0, 0)>
module attributes {stable_mosaic.version = 14 : i64} {
  func.func @emb_kernel(%arg0: i32, %arg1: i32, %arg2: memref<32768xi32, #tpu.memory_space<hbm>>, %arg3: memref<100000x1024xf32, #tpu.memory_space<hbm>>, %arg4: memref<32768x1024xf32, #tpu.memory_space<hbm>>, %arg5: memref<1024xi32, #tpu.memory_space<vmem>>, %arg6: memref<16x1024xf32, #tpu.memory_space<vmem>>, %arg7: memref<16x1024xf32, #tpu.memory_space<vmem>>, %arg8: memref<16x1024xf32, #tpu.memory_space<vmem>>, %arg9: memref<16x1024xf32, #tpu.memory_space<vmem>>, %arg10: memref<!tpu.dma_semaphore, #tpu.memory_space<semaphore_mem>>, %arg11: memref<!tpu.dma_semaphore, #tpu.memory_space<semaphore_mem>>) attributes {dimension_semantics = [#tpu.dimension_semantics<core_parallel>, #tpu.dimension_semantics<subcore_parallel>], iteration_bounds = array<i64: 2, 16>, scalar_prefetch = 0 : i64, scratch_operands = 7 : i64, tpu.core_type = #tpu.core_type<sc_vector_subcore>, window_params = [{transform_indices = #map}, {transform_indices = #map1}, {transform_indices = #map1}]} {
    %mul3A = arith.constant 2 : i32
    %mul3A_0 = arith.muli %arg1, %mul3A : i32
    %add3A = arith.addi %mul3A_0, %arg0 : i32
    %mul3A_1 = arith.constant 1024 : i32
    %mul3A_2 = arith.muli %add3A, %mul3A_1 : i32
    "tpu.region"() ({
      %run_scoped3A = tpu.sem_alloc : memref<!tpu.dma_semaphore, #tpu.memory_space<semaphore_mem>>
      %dma_start3A_269 = tpu.memref_slice %arg2[%mul3A_2] : memref<32768xi32, #tpu.memory_space<hbm>> -> memref<1024xi32, #tpu.memory_space<hbm>>
      %dma_start3A_270 = tpu.memref_slice %arg2[%mul3A_2] : memref<32768xi32, #tpu.memory_space<hbm>> -> memref<1024xi32, #tpu.memory_space<hbm>>
      tpu.enqueue_dma source(%dma_start3A_270 : memref<1024xi32, #tpu.memory_space<hbm>>) target(%arg5 : memref<1024xi32, #tpu.memory_space<vmem>>) target_semaphore(%run_scoped3A : memref<!tpu.dma_semaphore, #tpu.memory_space<semaphore_mem>>)
      %dma_wait3A_271 = tpu.memref_slice %arg2[%mul3A_2] : memref<32768xi32, #tpu.memory_space<hbm>> -> memref<1024xi32, #tpu.memory_space<hbm>>
      %dma_wait3A_272 = tpu.memref_slice %arg2[%mul3A_2] : memref<32768xi32, #tpu.memory_space<hbm>> -> memref<1024xi32, #tpu.memory_space<hbm>>
      tpu.wait_dma2 semaphore(%run_scoped3A : memref<!tpu.dma_semaphore, #tpu.memory_space<semaphore_mem>>) src(%dma_wait3A_272 : memref<1024xi32, #tpu.memory_space<hbm>>) dst(%arg5 : memref<1024xi32, #tpu.memory_space<vmem>>)
      tpu.yield
    }) : () -> ()
    %multiple_of3A = arith.constant 0 : i32
    %multiple_of3A_3 = tpu.assume_multiple %multiple_of3A, 8 : i32
    %get3A = arith.index_cast %multiple_of3A_3 : i32 to index
    %get3A_4 = tpu.vector_load %arg5[%get3A] {strides = array<i32>} : memref<1024xi32, #tpu.memory_space<vmem>>, vector<16xi32>,
    %get3A_5 = vector.shape_cast %get3A_4 : vector<16xi32> to vector<16xi32>
    %dma_start3A = arith.constant 0 : i32
    %dma_start3A_6 = arith.constant 0 : i32
    %dma_start3A_7 = tpu.memref_slice %arg3[%dma_start3A, %dma_start3A_6] : memref<100000x1024xf32, #tpu.memory_space<hbm>> -> memref<100000x1024xf32, #tpu.memory_space<hbm>>
    tpu.enqueue_indirect_dma source(%dma_start3A_7 : memref<100000x1024xf32, #tpu.memory_space<hbm>>) target(%arg6 : memref<16x1024xf32, #tpu.memory_space<vmem>>) offsets(%get3A_5 : vector<16xi32>) semaphore(%arg10 : memref<!tpu.dma_semaphore, #tpu.memory_space<semaphore_mem>>)
    %multiple_of3A_8 = arith.constant 16 : i32
    %multiple_of3A_9 = tpu.assume_multiple %multiple_of3A_8, 8 : i32
    %get3A_10 = arith.index_cast %multiple_of3A_9 : i32 to index
    %get3A_11 = tpu.vector_load %arg5[%get3A_10] {strides = array<i32>} : memref<1024xi32, #tpu.memory_space<vmem>>, vector<16xi32>,
    %get3A_12 = vector.shape_cast %get3A_11 : vector<16xi32> to vector<16xi32>
    %dma_start3A_13 = arith.constant 0 : i32
    %dma_start3A_14 = arith.constant 0 : i32
    %dma_start3A_15 = tpu.memref_slice %arg3[%dma_start3A_13, %dma_start3A_14] : memref<100000x1024xf32, #tpu.memory_space<hbm>> -> memref<100000x1024xf32, #tpu.memory_space<hbm>>
    tpu.enqueue_indirect_dma source(%dma_start3A_15 : memref<100000x1024xf32, #tpu.memory_space<hbm>>) target(%arg7 : memref<16x1024xf32, #tpu.memory_space<vmem>>) offsets(%get3A_12 : vector<16xi32>) semaphore(%arg10 : memref<!tpu.dma_semaphore, #tpu.memory_space<semaphore_mem>>)
    %multiple_of3A_16 = arith.constant 32 : i32
    %multiple_of3A_17 = tpu.assume_multiple %multiple_of3A_16, 8 : i32
    %get3A_18 = arith.index_cast %multiple_of3A_17 : i32 to index
    %get3A_19 = tpu.vector_load %arg5[%get3A_18] {strides = array<i32>} : memref<1024xi32, #tpu.memory_space<vmem>>, vector<16xi32>,
    %get3A_20 = vector.shape_cast %get3A_19 : vector<16xi32> to vector<16xi32>
    %dma_start3A_21 = arith.constant 0 : i32
    %dma_start3A_22 = arith.constant 0 : i32
    %dma_start3A_23 = tpu.memref_slice %arg3[%dma_start3A_21, %dma_start3A_22] : memref<100000x1024xf32, #tpu.memory_space<hbm>> -> memref<100000x1024xf32, #tpu.memory_space<hbm>>
    tpu.enqueue_indirect_dma source(%dma_start3A_23 : memref<100000x1024xf32, #tpu.memory_space<hbm>>) target(%arg8 : memref<16x1024xf32, #tpu.memory_space<vmem>>) offsets(%get3A_20 : vector<16xi32>) semaphore(%arg10 : memref<!tpu.dma_semaphore, #tpu.memory_space<semaphore_mem>>)
    %dma_wait3A = arith.constant 0 : i32
    %dma_wait3A_24 = arith.constant 0 : i32
    %dma_wait3A_25 = tpu.memref_slice %arg4[%dma_wait3A, %dma_wait3A_24] : memref<32768x1024xf32, #tpu.memory_space<hbm>> -> memref<16x1024xf32, #tpu.memory_space<hbm>>
    %dma_wait3A_26 = arith.constant 0 : i32
    %dma_wait3A_27 = arith.constant 0 : i32
    %dma_wait3A_28 = tpu.memref_slice %arg4[%dma_wait3A_26, %dma_wait3A_27] : memref<32768x1024xf32, #tpu.memory_space<hbm>> -> memref<16x1024xf32, #tpu.memory_space<hbm>>
    tpu.wait_dma2 semaphore(%arg10 : memref<!tpu.dma_semaphore, #tpu.memory_space<semaphore_mem>>) src(%dma_wait3A_28 : memref<16x1024xf32, #tpu.memory_space<hbm>>) dst(%arg6 : memref<16x1024xf32, #tpu.memory_space<vmem>>)
    %scan3A = arith.constant 0 : i32
    %scan3A_29 = arith.constant 0 : i32
    %scan3A_30 = arith.constant 128 : i32
    %scan3A_31 = arith.addi %scan3A_29, %scan3A_30 : i32
    %scan3A_32 = arith.constant 1 : i32
    %scan3A_33 = scf.for %scan3A_269 = %scan3A_29 to %scan3A_31 step %scan3A_32 iter_args(%scan3A_270 = %scan3A) -> (i32)  : i32 {
      %shift_right_arithmetic3A = arith.constant 3 : i32
      %shift_right_arithmetic3A_271 = arith.shrsi %scan3A_269, %shift_right_arithmetic3A : i32
      %and3A = arith.constant 7 : i32
      %and3A_272 = arith.andi %scan3A_269, %and3A : i32
      %mul3A_273 = arith.constant 128 : i32
      %mul3A_274 = arith.muli %and3A_272, %mul3A_273 : i32
      %add3A_275 = arith.constant 0 : i32
      %add3A_276 = arith.addi %mul3A_274, %add3A_275 : i32
      %get3A_277 = arith.index_cast %shift_right_arithmetic3A_271 : i32 to index
      %get3A_278 = arith.index_cast %add3A_276 : i32 to index
      %get3A_279 = tpu.vector_load %arg6[%get3A_277, %get3A_278] {strides = array<i32>} : memref<16x1024xf32, #tpu.memory_space<vmem>>, vector<1x16xf32>,
      %get3A_280 = vector.shape_cast %get3A_279 : vector<1x16xf32> to vector<16xf32>
      %mul3A_281 = arith.constant 3.200000e+01 : f32
      %mul3A_282 = vector.broadcast %mul3A_281 : f32 to vector<16xf32>
      %mul3A_283 = arith.mulf %get3A_280, %mul3A_282 : vector<16xf32>
      %swap3A = arith.index_cast %shift_right_arithmetic3A_271 : i32 to index
      %swap3A_284 = arith.index_cast %add3A_276 : i32 to index
      %swap3A_285 = tpu.vector_load %arg6[%swap3A, %swap3A_284] {strides = array<i32>} : memref<16x1024xf32, #tpu.memory_space<vmem>>, vector<1x16xf32>,
      %swap3A_286 = vector.shape_cast %swap3A_285 : vector<1x16xf32> to vector<16xf32>
      %swap3A_287 = vector.shape_cast %mul3A_283 : vector<16xf32> to vector<1x16xf32>
      tpu.vector_store %arg6[%swap3A, %swap3A_284], %swap3A_287 {strides = array<i32>} : memref<16x1024xf32, #tpu.memory_space<vmem>>, vector<1x16xf32>,
      %add3A_288 = arith.constant 16 : i32
      %add3A_289 = arith.addi %mul3A_274, %add3A_288 : i32
      %get3A_290 = arith.index_cast %shift_right_arithmetic3A_271 : i32 to index
      %get3A_291 = arith.index_cast %add3A_289 : i32 to index
      %get3A_292 = tpu.vector_load %arg6[%get3A_290, %get3A_291] {strides = array<i32>} : memref<16x1024xf32, #tpu.memory_space<vmem>>, vector<1x16xf32>,
      %get3A_293 = vector.shape_cast %get3A_292 : vector<1x16xf32> to vector<16xf32>
      %mul3A_294 = arith.constant 3.200000e+01 : f32
      %mul3A_295 = vector.broadcast %mul3A_294 : f32 to vector<16xf32>
      %mul3A_296 = arith.mulf %get3A_293, %mul3A_295 : vector<16xf32>
      %swap3A_297 = arith.index_cast %shift_right_arithmetic3A_271 : i32 to index
      %swap3A_298 = arith.index_cast %add3A_289 : i32 to index
      %swap3A_299 = tpu.vector_load %arg6[%swap3A_297, %swap3A_298] {strides = array<i32>} : memref<16x1024xf32, #tpu.memory_space<vmem>>, vector<1x16xf32>,
      %swap3A_300 = vector.shape_cast %swap3A_299 : vector<1x16xf32> to vector<16xf32>
      %swap3A_301 = vector.shape_cast %mul3A_296 : vector<16xf32> to vector<1x16xf32>
      tpu.vector_store %arg6[%swap3A_297, %swap3A_298], %swap3A_301 {strides = array<i32>} : memref<16x1024xf32, #tpu.memory_space<vmem>>, vector<1x16xf32>,
      %add3A_302 = arith.constant 32 : i32
      %add3A_303 = arith.addi %mul3A_274, %add3A_302 : i32
      %get3A_304 = arith.index_cast %shift_right_arithmetic3A_271 : i32 to index
      %get3A_305 = arith.index_cast %add3A_303 : i32 to index
      %get3A_306 = tpu.vector_load %arg6[%get3A_304, %get3A_305] {strides = array<i32>} : memref<16x1024xf32, #tpu.memory_space<vmem>>, vector<1x16xf32>,
      %get3A_307 = vector.shape_cast %get3A_306 : vector<1x16xf32> to vector<16xf32>
      %mul3A_308 = arith.constant 3.200000e+01 : f32
      %mul3A_309 = vector.broadcast %mul3A_308 : f32 to vector<16xf32>
      %mul3A_310 = arith.mulf %get3A_307, %mul3A_309 : vector<16xf32>
      %swap3A_311 = arith.index_cast %shift_right_arithmetic3A_271 : i32 to index
      %swap3A_312 = arith.index_cast %add3A_303 : i32 to index
      %swap3A_313 = tpu.vector_load %arg6[%swap3A_311, %swap3A_312] {strides = array<i32>} : memref<16x1024xf32, #tpu.memory_space<vmem>>, vector<1x16xf32>,
      %swap3A_314 = vector.shape_cast %swap3A_313 : vector<1x16xf32> to vector<16xf32>
      %swap3A_315 = vector.shape_cast %mul3A_310 : vector<16xf32> to vector<1x16xf32>
      tpu.vector_store %arg6[%swap3A_311, %swap3A_312], %swap3A_315 {strides = array<i32>} : memref<16x1024xf32, #tpu.memory_space<vmem>>, vector<1x16xf32>,
      %add3A_316 = arith.constant 48 : i32
      %add3A_317 = arith.addi %mul3A_274, %add3A_316 : i32
      %get3A_318 = arith.index_cast %shift_right_arithmetic3A_271 : i32 to index
      %get3A_319 = arith.index_cast %add3A_317 : i32 to index
      %get3A_320 = tpu.vector_load %arg6[%get3A_318, %get3A_319] {strides = array<i32>} : memref<16x1024xf32, #tpu.memory_space<vmem>>, vector<1x16xf32>,
      %get3A_321 = vector.shape_cast %get3A_320 : vector<1x16xf32> to vector<16xf32>
      %mul3A_322 = arith.constant 3.200000e+01 : f32
      %mul3A_323 = vector.broadcast %mul3A_322 : f32 to vector<16xf32>
      %mul3A_324 = arith.mulf %get3A_321, %mul3A_323 : vector<16xf32>
      %swap3A_325 = arith.index_cast %shift_right_arithmetic3A_271 : i32 to index
      %swap3A_326 = arith.index_cast %add3A_317 : i32 to index
      %swap3A_327 = tpu.vector_load %arg6[%swap3A_325, %swap3A_326] {strides = array<i32>} : memref<16x1024xf32, #tpu.memory_space<vmem>>, vector<1x16xf32>,
      %swap3A_328 = vector.shape_cast %swap3A_327 : vector<1x16xf32> to vector<16xf32>
      %swap3A_329 = vector.shape_cast %mul3A_324 : vector<16xf32> to vector<1x16xf32>
      tpu.vector_store %arg6[%swap3A_325, %swap3A_326], %swap3A_329 {strides = array<i32>} : memref<16x1024xf32, #tpu.memory_space<vmem>>, vector<1x16xf32>,
      %add3A_330 = arith.constant 64 : i32
      %add3A_331 = arith.addi %mul3A_274, %add3A_330 : i32
      %get3A_332 = arith.index_cast %shift_right_arithmetic3A_271 : i32 to index
      %get3A_333 = arith.index_cast %add3A_331 : i32 to index
      %get3A_334 = tpu.vector_load %arg6[%get3A_332, %get3A_333] {strides = array<i32>} : memref<16x1024xf32, #tpu.memory_space<vmem>>, vector<1x16xf32>,
      %get3A_335 = vector.shape_cast %get3A_334 : vector<1x16xf32> to vector<16xf32>
      %mul3A_336 = arith.constant 3.200000e+01 : f32
      %mul3A_337 = vector.broadcast %mul3A_336 : f32 to vector<16xf32>
      %mul3A_338 = arith.mulf %get3A_335, %mul3A_337 : vector<16xf32>
      %swap3A_339 = arith.index_cast %shift_right_arithmetic3A_271 : i32 to index
      %swap3A_340 = arith.index_cast %add3A_331 : i32 to index
      %swap3A_341 = tpu.vector_load %arg6[%swap3A_339, %swap3A_340] {strides = array<i32>} : memref<16x1024xf32, #tpu.memory_space<vmem>>, vector<1x16xf32>,
      %swap3A_342 = vector.shape_cast %swap3A_341 : vector<1x16xf32> to vector<16xf32>
      %swap3A_343 = vector.shape_cast %mul3A_338 : vector<16xf32> to vector<1x16xf32>
      tpu.vector_store %arg6[%swap3A_339, %swap3A_340], %swap3A_343 {strides = array<i32>} : memref<16x1024xf32, #tpu.memory_space<vmem>>, vector<1x16xf32>,
      %add3A_344 = arith.constant 80 : i32
      %add3A_345 = arith.addi %mul3A_274, %add3A_344 : i32
      %get3A_346 = arith.index_cast %shift_right_arithmetic3A_271 : i32 to index
      %get3A_347 = arith.index_cast %add3A_345 : i32 to index
      %get3A_348 = tpu.vector_load %arg6[%get3A_346, %get3A_347] {strides = array<i32>} : memref<16x1024xf32, #tpu.memory_space<vmem>>, vector<1x16xf32>,
      %get3A_349 = vector.shape_cast %get3A_348 : vector<1x16xf32> to vector<16xf32>
      %mul3A_350 = arith.constant 3.200000e+01 : f32
      %mul3A_351 = vector.broadcast %mul3A_350 : f32 to vector<16xf32>
      %mul3A_352 = arith.mulf %get3A_349, %mul3A_351 : vector<16xf32>
      %swap3A_353 = arith.index_cast %shift_right_arithmetic3A_271 : i32 to index
      %swap3A_354 = arith.index_cast %add3A_345 : i32 to index
      %swap3A_355 = tpu.vector_load %arg6[%swap3A_353, %swap3A_354] {strides = array<i32>} : memref<16x1024xf32, #tpu.memory_space<vmem>>, vector<1x16xf32>,
      %swap3A_356 = vector.shape_cast %swap3A_355 : vector<1x16xf32> to vector<16xf32>
      %swap3A_357 = vector.shape_cast %mul3A_352 : vector<16xf32> to vector<1x16xf32>
      tpu.vector_store %arg6[%swap3A_353, %swap3A_354], %swap3A_357 {strides = array<i32>} : memref<16x1024xf32, #tpu.memory_space<vmem>>, vector<1x16xf32>,
      %add3A_358 = arith.constant 96 : i32
      %add3A_359 = arith.addi %mul3A_274, %add3A_358 : i32
      %get3A_360 = arith.index_cast %shift_right_arithmetic3A_271 : i32 to index
      %get3A_361 = arith.index_cast %add3A_359 : i32 to index
      %get3A_362 = tpu.vector_load %arg6[%get3A_360, %get3A_361] {strides = array<i32>} : memref<16x1024xf32, #tpu.memory_space<vmem>>, vector<1x16xf32>,
      %get3A_363 = vector.shape_cast %get3A_362 : vector<1x16xf32> to vector<16xf32>
      %mul3A_364 = arith.constant 3.200000e+01 : f32
      %mul3A_365 = vector.broadcast %mul3A_364 : f32 to vector<16xf32>
      %mul3A_366 = arith.mulf %get3A_363, %mul3A_365 : vector<16xf32>
      %swap3A_367 = arith.index_cast %shift_right_arithmetic3A_271 : i32 to index
      %swap3A_368 = arith.index_cast %add3A_359 : i32 to index
      %swap3A_369 = tpu.vector_load %arg6[%swap3A_367, %swap3A_368] {strides = array<i32>} : memref<16x1024xf32, #tpu.memory_space<vmem>>, vector<1x16xf32>,
      %swap3A_370 = vector.shape_cast %swap3A_369 : vector<1x16xf32> to vector<16xf32>
      %swap3A_371 = vector.shape_cast %mul3A_366 : vector<16xf32> to vector<1x16xf32>
      tpu.vector_store %arg6[%swap3A_367, %swap3A_368], %swap3A_371 {strides = array<i32>} : memref<16x1024xf32, #tpu.memory_space<vmem>>, vector<1x16xf32>,
      %add3A_372 = arith.constant 112 : i32
      %add3A_373 = arith.addi %mul3A_274, %add3A_372 : i32
      %get3A_374 = arith.index_cast %shift_right_arithmetic3A_271 : i32 to index
      %get3A_375 = arith.index_cast %add3A_373 : i32 to index
      %get3A_376 = tpu.vector_load %arg6[%get3A_374, %get3A_375] {strides = array<i32>} : memref<16x1024xf32, #tpu.memory_space<vmem>>, vector<1x16xf32>,
      %get3A_377 = vector.shape_cast %get3A_376 : vector<1x16xf32> to vector<16xf32>
      %mul3A_378 = arith.constant 3.200000e+01 : f32
      %mul3A_379 = vector.broadcast %mul3A_378 : f32 to vector<16xf32>
      %mul3A_380 = arith.mulf %get3A_377, %mul3A_379 : vector<16xf32>
      %swap3A_381 = arith.index_cast %shift_right_arithmetic3A_271 : i32 to index
      %swap3A_382 = arith.index_cast %add3A_373 : i32 to index
      %swap3A_383 = tpu.vector_load %arg6[%swap3A_381, %swap3A_382] {strides = array<i32>} : memref<16x1024xf32, #tpu.memory_space<vmem>>, vector<1x16xf32>,
      %swap3A_384 = vector.shape_cast %swap3A_383 : vector<1x16xf32> to vector<16xf32>
      %swap3A_385 = vector.shape_cast %mul3A_380 : vector<16xf32> to vector<1x16xf32>
      tpu.vector_store %arg6[%swap3A_381, %swap3A_382], %swap3A_385 {strides = array<i32>} : memref<16x1024xf32, #tpu.memory_space<vmem>>, vector<1x16xf32>,
      %scan3A_386 = arith.constant 0 : i32
      scf.yield %scan3A_386 : i32
    }
    %scan3A_34 = arith.constant 128 : i32
    %multiple_of3A_35 = arith.constant 48 : i32
    %multiple_of3A_36 = tpu.assume_multiple %multiple_of3A_35, 8 : i32
    %get3A_37 = arith.index_cast %multiple_of3A_36 : i32 to index
    %get3A_38 = tpu.vector_load %arg5[%get3A_37] {strides = array<i32>} : memref<1024xi32, #tpu.memory_space<vmem>>, vector<16xi32>,
    %get3A_39 = vector.shape_cast %get3A_38 : vector<16xi32> to vector<16xi32>
    %dma_start3A_40 = arith.constant 0 : i32
    %dma_start3A_41 = arith.constant 0 : i32
    %dma_start3A_42 = tpu.memref_slice %arg3[%dma_start3A_40, %dma_start3A_41] : memref<100000x1024xf32, #tpu.memory_space<hbm>> -> memref<100000x1024xf32, #tpu.memory_space<hbm>>
    tpu.enqueue_indirect_dma source(%dma_start3A_42 : memref<100000x1024xf32, #tpu.memory_space<hbm>>) target(%arg9 : memref<16x1024xf32, #tpu.memory_space<vmem>>) offsets(%get3A_39 : vector<16xi32>) semaphore(%arg10 : memref<!tpu.dma_semaphore, #tpu.memory_space<semaphore_mem>>)
    %add3A_43 = arith.constant 0 : i32
    %add3A_44 = arith.addi %mul3A_2, %add3A_43 : i32
    %dma_start3A_45 = arith.constant 0 : i32
    %dma_start3A_46 = tpu.memref_slice %arg4[%add3A_44, %dma_start3A_45] : memref<32768x1024xf32, #tpu.memory_space<hbm>> -> memref<16x1024xf32, #tpu.memory_space<hbm>>
    %dma_start3A_47 = arith.constant 0 : i32
    %dma_start3A_48 = tpu.memref_slice %arg4[%add3A_44, %dma_start3A_47] : memref<32768x1024xf32, #tpu.memory_space<hbm>> -> memref<16x1024xf32, #tpu.memory_space<hbm>>
    tpu.enqueue_dma source(%arg6 : memref<16x1024xf32, #tpu.memory_space<vmem>>) target(%dma_start3A_48 : memref<16x1024xf32, #tpu.memory_space<hbm>>) target_semaphore(%arg11 : memref<!tpu.dma_semaphore, #tpu.memory_space<semaphore_mem>>)
    %dma_wait3A_49 = arith.constant 0 : i32
    %dma_wait3A_50 = arith.constant 0 : i32
    %dma_wait3A_51 = tpu.memref_slice %arg4[%dma_wait3A_49, %dma_wait3A_50] : memref<32768x1024xf32, #tpu.memory_space<hbm>> -> memref<16x1024xf32, #tpu.memory_space<hbm>>
    %dma_wait3A_52 = arith.constant 0 : i32
    %dma_wait3A_53 = arith.constant 0 : i32
    %dma_wait3A_54 = tpu.memref_slice %arg4[%dma_wait3A_52, %dma_wait3A_53] : memref<32768x1024xf32, #tpu.memory_space<hbm>> -> memref<16x1024xf32, #tpu.memory_space<hbm>>
    tpu.wait_dma2 semaphore(%arg10 : memref<!tpu.dma_semaphore, #tpu.memory_space<semaphore_mem>>) src(%dma_wait3A_54 : memref<16x1024xf32, #tpu.memory_space<hbm>>) dst(%arg7 : memref<16x1024xf32, #tpu.memory_space<vmem>>)
    %scan3A_55 = arith.constant 0 : i32
    %scan3A_56 = arith.constant 0 : i32
    %scan3A_57 = arith.constant 128 : i32
    %scan3A_58 = arith.addi %scan3A_56, %scan3A_57 : i32
    %scan3A_59 = arith.constant 1 : i32
    %scan3A_60 = scf.for %scan3A_269 = %scan3A_56 to %scan3A_58 step %scan3A_59 iter_args(%scan3A_270 = %scan3A_55) -> (i32)  : i32 {
      %shift_right_arithmetic3A = arith.constant 3 : i32
      %shift_right_arithmetic3A_271 = arith.shrsi %scan3A_269, %shift_right_arithmetic3A : i32
      %and3A = arith.constant 7 : i32
      %and3A_272 = arith.andi %scan3A_269, %and3A : i32
      %mul3A_273 = arith.constant 128 : i32
      %mul3A_274 = arith.muli %and3A_272, %mul3A_273 : i32
      %add3A_275 = arith.constant 0 : i32
      %add3A_276 = arith.addi %mul3A_274, %add3A_275 : i32
      %get3A_277 = arith.index_cast %shift_right_arithmetic3A_271 : i32 to index
      %get3A_278 = arith.index_cast %add3A_276 : i32 to index
      %get3A_279 = tpu.vector_load %arg7[%get3A_277, %get3A_278] {strides = array<i32>} : memref<16x1024xf32, #tpu.memory_space<vmem>>, vector<1x16xf32>,
      %get3A_280 = vector.shape_cast %get3A_279 : vector<1x16xf32> to vector<16xf32>
      %mul3A_281 = arith.constant 3.200000e+01 : f32
      %mul3A_282 = vector.broadcast %mul3A_281 : f32 to vector<16xf32>
      %mul3A_283 = arith.mulf %get3A_280, %mul3A_282 : vector<16xf32>
      %swap3A = arith.index_cast %shift_right_arithmetic3A_271 : i32 to index
      %swap3A_284 = arith.index_cast %add3A_276 : i32 to index
      %swap3A_285 = tpu.vector_load %arg7[%swap3A, %swap3A_284] {strides = array<i32>} : memref<16x1024xf32, #tpu.memory_space<vmem>>, vector<1x16xf32>,
      %swap3A_286 = vector.shape_cast %swap3A_285 : vector<1x16xf32> to vector<16xf32>
      %swap3A_287 = vector.shape_cast %mul3A_283 : vector<16xf32> to vector<1x16xf32>
      tpu.vector_store %arg7[%swap3A, %swap3A_284], %swap3A_287 {strides = array<i32>} : memref<16x1024xf32, #tpu.memory_space<vmem>>, vector<1x16xf32>,
      %add3A_288 = arith.constant 16 : i32
      %add3A_289 = arith.addi %mul3A_274, %add3A_288 : i32
      %get3A_290 = arith.index_cast %shift_right_arithmetic3A_271 : i32 to index
      %get3A_291 = arith.index_cast %add3A_289 : i32 to index
      %get3A_292 = tpu.vector_load %arg7[%get3A_290, %get3A_291] {strides = array<i32>} : memref<16x1024xf32, #tpu.memory_space<vmem>>, vector<1x16xf32>,
      %get3A_293 = vector.shape_cast %get3A_292 : vector<1x16xf32> to vector<16xf32>
      %mul3A_294 = arith.constant 3.200000e+01 : f32
      %mul3A_295 = vector.broadcast %mul3A_294 : f32 to vector<16xf32>
      %mul3A_296 = arith.mulf %get3A_293, %mul3A_295 : vector<16xf32>
      %swap3A_297 = arith.index_cast %shift_right_arithmetic3A_271 : i32 to index
      %swap3A_298 = arith.index_cast %add3A_289 : i32 to index
      %swap3A_299 = tpu.vector_load %arg7[%swap3A_297, %swap3A_298] {strides = array<i32>} : memref<16x1024xf32, #tpu.memory_space<vmem>>, vector<1x16xf32>,
      %swap3A_300 = vector.shape_cast %swap3A_299 : vector<1x16xf32> to vector<16xf32>
      %swap3A_301 = vector.shape_cast %mul3A_296 : vector<16xf32> to vector<1x16xf32>
      tpu.vector_store %arg7[%swap3A_297, %swap3A_298], %swap3A_301 {strides = array<i32>} : memref<16x1024xf32, #tpu.memory_space<vmem>>, vector<1x16xf32>,
      %add3A_302 = arith.constant 32 : i32
      %add3A_303 = arith.addi %mul3A_274, %add3A_302 : i32
      %get3A_304 = arith.index_cast %shift_right_arithmetic3A_271 : i32 to index
      %get3A_305 = arith.index_cast %add3A_303 : i32 to index
      %get3A_306 = tpu.vector_load %arg7[%get3A_304, %get3A_305] {strides = array<i32>} : memref<16x1024xf32, #tpu.memory_space<vmem>>, vector<1x16xf32>,
      %get3A_307 = vector.shape_cast %get3A_306 : vector<1x16xf32> to vector<16xf32>
      %mul3A_308 = arith.constant 3.200000e+01 : f32
      %mul3A_309 = vector.broadcast %mul3A_308 : f32 to vector<16xf32>
      %mul3A_310 = arith.mulf %get3A_307, %mul3A_309 : vector<16xf32>
      %swap3A_311 = arith.index_cast %shift_right_arithmetic3A_271 : i32 to index
      %swap3A_312 = arith.index_cast %add3A_303 : i32 to index
      %swap3A_313 = tpu.vector_load %arg7[%swap3A_311, %swap3A_312] {strides = array<i32>} : memref<16x1024xf32, #tpu.memory_space<vmem>>, vector<1x16xf32>,
      %swap3A_314 = vector.shape_cast %swap3A_313 : vector<1x16xf32> to vector<16xf32>
      %swap3A_315 = vector.shape_cast %mul3A_310 : vector<16xf32> to vector<1x16xf32>
      tpu.vector_store %arg7[%swap3A_311, %swap3A_312], %swap3A_315 {strides = array<i32>} : memref<16x1024xf32, #tpu.memory_space<vmem>>, vector<1x16xf32>,
      %add3A_316 = arith.constant 48 : i32
      %add3A_317 = arith.addi %mul3A_274, %add3A_316 : i32
      %get3A_318 = arith.index_cast %shift_right_arithmetic3A_271 : i32 to index
      %get3A_319 = arith.index_cast %add3A_317 : i32 to index
      %get3A_320 = tpu.vector_load %arg7[%get3A_318, %get3A_319] {strides = array<i32>} : memref<16x1024xf32, #tpu.memory_space<vmem>>, vector<1x16xf32>,
      %get3A_321 = vector.shape_cast %get3A_320 : vector<1x16xf32> to vector<16xf32>
      %mul3A_322 = arith.constant 3.200000e+01 : f32
      %mul3A_323 = vector.broadcast %mul3A_322 : f32 to vector<16xf32>
      %mul3A_324 = arith.mulf %get3A_321, %mul3A_323 : vector<16xf32>
      %swap3A_325 = arith.index_cast %shift_right_arithmetic3A_271 : i32 to index
      %swap3A_326 = arith.index_cast %add3A_317 : i32 to index
      %swap3A_327 = tpu.vector_load %arg7[%swap3A_325, %swap3A_326] {strides = array<i32>} : memref<16x1024xf32, #tpu.memory_space<vmem>>, vector<1x16xf32>,
      %swap3A_328 = vector.shape_cast %swap3A_327 : vector<1x16xf32> to vector<16xf32>
      %swap3A_329 = vector.shape_cast %mul3A_324 : vector<16xf32> to vector<1x16xf32>
      tpu.vector_store %arg7[%swap3A_325, %swap3A_326], %swap3A_329 {strides = array<i32>} : memref<16x1024xf32, #tpu.memory_space<vmem>>, vector<1x16xf32>,
      %add3A_330 = arith.constant 64 : i32
      %add3A_331 = arith.addi %mul3A_274, %add3A_330 : i32
      %get3A_332 = arith.index_cast %shift_right_arithmetic3A_271 : i32 to index
      %get3A_333 = arith.index_cast %add3A_331 : i32 to index
      %get3A_334 = tpu.vector_load %arg7[%get3A_332, %get3A_333] {strides = array<i32>} : memref<16x1024xf32, #tpu.memory_space<vmem>>, vector<1x16xf32>,
      %get3A_335 = vector.shape_cast %get3A_334 : vector<1x16xf32> to vector<16xf32>
      %mul3A_336 = arith.constant 3.200000e+01 : f32
      %mul3A_337 = vector.broadcast %mul3A_336 : f32 to vector<16xf32>
      %mul3A_338 = arith.mulf %get3A_335, %mul3A_337 : vector<16xf32>
      %swap3A_339 = arith.index_cast %shift_right_arithmetic3A_271 : i32 to index
      %swap3A_340 = arith.index_cast %add3A_331 : i32 to index
      %swap3A_341 = tpu.vector_load %arg7[%swap3A_339, %swap3A_340] {strides = array<i32>} : memref<16x1024xf32, #tpu.memory_space<vmem>>, vector<1x16xf32>,
      %swap3A_342 = vector.shape_cast %swap3A_341 : vector<1x16xf32> to vector<16xf32>
      %swap3A_343 = vector.shape_cast %mul3A_338 : vector<16xf32> to vector<1x16xf32>
      tpu.vector_store %arg7[%swap3A_339, %swap3A_340], %swap3A_343 {strides = array<i32>} : memref<16x1024xf32, #tpu.memory_space<vmem>>, vector<1x16xf32>,
      %add3A_344 = arith.constant 80 : i32
      %add3A_345 = arith.addi %mul3A_274, %add3A_344 : i32
      %get3A_346 = arith.index_cast %shift_right_arithmetic3A_271 : i32 to index
      %get3A_347 = arith.index_cast %add3A_345 : i32 to index
      %get3A_348 = tpu.vector_load %arg7[%get3A_346, %get3A_347] {strides = array<i32>} : memref<16x1024xf32, #tpu.memory_space<vmem>>, vector<1x16xf32>,
      %get3A_349 = vector.shape_cast %get3A_348 : vector<1x16xf32> to vector<16xf32>
      %mul3A_350 = arith.constant 3.200000e+01 : f32
      %mul3A_351 = vector.broadcast %mul3A_350 : f32 to vector<16xf32>
      %mul3A_352 = arith.mulf %get3A_349, %mul3A_351 : vector<16xf32>
      %swap3A_353 = arith.index_cast %shift_right_arithmetic3A_271 : i32 to index
      %swap3A_354 = arith.index_cast %add3A_345 : i32 to index
      %swap3A_355 = tpu.vector_load %arg7[%swap3A_353, %swap3A_354] {strides = array<i32>} : memref<16x1024xf32, #tpu.memory_space<vmem>>, vector<1x16xf32>,
      %swap3A_356 = vector.shape_cast %swap3A_355 : vector<1x16xf32> to vector<16xf32>
      %swap3A_357 = vector.shape_cast %mul3A_352 : vector<16xf32> to vector<1x16xf32>
      tpu.vector_store %arg7[%swap3A_353, %swap3A_354], %swap3A_357 {strides = array<i32>} : memref<16x1024xf32, #tpu.memory_space<vmem>>, vector<1x16xf32>,
      %add3A_358 = arith.constant 96 : i32
      %add3A_359 = arith.addi %mul3A_274, %add3A_358 : i32
      %get3A_360 = arith.index_cast %shift_right_arithmetic3A_271 : i32 to index
      %get3A_361 = arith.index_cast %add3A_359 : i32 to index
      %get3A_362 = tpu.vector_load %arg7[%get3A_360, %get3A_361] {strides = array<i32>} : memref<16x1024xf32, #tpu.memory_space<vmem>>, vector<1x16xf32>,
      %get3A_363 = vector.shape_cast %get3A_362 : vector<1x16xf32> to vector<16xf32>
      %mul3A_364 = arith.constant 3.200000e+01 : f32
      %mul3A_365 = vector.broadcast %mul3A_364 : f32 to vector<16xf32>
      %mul3A_366 = arith.mulf %get3A_363, %mul3A_365 : vector<16xf32>
      %swap3A_367 = arith.index_cast %shift_right_arithmetic3A_271 : i32 to index
      %swap3A_368 = arith.index_cast %add3A_359 : i32 to index
      %swap3A_369 = tpu.vector_load %arg7[%swap3A_367, %swap3A_368] {strides = array<i32>} : memref<16x1024xf32, #tpu.memory_space<vmem>>, vector<1x16xf32>,
      %swap3A_370 = vector.shape_cast %swap3A_369 : vector<1x16xf32> to vector<16xf32>
      %swap3A_371 = vector.shape_cast %mul3A_366 : vector<16xf32> to vector<1x16xf32>
      tpu.vector_store %arg7[%swap3A_367, %swap3A_368], %swap3A_371 {strides = array<i32>} : memref<16x1024xf32, #tpu.memory_space<vmem>>, vector<1x16xf32>,
      %add3A_372 = arith.constant 112 : i32
      %add3A_373 = arith.addi %mul3A_274, %add3A_372 : i32
      %get3A_374 = arith.index_cast %shift_right_arithmetic3A_271 : i32 to index
      %get3A_375 = arith.index_cast %add3A_373 : i32 to index
      %get3A_376 = tpu.vector_load %arg7[%get3A_374, %get3A_375] {strides = array<i32>} : memref<16x1024xf32, #tpu.memory_space<vmem>>, vector<1x16xf32>,
      %get3A_377 = vector.shape_cast %get3A_376 : vector<1x16xf32> to vector<16xf32>
      %mul3A_378 = arith.constant 3.200000e+01 : f32
      %mul3A_379 = vector.broadcast %mul3A_378 : f32 to vector<16xf32>
      %mul3A_380 = arith.mulf %get3A_377, %mul3A_379 : vector<16xf32>
      %swap3A_381 = arith.index_cast %shift_right_arithmetic3A_271 : i32 to index
      %swap3A_382 = arith.index_cast %add3A_373 : i32 to index
      %swap3A_383 = tpu.vector_load %arg7[%swap3A_381, %swap3A_382] {strides = array<i32>} : memref<16x1024xf32, #tpu.memory_space<vmem>>, vector<1x16xf32>,
      %swap3A_384 = vector.shape_cast %swap3A_383 : vector<1x16xf32> to vector<16xf32>
      %swap3A_385 = vector.shape_cast %mul3A_380 : vector<16xf32> to vector<1x16xf32>
      tpu.vector_store %arg7[%swap3A_381, %swap3A_382], %swap3A_385 {strides = array<i32>} : memref<16x1024xf32, #tpu.memory_space<vmem>>, vector<1x16xf32>,
      %scan3A_386 = arith.constant 0 : i32
      scf.yield %scan3A_386 : i32
    }
    %scan3A_61 = arith.constant 128 : i32
    %dma_wait3A_62 = arith.constant 0 : i32
    %dma_wait3A_63 = arith.constant 0 : i32
    %dma_wait3A_64 = tpu.memref_slice %arg4[%dma_wait3A_62, %dma_wait3A_63] : memref<32768x1024xf32, #tpu.memory_space<hbm>> -> memref<16x1024xf32, #tpu.memory_space<hbm>>
    %dma_wait3A_65 = arith.constant 0 : i32
    %dma_wait3A_66 = arith.constant 0 : i32
    %dma_wait3A_67 = tpu.memref_slice %arg4[%dma_wait3A_65, %dma_wait3A_66] : memref<32768x1024xf32, #tpu.memory_space<hbm>> -> memref<16x1024xf32, #tpu.memory_space<hbm>>
    tpu.wait_dma2 semaphore(%arg11 : memref<!tpu.dma_semaphore, #tpu.memory_space<semaphore_mem>>) src(%dma_wait3A_67 : memref<16x1024xf32, #tpu.memory_space<hbm>>) dst(%arg6 : memref<16x1024xf32, #tpu.memory_space<vmem>>)
    %multiple_of3A_68 = arith.constant 64 : i32
    %multiple_of3A_69 = tpu.assume_multiple %multiple_of3A_68, 8 : i32
    %get3A_70 = arith.index_cast %multiple_of3A_69 : i32 to index
    %get3A_71 = tpu.vector_load %arg5[%get3A_70] {strides = array<i32>} : memref<1024xi32, #tpu.memory_space<vmem>>, vector<16xi32>,
    %get3A_72 = vector.shape_cast %get3A_71 : vector<16xi32> to vector<16xi32>
    %dma_start3A_73 = arith.constant 0 : i32
    %dma_start3A_74 = arith.constant 0 : i32
    %dma_start3A_75 = tpu.memref_slice %arg3[%dma_start3A_73, %dma_start3A_74] : memref<100000x1024xf32, #tpu.memory_space<hbm>> -> memref<100000x1024xf32, #tpu.memory_space<hbm>>
    tpu.enqueue_indirect_dma source(%dma_start3A_75 : memref<100000x1024xf32, #tpu.memory_space<hbm>>) target(%arg6 : memref<16x1024xf32, #tpu.memory_space<vmem>>) offsets(%get3A_72 : vector<16xi32>) semaphore(%arg10 : memref<!tpu.dma_semaphore, #tpu.memory_space<semaphore_mem>>)
    %add3A_76 = arith.constant 16 : i32
    %add3A_77 = arith.addi %mul3A_2, %add3A_76 : i32
    %dma_start3A_78 = arith.constant 0 : i32
    %dma_start3A_79 = tpu.memref_slice %arg4[%add3A_77, %dma_start3A_78] : memref<32768x1024xf32, #tpu.memory_space<hbm>> -> memref<16x1024xf32, #tpu.memory_space<hbm>>
    %dma_start3A_80 = arith.constant 0 : i32
    %dma_start3A_81 = tpu.memref_slice %arg4[%add3A_77, %dma_start3A_80] : memref<32768x1024xf32, #tpu.memory_space<hbm>> -> memref<16x1024xf32, #tpu.memory_space<hbm>>
    tpu.enqueue_dma source(%arg7 : memref<16x1024xf32, #tpu.memory_space<vmem>>) target(%dma_start3A_81 : memref<16x1024xf32, #tpu.memory_space<hbm>>) target_semaphore(%arg11 : memref<!tpu.dma_semaphore, #tpu.memory_space<semaphore_mem>>)
    %dma_wait3A_82 = arith.constant 0 : i32
    %dma_wait3A_83 = arith.constant 0 : i32
    %dma_wait3A_84 = tpu.memref_slice %arg4[%dma_wait3A_82, %dma_wait3A_83] : memref<32768x1024xf32, #tpu.memory_space<hbm>> -> memref<16x1024xf32, #tpu.memory_space<hbm>>
    %dma_wait3A_85 = arith.constant 0 : i32
    %dma_wait3A_86 = arith.constant 0 : i32
    %dma_wait3A_87 = tpu.memref_slice %arg4[%dma_wait3A_85, %dma_wait3A_86] : memref<32768x1024xf32, #tpu.memory_space<hbm>> -> memref<16x1024xf32, #tpu.memory_space<hbm>>
    tpu.wait_dma2 semaphore(%arg10 : memref<!tpu.dma_semaphore, #tpu.memory_space<semaphore_mem>>) src(%dma_wait3A_87 : memref<16x1024xf32, #tpu.memory_space<hbm>>) dst(%arg8 : memref<16x1024xf32, #tpu.memory_space<vmem>>)
    %scan3A_88 = arith.constant 0 : i32
    %scan3A_89 = arith.constant 0 : i32
    %scan3A_90 = arith.constant 128 : i32
    %scan3A_91 = arith.addi %scan3A_89, %scan3A_90 : i32
    %scan3A_92 = arith.constant 1 : i32
    %scan3A_93 = scf.for %scan3A_269 = %scan3A_89 to %scan3A_91 step %scan3A_92 iter_args(%scan3A_270 = %scan3A_88) -> (i32)  : i32 {
      %shift_right_arithmetic3A = arith.constant 3 : i32
      %shift_right_arithmetic3A_271 = arith.shrsi %scan3A_269, %shift_right_arithmetic3A : i32
      %and3A = arith.constant 7 : i32
      %and3A_272 = arith.andi %scan3A_269, %and3A : i32
      %mul3A_273 = arith.constant 128 : i32
      %mul3A_274 = arith.muli %and3A_272, %mul3A_273 : i32
      %add3A_275 = arith.constant 0 : i32
      %add3A_276 = arith.addi %mul3A_274, %add3A_275 : i32
      %get3A_277 = arith.index_cast %shift_right_arithmetic3A_271 : i32 to index
      %get3A_278 = arith.index_cast %add3A_276 : i32 to index
      %get3A_279 = tpu.vector_load %arg8[%get3A_277, %get3A_278] {strides = array<i32>} : memref<16x1024xf32, #tpu.memory_space<vmem>>, vector<1x16xf32>,
      %get3A_280 = vector.shape_cast %get3A_279 : vector<1x16xf32> to vector<16xf32>
      %mul3A_281 = arith.constant 3.200000e+01 : f32
      %mul3A_282 = vector.broadcast %mul3A_281 : f32 to vector<16xf32>
      %mul3A_283 = arith.mulf %get3A_280, %mul3A_282 : vector<16xf32>
      %swap3A = arith.index_cast %shift_right_arithmetic3A_271 : i32 to index
      %swap3A_284 = arith.index_cast %add3A_276 : i32 to index
      %swap3A_285 = tpu.vector_load %arg8[%swap3A, %swap3A_284] {strides = array<i32>} : memref<16x1024xf32, #tpu.memory_space<vmem>>, vector<1x16xf32>,
      %swap3A_286 = vector.shape_cast %swap3A_285 : vector<1x16xf32> to vector<16xf32>
      %swap3A_287 = vector.shape_cast %mul3A_283 : vector<16xf32> to vector<1x16xf32>
      tpu.vector_store %arg8[%swap3A, %swap3A_284], %swap3A_287 {strides = array<i32>} : memref<16x1024xf32, #tpu.memory_space<vmem>>, vector<1x16xf32>,
      %add3A_288 = arith.constant 16 : i32
      %add3A_289 = arith.addi %mul3A_274, %add3A_288 : i32
      %get3A_290 = arith.index_cast %shift_right_arithmetic3A_271 : i32 to index
      %get3A_291 = arith.index_cast %add3A_289 : i32 to index
      %get3A_292 = tpu.vector_load %arg8[%get3A_290, %get3A_291] {strides = array<i32>} : memref<16x1024xf32, #tpu.memory_space<vmem>>, vector<1x16xf32>,
      %get3A_293 = vector.shape_cast %get3A_292 : vector<1x16xf32> to vector<16xf32>
      %mul3A_294 = arith.constant 3.200000e+01 : f32
      %mul3A_295 = vector.broadcast %mul3A_294 : f32 to vector<16xf32>
      %mul3A_296 = arith.mulf %get3A_293, %mul3A_295 : vector<16xf32>
      %swap3A_297 = arith.index_cast %shift_right_arithmetic3A_271 : i32 to index
      %swap3A_298 = arith.index_cast %add3A_289 : i32 to index
      %swap3A_299 = tpu.vector_load %arg8[%swap3A_297, %swap3A_298] {strides = array<i32>} : memref<16x1024xf32, #tpu.memory_space<vmem>>, vector<1x16xf32>,
      %swap3A_300 = vector.shape_cast %swap3A_299 : vector<1x16xf32> to vector<16xf32>
      %swap3A_301 = vector.shape_cast %mul3A_296 : vector<16xf32> to vector<1x16xf32>
      tpu.vector_store %arg8[%swap3A_297, %swap3A_298], %swap3A_301 {strides = array<i32>} : memref<16x1024xf32, #tpu.memory_space<vmem>>, vector<1x16xf32>,
      %add3A_302 = arith.constant 32 : i32
      %add3A_303 = arith.addi %mul3A_274, %add3A_302 : i32
      %get3A_304 = arith.index_cast %shift_right_arithmetic3A_271 : i32 to index
      %get3A_305 = arith.index_cast %add3A_303 : i32 to index
      %get3A_306 = tpu.vector_load %arg8[%get3A_304, %get3A_305] {strides = array<i32>} : memref<16x1024xf32, #tpu.memory_space<vmem>>, vector<1x16xf32>,
      %get3A_307 = vector.shape_cast %get3A_306 : vector<1x16xf32> to vector<16xf32>
      %mul3A_308 = arith.constant 3.200000e+01 : f32
      %mul3A_309 = vector.broadcast %mul3A_308 : f32 to vector<16xf32>
      %mul3A_310 = arith.mulf %get3A_307, %mul3A_309 : vector<16xf32>
      %swap3A_311 = arith.index_cast %shift_right_arithmetic3A_271 : i32 to index
      %swap3A_312 = arith.index_cast %add3A_303 : i32 to index
      %swap3A_313 = tpu.vector_load %arg8[%swap3A_311, %swap3A_312] {strides = array<i32>} : memref<16x1024xf32, #tpu.memory_space<vmem>>, vector<1x16xf32>,
      %swap3A_314 = vector.shape_cast %swap3A_313 : vector<1x16xf32> to vector<16xf32>
      %swap3A_315 = vector.shape_cast %mul3A_310 : vector<16xf32> to vector<1x16xf32>
      tpu.vector_store %arg8[%swap3A_311, %swap3A_312], %swap3A_315 {strides = array<i32>} : memref<16x1024xf32, #tpu.memory_space<vmem>>, vector<1x16xf32>,
      %add3A_316 = arith.constant 48 : i32
      %add3A_317 = arith.addi %mul3A_274, %add3A_316 : i32
      %get3A_318 = arith.index_cast %shift_right_arithmetic3A_271 : i32 to index
      %get3A_319 = arith.index_cast %add3A_317 : i32 to index
      %get3A_320 = tpu.vector_load %arg8[%get3A_318, %get3A_319] {strides = array<i32>} : memref<16x1024xf32, #tpu.memory_space<vmem>>, vector<1x16xf32>,
      %get3A_321 = vector.shape_cast %get3A_320 : vector<1x16xf32> to vector<16xf32>
      %mul3A_322 = arith.constant 3.200000e+01 : f32
      %mul3A_323 = vector.broadcast %mul3A_322 : f32 to vector<16xf32>
      %mul3A_324 = arith.mulf %get3A_321, %mul3A_323 : vector<16xf32>
      %swap3A_325 = arith.index_cast %shift_right_arithmetic3A_271 : i32 to index
      %swap3A_326 = arith.index_cast %add3A_317 : i32 to index
      %swap3A_327 = tpu.vector_load %arg8[%swap3A_325, %swap3A_326] {strides = array<i32>} : memref<16x1024xf32, #tpu.memory_space<vmem>>, vector<1x16xf32>,
      %swap3A_328 = vector.shape_cast %swap3A_327 : vector<1x16xf32> to vector<16xf32>
      %swap3A_329 = vector.shape_cast %mul3A_324 : vector<16xf32> to vector<1x16xf32>
      tpu.vector_store %arg8[%swap3A_325, %swap3A_326], %swap3A_329 {strides = array<i32>} : memref<16x1024xf32, #tpu.memory_space<vmem>>, vector<1x16xf32>,
      %add3A_330 = arith.constant 64 : i32
      %add3A_331 = arith.addi %mul3A_274, %add3A_330 : i32
      %get3A_332 = arith.index_cast %shift_right_arithmetic3A_271 : i32 to index
      %get3A_333 = arith.index_cast %add3A_331 : i32 to index
      %get3A_334 = tpu.vector_load %arg8[%get3A_332, %get3A_333] {strides = array<i32>} : memref<16x1024xf32, #tpu.memory_space<vmem>>, vector<1x16xf32>,
      %get3A_335 = vector.shape_cast %get3A_334 : vector<1x16xf32> to vector<16xf32>
      %mul3A_336 = arith.constant 3.200000e+01 : f32
      %mul3A_337 = vector.broadcast %mul3A_336 : f32 to vector<16xf32>
      %mul3A_338 = arith.mulf %get3A_335, %mul3A_337 : vector<16xf32>
      %swap3A_339 = arith.index_cast %shift_right_arithmetic3A_271 : i32 to index
      %swap3A_340 = arith.index_cast %add3A_331 : i32 to index
      %swap3A_341 = tpu.vector_load %arg8[%swap3A_339, %swap3A_340] {strides = array<i32>} : memref<16x1024xf32, #tpu.memory_space<vmem>>, vector<1x16xf32>,
      %swap3A_342 = vector.shape_cast %swap3A_341 : vector<1x16xf32> to vector<16xf32>
      %swap3A_343 = vector.shape_cast %mul3A_338 : vector<16xf32> to vector<1x16xf32>
      tpu.vector_store %arg8[%swap3A_339, %swap3A_340], %swap3A_343 {strides = array<i32>} : memref<16x1024xf32, #tpu.memory_space<vmem>>, vector<1x16xf32>,
      %add3A_344 = arith.constant 80 : i32
      %add3A_345 = arith.addi %mul3A_274, %add3A_344 : i32
      %get3A_346 = arith.index_cast %shift_right_arithmetic3A_271 : i32 to index
      %get3A_347 = arith.index_cast %add3A_345 : i32 to index
      %get3A_348 = tpu.vector_load %arg8[%get3A_346, %get3A_347] {strides = array<i32>} : memref<16x1024xf32, #tpu.memory_space<vmem>>, vector<1x16xf32>,
      %get3A_349 = vector.shape_cast %get3A_348 : vector<1x16xf32> to vector<16xf32>
      %mul3A_350 = arith.constant 3.200000e+01 : f32
      %mul3A_351 = vector.broadcast %mul3A_350 : f32 to vector<16xf32>
      %mul3A_352 = arith.mulf %get3A_349, %mul3A_351 : vector<16xf32>
      %swap3A_353 = arith.index_cast %shift_right_arithmetic3A_271 : i32 to index
      %swap3A_354 = arith.index_cast %add3A_345 : i32 to index
      %swap3A_355 = tpu.vector_load %arg8[%swap3A_353, %swap3A_354] {strides = array<i32>} : memref<16x1024xf32, #tpu.memory_space<vmem>>, vector<1x16xf32>,
      %swap3A_356 = vector.shape_cast %swap3A_355 : vector<1x16xf32> to vector<16xf32>
      %swap3A_357 = vector.shape_cast %mul3A_352 : vector<16xf32> to vector<1x16xf32>
      tpu.vector_store %arg8[%swap3A_353, %swap3A_354], %swap3A_357 {strides = array<i32>} : memref<16x1024xf32, #tpu.memory_space<vmem>>, vector<1x16xf32>,
      %add3A_358 = arith.constant 96 : i32
      %add3A_359 = arith.addi %mul3A_274, %add3A_358 : i32
      %get3A_360 = arith.index_cast %shift_right_arithmetic3A_271 : i32 to index
      %get3A_361 = arith.index_cast %add3A_359 : i32 to index
      %get3A_362 = tpu.vector_load %arg8[%get3A_360, %get3A_361] {strides = array<i32>} : memref<16x1024xf32, #tpu.memory_space<vmem>>, vector<1x16xf32>,
      %get3A_363 = vector.shape_cast %get3A_362 : vector<1x16xf32> to vector<16xf32>
      %mul3A_364 = arith.constant 3.200000e+01 : f32
      %mul3A_365 = vector.broadcast %mul3A_364 : f32 to vector<16xf32>
      %mul3A_366 = arith.mulf %get3A_363, %mul3A_365 : vector<16xf32>
      %swap3A_367 = arith.index_cast %shift_right_arithmetic3A_271 : i32 to index
      %swap3A_368 = arith.index_cast %add3A_359 : i32 to index
      %swap3A_369 = tpu.vector_load %arg8[%swap3A_367, %swap3A_368] {strides = array<i32>} : memref<16x1024xf32, #tpu.memory_space<vmem>>, vector<1x16xf32>,
      %swap3A_370 = vector.shape_cast %swap3A_369 : vector<1x16xf32> to vector<16xf32>
      %swap3A_371 = vector.shape_cast %mul3A_366 : vector<16xf32> to vector<1x16xf32>
      tpu.vector_store %arg8[%swap3A_367, %swap3A_368], %swap3A_371 {strides = array<i32>} : memref<16x1024xf32, #tpu.memory_space<vmem>>, vector<1x16xf32>,
      %add3A_372 = arith.constant 112 : i32
      %add3A_373 = arith.addi %mul3A_274, %add3A_372 : i32
      %get3A_374 = arith.index_cast %shift_right_arithmetic3A_271 : i32 to index
      %get3A_375 = arith.index_cast %add3A_373 : i32 to index
      %get3A_376 = tpu.vector_load %arg8[%get3A_374, %get3A_375] {strides = array<i32>} : memref<16x1024xf32, #tpu.memory_space<vmem>>, vector<1x16xf32>,
      %get3A_377 = vector.shape_cast %get3A_376 : vector<1x16xf32> to vector<16xf32>
      %mul3A_378 = arith.constant 3.200000e+01 : f32
      %mul3A_379 = vector.broadcast %mul3A_378 : f32 to vector<16xf32>
      %mul3A_380 = arith.mulf %get3A_377, %mul3A_379 : vector<16xf32>
      %swap3A_381 = arith.index_cast %shift_right_arithmetic3A_271 : i32 to index
      %swap3A_382 = arith.index_cast %add3A_373 : i32 to index
      %swap3A_383 = tpu.vector_load %arg8[%swap3A_381, %swap3A_382] {strides = array<i32>} : memref<16x1024xf32, #tpu.memory_space<vmem>>, vector<1x16xf32>,
      %swap3A_384 = vector.shape_cast %swap3A_383 : vector<1x16xf32> to vector<16xf32>
      %swap3A_385 = vector.shape_cast %mul3A_380 : vector<16xf32> to vector<1x16xf32>
      tpu.vector_store %arg8[%swap3A_381, %swap3A_382], %swap3A_385 {strides = array<i32>} : memref<16x1024xf32, #tpu.memory_space<vmem>>, vector<1x16xf32>,
      %scan3A_386 = arith.constant 0 : i32
      scf.yield %scan3A_386 : i32
    }
    %scan3A_94 = arith.constant 128 : i32
    %dma_wait3A_95 = arith.constant 0 : i32
    %dma_wait3A_96 = arith.constant 0 : i32
    %dma_wait3A_97 = tpu.memref_slice %arg4[%dma_wait3A_95, %dma_wait3A_96] : memref<32768x1024xf32, #tpu.memory_space<hbm>> -> memref<16x1024xf32, #tpu.memory_space<hbm>>
    %dma_wait3A_98 = arith.constant 0 : i32
    %dma_wait3A_99 = arith.constant 0 : i32
    %dma_wait3A_100 = tpu.memref_slice %arg4[%dma_wait3A_98, %dma_wait3A_99] : memref<32768x1024xf32, #tpu.memory_space<hbm>> -> memref<16x1024xf32, #tpu.memory_space<hbm>>
    tpu.wait_dma2 semaphore(%arg11 : memref<!tpu.dma_semaphore, #tpu.memory_space<semaphore_mem>>) src(%dma_wait3A_100 : memref<16x1024xf32, #tpu.memory_space<hbm>>) dst(%arg7 : memref<16x1024xf32, #tpu.memory_space<vmem>>)
    %multiple_of3A_101 = arith.constant 80 : i32
    %multiple_of3A_102 = tpu.assume_multiple %multiple_of3A_101, 8 : i32
    %get3A_103 = arith.index_cast %multiple_of3A_102 : i32 to index
    %get3A_104 = tpu.vector_load %arg5[%get3A_103] {strides = array<i32>} : memref<1024xi32, #tpu.memory_space<vmem>>, vector<16xi32>,
    %get3A_105 = vector.shape_cast %get3A_104 : vector<16xi32> to vector<16xi32>
    %dma_start3A_106 = arith.constant 0 : i32
    %dma_start3A_107 = arith.constant 0 : i32
    %dma_start3A_108 = tpu.memref_slice %arg3[%dma_start3A_106, %dma_start3A_107] : memref<100000x1024xf32, #tpu.memory_space<hbm>> -> memref<100000x1024xf32, #tpu.memory_space<hbm>>
    tpu.enqueue_indirect_dma source(%dma_start3A_108 : memref<100000x1024xf32, #tpu.memory_space<hbm>>) target(%arg7 : memref<16x1024xf32, #tpu.memory_space<vmem>>) offsets(%get3A_105 : vector<16xi32>) semaphore(%arg10 : memref<!tpu.dma_semaphore, #tpu.memory_space<semaphore_mem>>)
    %add3A_109 = arith.constant 32 : i32
    %add3A_110 = arith.addi %mul3A_2, %add3A_109 : i32
    %dma_start3A_111 = arith.constant 0 : i32
    %dma_start3A_112 = tpu.memref_slice %arg4[%add3A_110, %dma_start3A_111] : memref<32768x1024xf32, #tpu.memory_space<hbm>> -> memref<16x1024xf32, #tpu.memory_space<hbm>>
    %dma_start3A_113 = arith.constant 0 : i32
    %dma_start3A_114 = tpu.memref_slice %arg4[%add3A_110, %dma_start3A_113] : memref<32768x1024xf32, #tpu.memory_space<hbm>> -> memref<16x1024xf32, #tpu.memory_space<hbm>>
    tpu.enqueue_dma source(%arg8 : memref<16x1024xf32, #tpu.memory_space<vmem>>) target(%dma_start3A_114 : memref<16x1024xf32, #tpu.memory_space<hbm>>) target_semaphore(%arg11 : memref<!tpu.dma_semaphore, #tpu.memory_space<semaphore_mem>>)
    %dma_wait3A_115 = arith.constant 0 : i32
    %dma_wait3A_116 = arith.constant 0 : i32
    %dma_wait3A_117 = tpu.memref_slice %arg4[%dma_wait3A_115, %dma_wait3A_116] : memref<32768x1024xf32, #tpu.memory_space<hbm>> -> memref<16x1024xf32, #tpu.memory_space<hbm>>
    %dma_wait3A_118 = arith.constant 0 : i32
    %dma_wait3A_119 = arith.constant 0 : i32
    %dma_wait3A_120 = tpu.memref_slice %arg4[%dma_wait3A_118, %dma_wait3A_119] : memref<32768x1024xf32, #tpu.memory_space<hbm>> -> memref<16x1024xf32, #tpu.memory_space<hbm>>
    tpu.wait_dma2 semaphore(%arg10 : memref<!tpu.dma_semaphore, #tpu.memory_space<semaphore_mem>>) src(%dma_wait3A_120 : memref<16x1024xf32, #tpu.memory_space<hbm>>) dst(%arg9 : memref<16x1024xf32, #tpu.memory_space<vmem>>)
    %scan3A_121 = arith.constant 0 : i32
    %scan3A_122 = arith.constant 0 : i32
    %scan3A_123 = arith.constant 128 : i32
    %scan3A_124 = arith.addi %scan3A_122, %scan3A_123 : i32
    %scan3A_125 = arith.constant 1 : i32
    %scan3A_126 = scf.for %scan3A_269 = %scan3A_122 to %scan3A_124 step %scan3A_125 iter_args(%scan3A_270 = %scan3A_121) -> (i32)  : i32 {
      %shift_right_arithmetic3A = arith.constant 3 : i32
      %shift_right_arithmetic3A_271 = arith.shrsi %scan3A_269, %shift_right_arithmetic3A : i32
      %and3A = arith.constant 7 : i32
      %and3A_272 = arith.andi %scan3A_269, %and3A : i32
      %mul3A_273 = arith.constant 128 : i32
      %mul3A_274 = arith.muli %and3A_272, %mul3A_273 : i32
      %add3A_275 = arith.constant 0 : i32
      %add3A_276 = arith.addi %mul3A_274, %add3A_275 : i32
      %get3A_277 = arith.index_cast %shift_right_arithmetic3A_271 : i32 to index
      %get3A_278 = arith.index_cast %add3A_276 : i32 to index
      %get3A_279 = tpu.vector_load %arg9[%get3A_277, %get3A_278] {strides = array<i32>} : memref<16x1024xf32, #tpu.memory_space<vmem>>, vector<1x16xf32>,
      %get3A_280 = vector.shape_cast %get3A_279 : vector<1x16xf32> to vector<16xf32>
      %mul3A_281 = arith.constant 3.200000e+01 : f32
      %mul3A_282 = vector.broadcast %mul3A_281 : f32 to vector<16xf32>
      %mul3A_283 = arith.mulf %get3A_280, %mul3A_282 : vector<16xf32>
      %swap3A = arith.index_cast %shift_right_arithmetic3A_271 : i32 to index
      %swap3A_284 = arith.index_cast %add3A_276 : i32 to index
      %swap3A_285 = tpu.vector_load %arg9[%swap3A, %swap3A_284] {strides = array<i32>} : memref<16x1024xf32, #tpu.memory_space<vmem>>, vector<1x16xf32>,
      %swap3A_286 = vector.shape_cast %swap3A_285 : vector<1x16xf32> to vector<16xf32>
      %swap3A_287 = vector.shape_cast %mul3A_283 : vector<16xf32> to vector<1x16xf32>
      tpu.vector_store %arg9[%swap3A, %swap3A_284], %swap3A_287 {strides = array<i32>} : memref<16x1024xf32, #tpu.memory_space<vmem>>, vector<1x16xf32>,
      %add3A_288 = arith.constant 16 : i32
      %add3A_289 = arith.addi %mul3A_274, %add3A_288 : i32
      %get3A_290 = arith.index_cast %shift_right_arithmetic3A_271 : i32 to index
      %get3A_291 = arith.index_cast %add3A_289 : i32 to index
      %get3A_292 = tpu.vector_load %arg9[%get3A_290, %get3A_291] {strides = array<i32>} : memref<16x1024xf32, #tpu.memory_space<vmem>>, vector<1x16xf32>,
      %get3A_293 = vector.shape_cast %get3A_292 : vector<1x16xf32> to vector<16xf32>
      %mul3A_294 = arith.constant 3.200000e+01 : f32
      %mul3A_295 = vector.broadcast %mul3A_294 : f32 to vector<16xf32>
      %mul3A_296 = arith.mulf %get3A_293, %mul3A_295 : vector<16xf32>
      %swap3A_297 = arith.index_cast %shift_right_arithmetic3A_271 : i32 to index
      %swap3A_298 = arith.index_cast %add3A_289 : i32 to index
      %swap3A_299 = tpu.vector_load %arg9[%swap3A_297, %swap3A_298] {strides = array<i32>} : memref<16x1024xf32, #tpu.memory_space<vmem>>, vector<1x16xf32>,
      %swap3A_300 = vector.shape_cast %swap3A_299 : vector<1x16xf32> to vector<16xf32>
      %swap3A_301 = vector.shape_cast %mul3A_296 : vector<16xf32> to vector<1x16xf32>
      tpu.vector_store %arg9[%swap3A_297, %swap3A_298], %swap3A_301 {strides = array<i32>} : memref<16x1024xf32, #tpu.memory_space<vmem>>, vector<1x16xf32>,
      %add3A_302 = arith.constant 32 : i32
      %add3A_303 = arith.addi %mul3A_274, %add3A_302 : i32
      %get3A_304 = arith.index_cast %shift_right_arithmetic3A_271 : i32 to index
      %get3A_305 = arith.index_cast %add3A_303 : i32 to index
      %get3A_306 = tpu.vector_load %arg9[%get3A_304, %get3A_305] {strides = array<i32>} : memref<16x1024xf32, #tpu.memory_space<vmem>>, vector<1x16xf32>,
      %get3A_307 = vector.shape_cast %get3A_306 : vector<1x16xf32> to vector<16xf32>
      %mul3A_308 = arith.constant 3.200000e+01 : f32
      %mul3A_309 = vector.broadcast %mul3A_308 : f32 to vector<16xf32>
      %mul3A_310 = arith.mulf %get3A_307, %mul3A_309 : vector<16xf32>
      %swap3A_311 = arith.index_cast %shift_right_arithmetic3A_271 : i32 to index
      %swap3A_312 = arith.index_cast %add3A_303 : i32 to index
      %swap3A_313 = tpu.vector_load %arg9[%swap3A_311, %swap3A_312] {strides = array<i32>} : memref<16x1024xf32, #tpu.memory_space<vmem>>, vector<1x16xf32>,
      %swap3A_314 = vector.shape_cast %swap3A_313 : vector<1x16xf32> to vector<16xf32>
      %swap3A_315 = vector.shape_cast %mul3A_310 : vector<16xf32> to vector<1x16xf32>
      tpu.vector_store %arg9[%swap3A_311, %swap3A_312], %swap3A_315 {strides = array<i32>} : memref<16x1024xf32, #tpu.memory_space<vmem>>, vector<1x16xf32>,
      %add3A_316 = arith.constant 48 : i32
      %add3A_317 = arith.addi %mul3A_274, %add3A_316 : i32
      %get3A_318 = arith.index_cast %shift_right_arithmetic3A_271 : i32 to index
      %get3A_319 = arith.index_cast %add3A_317 : i32 to index
      %get3A_320 = tpu.vector_load %arg9[%get3A_318, %get3A_319] {strides = array<i32>} : memref<16x1024xf32, #tpu.memory_space<vmem>>, vector<1x16xf32>,
      %get3A_321 = vector.shape_cast %get3A_320 : vector<1x16xf32> to vector<16xf32>
      %mul3A_322 = arith.constant 3.200000e+01 : f32
      %mul3A_323 = vector.broadcast %mul3A_322 : f32 to vector<16xf32>
      %mul3A_324 = arith.mulf %get3A_321, %mul3A_323 : vector<16xf32>
      %swap3A_325 = arith.index_cast %shift_right_arithmetic3A_271 : i32 to index
      %swap3A_326 = arith.index_cast %add3A_317 : i32 to index
      %swap3A_327 = tpu.vector_load %arg9[%swap3A_325, %swap3A_326] {strides = array<i32>} : memref<16x1024xf32, #tpu.memory_space<vmem>>, vector<1x16xf32>,
      %swap3A_328 = vector.shape_cast %swap3A_327 : vector<1x16xf32> to vector<16xf32>
      %swap3A_329 = vector.shape_cast %mul3A_324 : vector<16xf32> to vector<1x16xf32>
      tpu.vector_store %arg9[%swap3A_325, %swap3A_326], %swap3A_329 {strides = array<i32>} : memref<16x1024xf32, #tpu.memory_space<vmem>>, vector<1x16xf32>,
      %add3A_330 = arith.constant 64 : i32
      %add3A_331 = arith.addi %mul3A_274, %add3A_330 : i32
      %get3A_332 = arith.index_cast %shift_right_arithmetic3A_271 : i32 to index
      %get3A_333 = arith.index_cast %add3A_331 : i32 to index
      %get3A_334 = tpu.vector_load %arg9[%get3A_332, %get3A_333] {strides = array<i32>} : memref<16x1024xf32, #tpu.memory_space<vmem>>, vector<1x16xf32>,
      %get3A_335 = vector.shape_cast %get3A_334 : vector<1x16xf32> to vector<16xf32>
      %mul3A_336 = arith.constant 3.200000e+01 : f32
      %mul3A_337 = vector.broadcast %mul3A_336 : f32 to vector<16xf32>
      %mul3A_338 = arith.mulf %get3A_335, %mul3A_337 : vector<16xf32>
      %swap3A_339 = arith.index_cast %shift_right_arithmetic3A_271 : i32 to index
      %swap3A_340 = arith.index_cast %add3A_331 : i32 to index
      %swap3A_341 = tpu.vector_load %arg9[%swap3A_339, %swap3A_340] {strides = array<i32>} : memref<16x1024xf32, #tpu.memory_space<vmem>>, vector<1x16xf32>,
      %swap3A_342 = vector.shape_cast %swap3A_341 : vector<1x16xf32> to vector<16xf32>
      %swap3A_343 = vector.shape_cast %mul3A_338 : vector<16xf32> to vector<1x16xf32>
      tpu.vector_store %arg9[%swap3A_339, %swap3A_340], %swap3A_343 {strides = array<i32>} : memref<16x1024xf32, #tpu.memory_space<vmem>>, vector<1x16xf32>,
      %add3A_344 = arith.constant 80 : i32
      %add3A_345 = arith.addi %mul3A_274, %add3A_344 : i32
      %get3A_346 = arith.index_cast %shift_right_arithmetic3A_271 : i32 to index
      %get3A_347 = arith.index_cast %add3A_345 : i32 to index
      %get3A_348 = tpu.vector_load %arg9[%get3A_346, %get3A_347] {strides = array<i32>} : memref<16x1024xf32, #tpu.memory_space<vmem>>, vector<1x16xf32>,
      %get3A_349 = vector.shape_cast %get3A_348 : vector<1x16xf32> to vector<16xf32>
      %mul3A_350 = arith.constant 3.200000e+01 : f32
      %mul3A_351 = vector.broadcast %mul3A_350 : f32 to vector<16xf32>
      %mul3A_352 = arith.mulf %get3A_349, %mul3A_351 : vector<16xf32>
      %swap3A_353 = arith.index_cast %shift_right_arithmetic3A_271 : i32 to index
      %swap3A_354 = arith.index_cast %add3A_345 : i32 to index
      %swap3A_355 = tpu.vector_load %arg9[%swap3A_353, %swap3A_354] {strides = array<i32>} : memref<16x1024xf32, #tpu.memory_space<vmem>>, vector<1x16xf32>,
      %swap3A_356 = vector.shape_cast %swap3A_355 : vector<1x16xf32> to vector<16xf32>
      %swap3A_357 = vector.shape_cast %mul3A_352 : vector<16xf32> to vector<1x16xf32>
      tpu.vector_store %arg9[%swap3A_353, %swap3A_354], %swap3A_357 {strides = array<i32>} : memref<16x1024xf32, #tpu.memory_space<vmem>>, vector<1x16xf32>,
      %add3A_358 = arith.constant 96 : i32
      %add3A_359 = arith.addi %mul3A_274, %add3A_358 : i32
      %get3A_360 = arith.index_cast %shift_right_arithmetic3A_271 : i32 to index
      %get3A_361 = arith.index_cast %add3A_359 : i32 to index
      %get3A_362 = tpu.vector_load %arg9[%get3A_360, %get3A_361] {strides = array<i32>} : memref<16x1024xf32, #tpu.memory_space<vmem>>, vector<1x16xf32>,
      %get3A_363 = vector.shape_cast %get3A_362 : vector<1x16xf32> to vector<16xf32>
      %mul3A_364 = arith.constant 3.200000e+01 : f32
      %mul3A_365 = vector.broadcast %mul3A_364 : f32 to vector<16xf32>
      %mul3A_366 = arith.mulf %get3A_363, %mul3A_365 : vector<16xf32>
      %swap3A_367 = arith.index_cast %shift_right_arithmetic3A_271 : i32 to index
      %swap3A_368 = arith.index_cast %add3A_359 : i32 to index
      %swap3A_369 = tpu.vector_load %arg9[%swap3A_367, %swap3A_368] {strides = array<i32>} : memref<16x1024xf32, #tpu.memory_space<vmem>>, vector<1x16xf32>,
      %swap3A_370 = vector.shape_cast %swap3A_369 : vector<1x16xf32> to vector<16xf32>
      %swap3A_371 = vector.shape_cast %mul3A_366 : vector<16xf32> to vector<1x16xf32>
      tpu.vector_store %arg9[%swap3A_367, %swap3A_368], %swap3A_371 {strides = array<i32>} : memref<16x1024xf32, #tpu.memory_space<vmem>>, vector<1x16xf32>,
      %add3A_372 = arith.constant 112 : i32
      %add3A_373 = arith.addi %mul3A_274, %add3A_372 : i32
      %get3A_374 = arith.index_cast %shift_right_arithmetic3A_271 : i32 to index
      %get3A_375 = arith.index_cast %add3A_373 : i32 to index
      %get3A_376 = tpu.vector_load %arg9[%get3A_374, %get3A_375] {strides = array<i32>} : memref<16x1024xf32, #tpu.memory_space<vmem>>, vector<1x16xf32>,
      %get3A_377 = vector.shape_cast %get3A_376 : vector<1x16xf32> to vector<16xf32>
      %mul3A_378 = arith.constant 3.200000e+01 : f32
      %mul3A_379 = vector.broadcast %mul3A_378 : f32 to vector<16xf32>
      %mul3A_380 = arith.mulf %get3A_377, %mul3A_379 : vector<16xf32>
      %swap3A_381 = arith.index_cast %shift_right_arithmetic3A_271 : i32 to index
      %swap3A_382 = arith.index_cast %add3A_373 : i32 to index
      %swap3A_383 = tpu.vector_load %arg9[%swap3A_381, %swap3A_382] {strides = array<i32>} : memref<16x1024xf32, #tpu.memory_space<vmem>>, vector<1x16xf32>,
      %swap3A_384 = vector.shape_cast %swap3A_383 : vector<1x16xf32> to vector<16xf32>
      %swap3A_385 = vector.shape_cast %mul3A_380 : vector<16xf32> to vector<1x16xf32>
      tpu.vector_store %arg9[%swap3A_381, %swap3A_382], %swap3A_385 {strides = array<i32>} : memref<16x1024xf32, #tpu.memory_space<vmem>>, vector<1x16xf32>,
      %scan3A_386 = arith.constant 0 : i32
      scf.yield %scan3A_386 : i32
    }
    %scan3A_127 = arith.constant 128 : i32
    %dma_wait3A_128 = arith.constant 0 : i32
    %dma_wait3A_129 = arith.constant 0 : i32
    %dma_wait3A_130 = tpu.memref_slice %arg4[%dma_wait3A_128, %dma_wait3A_129] : memref<32768x1024xf32, #tpu.memory_space<hbm>> -> memref<16x1024xf32, #tpu.memory_space<hbm>>
    %dma_wait3A_131 = arith.constant 0 : i32
    %dma_wait3A_132 = arith.constant 0 : i32
    %dma_wait3A_133 = tpu.memref_slice %arg4[%dma_wait3A_131, %dma_wait3A_132] : memref<32768x1024xf32, #tpu.memory_space<hbm>> -> memref<16x1024xf32, #tpu.memory_space<hbm>>
    tpu.wait_dma2 semaphore(%arg11 : memref<!tpu.dma_semaphore, #tpu.memory_space<semaphore_mem>>) src(%dma_wait3A_133 : memref<16x1024xf32, #tpu.memory_space<hbm>>) dst(%arg8 : memref<16x1024xf32, #tpu.memory_space<vmem>>)
    %multiple_of3A_134 = arith.constant 96 : i32
    %multiple_of3A_135 = tpu.assume_multiple %multiple_of3A_134, 8 : i32
    %get3A_136 = arith.index_cast %multiple_of3A_135 : i32 to index
    %get3A_137 = tpu.vector_load %arg5[%get3A_136] {strides = array<i32>} : memref<1024xi32, #tpu.memory_space<vmem>>, vector<16xi32>,
    %get3A_138 = vector.shape_cast %get3A_137 : vector<16xi32> to vector<16xi32>
    %dma_start3A_139 = arith.constant 0 : i32
    %dma_start3A_140 = arith.constant 0 : i32
    %dma_start3A_141 = tpu.memref_slice %arg3[%dma_start3A_139, %dma_start3A_140] : memref<100000x1024xf32, #tpu.memory_space<hbm>> -> memref<100000x1024xf32, #tpu.memory_space<hbm>>
    tpu.enqueue_indirect_dma source(%dma_start3A_141 : memref<100000x1024xf32, #tpu.memory_space<hbm>>) target(%arg8 : memref<16x1024xf32, #tpu.memory_space<vmem>>) offsets(%get3A_138 : vector<16xi32>) semaphore(%arg10 : memref<!tpu.dma_semaphore, #tpu.memory_space<semaphore_mem>>)
    %add3A_142 = arith.constant 48 : i32
    %add3A_143 = arith.addi %mul3A_2, %add3A_142 : i32
    %dma_start3A_144 = arith.constant 0 : i32
    %dma_start3A_145 = tpu.memref_slice %arg4[%add3A_143, %dma_start3A_144] : memref<32768x1024xf32, #tpu.memory_space<hbm>> -> memref<16x1024xf32, #tpu.memory_space<hbm>>
    %dma_start3A_146 = arith.constant 0 : i32
    %dma_start3A_147 = tpu.memref_slice %arg4[%add3A_143, %dma_start3A_146] : memref<32768x1024xf32, #tpu.memory_space<hbm>> -> memref<16x1024xf32, #tpu.memory_space<hbm>>
    tpu.enqueue_dma source(%arg9 : memref<16x1024xf32, #tpu.memory_space<vmem>>) target(%dma_start3A_147 : memref<16x1024xf32, #tpu.memory_space<hbm>>) target_semaphore(%arg11 : memref<!tpu.dma_semaphore, #tpu.memory_space<semaphore_mem>>)
    %scan3A_148 = arith.constant 0 : i32
    %scan3A_149 = arith.constant 1 : i32
    %scan3A_150 = arith.constant 14 : i32
    %scan3A_151 = arith.addi %scan3A_149, %scan3A_150 : i32
    %scan3A_152 = arith.constant 1 : i32
    %scan3A_153 = scf.for %scan3A_269 = %scan3A_149 to %scan3A_151 step %scan3A_152 iter_args(%scan3A_270 = %scan3A_148) -> (i32)  : i32 {
      %mul3A_271 = arith.constant 4 : i32
      %mul3A_272 = arith.muli %scan3A_269, %mul3A_271 : i32
      %add3A_273 = arith.constant 0 : i32
      %add3A_274 = arith.addi %mul3A_272, %add3A_273 : i32
      %dma_wait3A_275 = arith.constant 0 : i32
      %dma_wait3A_276 = arith.constant 0 : i32
      %dma_wait3A_277 = tpu.memref_slice %arg4[%dma_wait3A_275, %dma_wait3A_276] : memref<32768x1024xf32, #tpu.memory_space<hbm>> -> memref<16x1024xf32, #tpu.memory_space<hbm>>
      %dma_wait3A_278 = arith.constant 0 : i32
      %dma_wait3A_279 = arith.constant 0 : i32
      %dma_wait3A_280 = tpu.memref_slice %arg4[%dma_wait3A_278, %dma_wait3A_279] : memref<32768x1024xf32, #tpu.memory_space<hbm>> -> memref<16x1024xf32, #tpu.memory_space<hbm>>
      tpu.wait_dma2 semaphore(%arg10 : memref<!tpu.dma_semaphore, #tpu.memory_space<semaphore_mem>>) src(%dma_wait3A_280 : memref<16x1024xf32, #tpu.memory_space<hbm>>) dst(%arg6 : memref<16x1024xf32, #tpu.memory_space<vmem>>)
      %scan3A_281 = arith.constant 0 : i32
      %scan3A_282 = arith.constant 0 : i32
      %scan3A_283 = arith.constant 128 : i32
      %scan3A_284 = arith.addi %scan3A_282, %scan3A_283 : i32
      %scan3A_285 = arith.constant 1 : i32
      %scan3A_286 = scf.for %scan3A_430 = %scan3A_282 to %scan3A_284 step %scan3A_285 iter_args(%scan3A_431 = %scan3A_281) -> (i32)  : i32 {
        %shift_right_arithmetic3A = arith.constant 3 : i32
        %shift_right_arithmetic3A_432 = arith.shrsi %scan3A_430, %shift_right_arithmetic3A : i32
        %and3A = arith.constant 7 : i32
        %and3A_433 = arith.andi %scan3A_430, %and3A : i32
        %mul3A_434 = arith.constant 128 : i32
        %mul3A_435 = arith.muli %and3A_433, %mul3A_434 : i32
        %add3A_436 = arith.constant 0 : i32
        %add3A_437 = arith.addi %mul3A_435, %add3A_436 : i32
        %get3A_438 = arith.index_cast %shift_right_arithmetic3A_432 : i32 to index
        %get3A_439 = arith.index_cast %add3A_437 : i32 to index
        %get3A_440 = tpu.vector_load %arg6[%get3A_438, %get3A_439] {strides = array<i32>} : memref<16x1024xf32, #tpu.memory_space<vmem>>, vector<1x16xf32>,
        %get3A_441 = vector.shape_cast %get3A_440 : vector<1x16xf32> to vector<16xf32>
        %mul3A_442 = arith.constant 3.200000e+01 : f32
        %mul3A_443 = vector.broadcast %mul3A_442 : f32 to vector<16xf32>
        %mul3A_444 = arith.mulf %get3A_441, %mul3A_443 : vector<16xf32>
        %swap3A = arith.index_cast %shift_right_arithmetic3A_432 : i32 to index
        %swap3A_445 = arith.index_cast %add3A_437 : i32 to index
        %swap3A_446 = tpu.vector_load %arg6[%swap3A, %swap3A_445] {strides = array<i32>} : memref<16x1024xf32, #tpu.memory_space<vmem>>, vector<1x16xf32>,
        %swap3A_447 = vector.shape_cast %swap3A_446 : vector<1x16xf32> to vector<16xf32>
        %swap3A_448 = vector.shape_cast %mul3A_444 : vector<16xf32> to vector<1x16xf32>
        tpu.vector_store %arg6[%swap3A, %swap3A_445], %swap3A_448 {strides = array<i32>} : memref<16x1024xf32, #tpu.memory_space<vmem>>, vector<1x16xf32>,
        %add3A_449 = arith.constant 16 : i32
        %add3A_450 = arith.addi %mul3A_435, %add3A_449 : i32
        %get3A_451 = arith.index_cast %shift_right_arithmetic3A_432 : i32 to index
        %get3A_452 = arith.index_cast %add3A_450 : i32 to index
        %get3A_453 = tpu.vector_load %arg6[%get3A_451, %get3A_452] {strides = array<i32>} : memref<16x1024xf32, #tpu.memory_space<vmem>>, vector<1x16xf32>,
        %get3A_454 = vector.shape_cast %get3A_453 : vector<1x16xf32> to vector<16xf32>
        %mul3A_455 = arith.constant 3.200000e+01 : f32
        %mul3A_456 = vector.broadcast %mul3A_455 : f32 to vector<16xf32>
        %mul3A_457 = arith.mulf %get3A_454, %mul3A_456 : vector<16xf32>
        %swap3A_458 = arith.index_cast %shift_right_arithmetic3A_432 : i32 to index
        %swap3A_459 = arith.index_cast %add3A_450 : i32 to index
        %swap3A_460 = tpu.vector_load %arg6[%swap3A_458, %swap3A_459] {strides = array<i32>} : memref<16x1024xf32, #tpu.memory_space<vmem>>, vector<1x16xf32>,
        %swap3A_461 = vector.shape_cast %swap3A_460 : vector<1x16xf32> to vector<16xf32>
        %swap3A_462 = vector.shape_cast %mul3A_457 : vector<16xf32> to vector<1x16xf32>
        tpu.vector_store %arg6[%swap3A_458, %swap3A_459], %swap3A_462 {strides = array<i32>} : memref<16x1024xf32, #tpu.memory_space<vmem>>, vector<1x16xf32>,
        %add3A_463 = arith.constant 32 : i32
        %add3A_464 = arith.addi %mul3A_435, %add3A_463 : i32
        %get3A_465 = arith.index_cast %shift_right_arithmetic3A_432 : i32 to index
        %get3A_466 = arith.index_cast %add3A_464 : i32 to index
        %get3A_467 = tpu.vector_load %arg6[%get3A_465, %get3A_466] {strides = array<i32>} : memref<16x1024xf32, #tpu.memory_space<vmem>>, vector<1x16xf32>,
        %get3A_468 = vector.shape_cast %get3A_467 : vector<1x16xf32> to vector<16xf32>
        %mul3A_469 = arith.constant 3.200000e+01 : f32
        %mul3A_470 = vector.broadcast %mul3A_469 : f32 to vector<16xf32>
        %mul3A_471 = arith.mulf %get3A_468, %mul3A_470 : vector<16xf32>
        %swap3A_472 = arith.index_cast %shift_right_arithmetic3A_432 : i32 to index
        %swap3A_473 = arith.index_cast %add3A_464 : i32 to index
        %swap3A_474 = tpu.vector_load %arg6[%swap3A_472, %swap3A_473] {strides = array<i32>} : memref<16x1024xf32, #tpu.memory_space<vmem>>, vector<1x16xf32>,
        %swap3A_475 = vector.shape_cast %swap3A_474 : vector<1x16xf32> to vector<16xf32>
        %swap3A_476 = vector.shape_cast %mul3A_471 : vector<16xf32> to vector<1x16xf32>
        tpu.vector_store %arg6[%swap3A_472, %swap3A_473], %swap3A_476 {strides = array<i32>} : memref<16x1024xf32, #tpu.memory_space<vmem>>, vector<1x16xf32>,
        %add3A_477 = arith.constant 48 : i32
        %add3A_478 = arith.addi %mul3A_435, %add3A_477 : i32
        %get3A_479 = arith.index_cast %shift_right_arithmetic3A_432 : i32 to index
        %get3A_480 = arith.index_cast %add3A_478 : i32 to index
        %get3A_481 = tpu.vector_load %arg6[%get3A_479, %get3A_480] {strides = array<i32>} : memref<16x1024xf32, #tpu.memory_space<vmem>>, vector<1x16xf32>,
        %get3A_482 = vector.shape_cast %get3A_481 : vector<1x16xf32> to vector<16xf32>
        %mul3A_483 = arith.constant 3.200000e+01 : f32
        %mul3A_484 = vector.broadcast %mul3A_483 : f32 to vector<16xf32>
        %mul3A_485 = arith.mulf %get3A_482, %mul3A_484 : vector<16xf32>
        %swap3A_486 = arith.index_cast %shift_right_arithmetic3A_432 : i32 to index
        %swap3A_487 = arith.index_cast %add3A_478 : i32 to index
        %swap3A_488 = tpu.vector_load %arg6[%swap3A_486, %swap3A_487] {strides = array<i32>} : memref<16x1024xf32, #tpu.memory_space<vmem>>, vector<1x16xf32>,
        %swap3A_489 = vector.shape_cast %swap3A_488 : vector<1x16xf32> to vector<16xf32>
        %swap3A_490 = vector.shape_cast %mul3A_485 : vector<16xf32> to vector<1x16xf32>
        tpu.vector_store %arg6[%swap3A_486, %swap3A_487], %swap3A_490 {strides = array<i32>} : memref<16x1024xf32, #tpu.memory_space<vmem>>, vector<1x16xf32>,
        %add3A_491 = arith.constant 64 : i32
        %add3A_492 = arith.addi %mul3A_435, %add3A_491 : i32
        %get3A_493 = arith.index_cast %shift_right_arithmetic3A_432 : i32 to index
        %get3A_494 = arith.index_cast %add3A_492 : i32 to index
        %get3A_495 = tpu.vector_load %arg6[%get3A_493, %get3A_494] {strides = array<i32>} : memref<16x1024xf32, #tpu.memory_space<vmem>>, vector<1x16xf32>,
        %get3A_496 = vector.shape_cast %get3A_495 : vector<1x16xf32> to vector<16xf32>
        %mul3A_497 = arith.constant 3.200000e+01 : f32
        %mul3A_498 = vector.broadcast %mul3A_497 : f32 to vector<16xf32>
        %mul3A_499 = arith.mulf %get3A_496, %mul3A_498 : vector<16xf32>
        %swap3A_500 = arith.index_cast %shift_right_arithmetic3A_432 : i32 to index
        %swap3A_501 = arith.index_cast %add3A_492 : i32 to index
        %swap3A_502 = tpu.vector_load %arg6[%swap3A_500, %swap3A_501] {strides = array<i32>} : memref<16x1024xf32, #tpu.memory_space<vmem>>, vector<1x16xf32>,
        %swap3A_503 = vector.shape_cast %swap3A_502 : vector<1x16xf32> to vector<16xf32>
        %swap3A_504 = vector.shape_cast %mul3A_499 : vector<16xf32> to vector<1x16xf32>
        tpu.vector_store %arg6[%swap3A_500, %swap3A_501], %swap3A_504 {strides = array<i32>} : memref<16x1024xf32, #tpu.memory_space<vmem>>, vector<1x16xf32>,
        %add3A_505 = arith.constant 80 : i32
        %add3A_506 = arith.addi %mul3A_435, %add3A_505 : i32
        %get3A_507 = arith.index_cast %shift_right_arithmetic3A_432 : i32 to index
        %get3A_508 = arith.index_cast %add3A_506 : i32 to index
        %get3A_509 = tpu.vector_load %arg6[%get3A_507, %get3A_508] {strides = array<i32>} : memref<16x1024xf32, #tpu.memory_space<vmem>>, vector<1x16xf32>,
        %get3A_510 = vector.shape_cast %get3A_509 : vector<1x16xf32> to vector<16xf32>
        %mul3A_511 = arith.constant 3.200000e+01 : f32
        %mul3A_512 = vector.broadcast %mul3A_511 : f32 to vector<16xf32>
        %mul3A_513 = arith.mulf %get3A_510, %mul3A_512 : vector<16xf32>
        %swap3A_514 = arith.index_cast %shift_right_arithmetic3A_432 : i32 to index
        %swap3A_515 = arith.index_cast %add3A_506 : i32 to index
        %swap3A_516 = tpu.vector_load %arg6[%swap3A_514, %swap3A_515] {strides = array<i32>} : memref<16x1024xf32, #tpu.memory_space<vmem>>, vector<1x16xf32>,
        %swap3A_517 = vector.shape_cast %swap3A_516 : vector<1x16xf32> to vector<16xf32>
        %swap3A_518 = vector.shape_cast %mul3A_513 : vector<16xf32> to vector<1x16xf32>
        tpu.vector_store %arg6[%swap3A_514, %swap3A_515], %swap3A_518 {strides = array<i32>} : memref<16x1024xf32, #tpu.memory_space<vmem>>, vector<1x16xf32>,
        %add3A_519 = arith.constant 96 : i32
        %add3A_520 = arith.addi %mul3A_435, %add3A_519 : i32
        %get3A_521 = arith.index_cast %shift_right_arithmetic3A_432 : i32 to index
        %get3A_522 = arith.index_cast %add3A_520 : i32 to index
        %get3A_523 = tpu.vector_load %arg6[%get3A_521, %get3A_522] {strides = array<i32>} : memref<16x1024xf32, #tpu.memory_space<vmem>>, vector<1x16xf32>,
        %get3A_524 = vector.shape_cast %get3A_523 : vector<1x16xf32> to vector<16xf32>
        %mul3A_525 = arith.constant 3.200000e+01 : f32
        %mul3A_526 = vector.broadcast %mul3A_525 : f32 to vector<16xf32>
        %mul3A_527 = arith.mulf %get3A_524, %mul3A_526 : vector<16xf32>
        %swap3A_528 = arith.index_cast %shift_right_arithmetic3A_432 : i32 to index
        %swap3A_529 = arith.index_cast %add3A_520 : i32 to index
        %swap3A_530 = tpu.vector_load %arg6[%swap3A_528, %swap3A_529] {strides = array<i32>} : memref<16x1024xf32, #tpu.memory_space<vmem>>, vector<1x16xf32>,
        %swap3A_531 = vector.shape_cast %swap3A_530 : vector<1x16xf32> to vector<16xf32>
        %swap3A_532 = vector.shape_cast %mul3A_527 : vector<16xf32> to vector<1x16xf32>
        tpu.vector_store %arg6[%swap3A_528, %swap3A_529], %swap3A_532 {strides = array<i32>} : memref<16x1024xf32, #tpu.memory_space<vmem>>, vector<1x16xf32>,
        %add3A_533 = arith.constant 112 : i32
        %add3A_534 = arith.addi %mul3A_435, %add3A_533 : i32
        %get3A_535 = arith.index_cast %shift_right_arithmetic3A_432 : i32 to index
        %get3A_536 = arith.index_cast %add3A_534 : i32 to index
        %get3A_537 = tpu.vector_load %arg6[%get3A_535, %get3A_536] {strides = array<i32>} : memref<16x1024xf32, #tpu.memory_space<vmem>>, vector<1x16xf32>,
        %get3A_538 = vector.shape_cast %get3A_537 : vector<1x16xf32> to vector<16xf32>
        %mul3A_539 = arith.constant 3.200000e+01 : f32
        %mul3A_540 = vector.broadcast %mul3A_539 : f32 to vector<16xf32>
        %mul3A_541 = arith.mulf %get3A_538, %mul3A_540 : vector<16xf32>
        %swap3A_542 = arith.index_cast %shift_right_arithmetic3A_432 : i32 to index
        %swap3A_543 = arith.index_cast %add3A_534 : i32 to index
        %swap3A_544 = tpu.vector_load %arg6[%swap3A_542, %swap3A_543] {strides = array<i32>} : memref<16x1024xf32, #tpu.memory_space<vmem>>, vector<1x16xf32>,
        %swap3A_545 = vector.shape_cast %swap3A_544 : vector<1x16xf32> to vector<16xf32>
        %swap3A_546 = vector.shape_cast %mul3A_541 : vector<16xf32> to vector<1x16xf32>
        tpu.vector_store %arg6[%swap3A_542, %swap3A_543], %swap3A_546 {strides = array<i32>} : memref<16x1024xf32, #tpu.memory_space<vmem>>, vector<1x16xf32>,
        %scan3A_547 = arith.constant 0 : i32
        scf.yield %scan3A_547 : i32
      }
      %scan3A_287 = arith.constant 128 : i32
      %dma_wait3A_288 = arith.constant 0 : i32
      %dma_wait3A_289 = arith.constant 0 : i32
      %dma_wait3A_290 = tpu.memref_slice %arg4[%dma_wait3A_288, %dma_wait3A_289] : memref<32768x1024xf32, #tpu.memory_space<hbm>> -> memref<16x1024xf32, #tpu.memory_space<hbm>>
      %dma_wait3A_291 = arith.constant 0 : i32
      %dma_wait3A_292 = arith.constant 0 : i32
      %dma_wait3A_293 = tpu.memref_slice %arg4[%dma_wait3A_291, %dma_wait3A_292] : memref<32768x1024xf32, #tpu.memory_space<hbm>> -> memref<16x1024xf32, #tpu.memory_space<hbm>>
      tpu.wait_dma2 semaphore(%arg11 : memref<!tpu.dma_semaphore, #tpu.memory_space<semaphore_mem>>) src(%dma_wait3A_293 : memref<16x1024xf32, #tpu.memory_space<hbm>>) dst(%arg9 : memref<16x1024xf32, #tpu.memory_space<vmem>>)
      %add3A_294 = arith.constant 3 : i32
      %add3A_295 = arith.addi %add3A_274, %add3A_294 : i32
      %mul3A_296 = arith.constant 16 : i32
      %mul3A_297 = arith.muli %add3A_295, %mul3A_296 : i32
      %multiple_of3A_298 = tpu.assume_multiple %mul3A_297, 8 : i32
      %get3A_299 = arith.index_cast %multiple_of3A_298 : i32 to index
      %get3A_300 = tpu.vector_load %arg5[%get3A_299] {strides = array<i32>} : memref<1024xi32, #tpu.memory_space<vmem>>, vector<16xi32>,
      %get3A_301 = vector.shape_cast %get3A_300 : vector<16xi32> to vector<16xi32>
      %dma_start3A_302 = arith.constant 0 : i32
      %dma_start3A_303 = arith.constant 0 : i32
      %dma_start3A_304 = tpu.memref_slice %arg3[%dma_start3A_302, %dma_start3A_303] : memref<100000x1024xf32, #tpu.memory_space<hbm>> -> memref<100000x1024xf32, #tpu.memory_space<hbm>>
      tpu.enqueue_indirect_dma source(%dma_start3A_304 : memref<100000x1024xf32, #tpu.memory_space<hbm>>) target(%arg9 : memref<16x1024xf32, #tpu.memory_space<vmem>>) offsets(%get3A_301 : vector<16xi32>) semaphore(%arg10 : memref<!tpu.dma_semaphore, #tpu.memory_space<semaphore_mem>>)
      %mul3A_305 = arith.constant 16 : i32
      %mul3A_306 = arith.muli %add3A_274, %mul3A_305 : i32
      %add3A_307 = arith.addi %mul3A_2, %mul3A_306 : i32
      %dma_start3A_308 = arith.constant 0 : i32
      %dma_start3A_309 = tpu.memref_slice %arg4[%add3A_307, %dma_start3A_308] : memref<32768x1024xf32, #tpu.memory_space<hbm>> -> memref<16x1024xf32, #tpu.memory_space<hbm>>
      %dma_start3A_310 = arith.constant 0 : i32
      %dma_start3A_311 = tpu.memref_slice %arg4[%add3A_307, %dma_start3A_310] : memref<32768x1024xf32, #tpu.memory_space<hbm>> -> memref<16x1024xf32, #tpu.memory_space<hbm>>
      tpu.enqueue_dma source(%arg6 : memref<16x1024xf32, #tpu.memory_space<vmem>>) target(%dma_start3A_311 : memref<16x1024xf32, #tpu.memory_space<hbm>>) target_semaphore(%arg11 : memref<!tpu.dma_semaphore, #tpu.memory_space<semaphore_mem>>)
      %add3A_312 = arith.constant 1 : i32
      %add3A_313 = arith.addi %mul3A_272, %add3A_312 : i32
      %dma_wait3A_314 = arith.constant 0 : i32
      %dma_wait3A_315 = arith.constant 0 : i32
      %dma_wait3A_316 = tpu.memref_slice %arg4[%dma_wait3A_314, %dma_wait3A_315] : memref<32768x1024xf32, #tpu.memory_space<hbm>> -> memref<16x1024xf32, #tpu.memory_space<hbm>>
      %dma_wait3A_317 = arith.constant 0 : i32
      %dma_wait3A_318 = arith.constant 0 : i32
      %dma_wait3A_319 = tpu.memref_slice %arg4[%dma_wait3A_317, %dma_wait3A_318] : memref<32768x1024xf32, #tpu.memory_space<hbm>> -> memref<16x1024xf32, #tpu.memory_space<hbm>>
      tpu.wait_dma2 semaphore(%arg10 : memref<!tpu.dma_semaphore, #tpu.memory_space<semaphore_mem>>) src(%dma_wait3A_319 : memref<16x1024xf32, #tpu.memory_space<hbm>>) dst(%arg7 : memref<16x1024xf32, #tpu.memory_space<vmem>>)
      %scan3A_320 = arith.constant 0 : i32
      %scan3A_321 = arith.constant 0 : i32
      %scan3A_322 = arith.constant 128 : i32
      %scan3A_323 = arith.addi %scan3A_321, %scan3A_322 : i32
      %scan3A_324 = arith.constant 1 : i32
      %scan3A_325 = scf.for %scan3A_430 = %scan3A_321 to %scan3A_323 step %scan3A_324 iter_args(%scan3A_431 = %scan3A_320) -> (i32)  : i32 {
        %shift_right_arithmetic3A = arith.constant 3 : i32
        %shift_right_arithmetic3A_432 = arith.shrsi %scan3A_430, %shift_right_arithmetic3A : i32
        %and3A = arith.constant 7 : i32
        %and3A_433 = arith.andi %scan3A_430, %and3A : i32
        %mul3A_434 = arith.constant 128 : i32
        %mul3A_435 = arith.muli %and3A_433, %mul3A_434 : i32
        %add3A_436 = arith.constant 0 : i32
        %add3A_437 = arith.addi %mul3A_435, %add3A_436 : i32
        %get3A_438 = arith.index_cast %shift_right_arithmetic3A_432 : i32 to index
        %get3A_439 = arith.index_cast %add3A_437 : i32 to index
        %get3A_440 = tpu.vector_load %arg7[%get3A_438, %get3A_439] {strides = array<i32>} : memref<16x1024xf32, #tpu.memory_space<vmem>>, vector<1x16xf32>,
        %get3A_441 = vector.shape_cast %get3A_440 : vector<1x16xf32> to vector<16xf32>
        %mul3A_442 = arith.constant 3.200000e+01 : f32
        %mul3A_443 = vector.broadcast %mul3A_442 : f32 to vector<16xf32>
        %mul3A_444 = arith.mulf %get3A_441, %mul3A_443 : vector<16xf32>
        %swap3A = arith.index_cast %shift_right_arithmetic3A_432 : i32 to index
        %swap3A_445 = arith.index_cast %add3A_437 : i32 to index
        %swap3A_446 = tpu.vector_load %arg7[%swap3A, %swap3A_445] {strides = array<i32>} : memref<16x1024xf32, #tpu.memory_space<vmem>>, vector<1x16xf32>,
        %swap3A_447 = vector.shape_cast %swap3A_446 : vector<1x16xf32> to vector<16xf32>
        %swap3A_448 = vector.shape_cast %mul3A_444 : vector<16xf32> to vector<1x16xf32>
        tpu.vector_store %arg7[%swap3A, %swap3A_445], %swap3A_448 {strides = array<i32>} : memref<16x1024xf32, #tpu.memory_space<vmem>>, vector<1x16xf32>,
        %add3A_449 = arith.constant 16 : i32
        %add3A_450 = arith.addi %mul3A_435, %add3A_449 : i32
        %get3A_451 = arith.index_cast %shift_right_arithmetic3A_432 : i32 to index
        %get3A_452 = arith.index_cast %add3A_450 : i32 to index
        %get3A_453 = tpu.vector_load %arg7[%get3A_451, %get3A_452] {strides = array<i32>} : memref<16x1024xf32, #tpu.memory_space<vmem>>, vector<1x16xf32>,
        %get3A_454 = vector.shape_cast %get3A_453 : vector<1x16xf32> to vector<16xf32>
        %mul3A_455 = arith.constant 3.200000e+01 : f32
        %mul3A_456 = vector.broadcast %mul3A_455 : f32 to vector<16xf32>
        %mul3A_457 = arith.mulf %get3A_454, %mul3A_456 : vector<16xf32>
        %swap3A_458 = arith.index_cast %shift_right_arithmetic3A_432 : i32 to index
        %swap3A_459 = arith.index_cast %add3A_450 : i32 to index
        %swap3A_460 = tpu.vector_load %arg7[%swap3A_458, %swap3A_459] {strides = array<i32>} : memref<16x1024xf32, #tpu.memory_space<vmem>>, vector<1x16xf32>,
        %swap3A_461 = vector.shape_cast %swap3A_460 : vector<1x16xf32> to vector<16xf32>
        %swap3A_462 = vector.shape_cast %mul3A_457 : vector<16xf32> to vector<1x16xf32>
        tpu.vector_store %arg7[%swap3A_458, %swap3A_459], %swap3A_462 {strides = array<i32>} : memref<16x1024xf32, #tpu.memory_space<vmem>>, vector<1x16xf32>,
        %add3A_463 = arith.constant 32 : i32
        %add3A_464 = arith.addi %mul3A_435, %add3A_463 : i32
        %get3A_465 = arith.index_cast %shift_right_arithmetic3A_432 : i32 to index
        %get3A_466 = arith.index_cast %add3A_464 : i32 to index
        %get3A_467 = tpu.vector_load %arg7[%get3A_465, %get3A_466] {strides = array<i32>} : memref<16x1024xf32, #tpu.memory_space<vmem>>, vector<1x16xf32>,
        %get3A_468 = vector.shape_cast %get3A_467 : vector<1x16xf32> to vector<16xf32>
        %mul3A_469 = arith.constant 3.200000e+01 : f32
        %mul3A_470 = vector.broadcast %mul3A_469 : f32 to vector<16xf32>
        %mul3A_471 = arith.mulf %get3A_468, %mul3A_470 : vector<16xf32>
        %swap3A_472 = arith.index_cast %shift_right_arithmetic3A_432 : i32 to index
        %swap3A_473 = arith.index_cast %add3A_464 : i32 to index
        %swap3A_474 = tpu.vector_load %arg7[%swap3A_472, %swap3A_473] {strides = array<i32>} : memref<16x1024xf32, #tpu.memory_space<vmem>>, vector<1x16xf32>,
        %swap3A_475 = vector.shape_cast %swap3A_474 : vector<1x16xf32> to vector<16xf32>
        %swap3A_476 = vector.shape_cast %mul3A_471 : vector<16xf32> to vector<1x16xf32>
        tpu.vector_store %arg7[%swap3A_472, %swap3A_473], %swap3A_476 {strides = array<i32>} : memref<16x1024xf32, #tpu.memory_space<vmem>>, vector<1x16xf32>,
        %add3A_477 = arith.constant 48 : i32
        %add3A_478 = arith.addi %mul3A_435, %add3A_477 : i32
        %get3A_479 = arith.index_cast %shift_right_arithmetic3A_432 : i32 to index
        %get3A_480 = arith.index_cast %add3A_478 : i32 to index
        %get3A_481 = tpu.vector_load %arg7[%get3A_479, %get3A_480] {strides = array<i32>} : memref<16x1024xf32, #tpu.memory_space<vmem>>, vector<1x16xf32>,
        %get3A_482 = vector.shape_cast %get3A_481 : vector<1x16xf32> to vector<16xf32>
        %mul3A_483 = arith.constant 3.200000e+01 : f32
        %mul3A_484 = vector.broadcast %mul3A_483 : f32 to vector<16xf32>
        %mul3A_485 = arith.mulf %get3A_482, %mul3A_484 : vector<16xf32>
        %swap3A_486 = arith.index_cast %shift_right_arithmetic3A_432 : i32 to index
        %swap3A_487 = arith.index_cast %add3A_478 : i32 to index
        %swap3A_488 = tpu.vector_load %arg7[%swap3A_486, %swap3A_487] {strides = array<i32>} : memref<16x1024xf32, #tpu.memory_space<vmem>>, vector<1x16xf32>,
        %swap3A_489 = vector.shape_cast %swap3A_488 : vector<1x16xf32> to vector<16xf32>
        %swap3A_490 = vector.shape_cast %mul3A_485 : vector<16xf32> to vector<1x16xf32>
        tpu.vector_store %arg7[%swap3A_486, %swap3A_487], %swap3A_490 {strides = array<i32>} : memref<16x1024xf32, #tpu.memory_space<vmem>>, vector<1x16xf32>,
        %add3A_491 = arith.constant 64 : i32
        %add3A_492 = arith.addi %mul3A_435, %add3A_491 : i32
        %get3A_493 = arith.index_cast %shift_right_arithmetic3A_432 : i32 to index
        %get3A_494 = arith.index_cast %add3A_492 : i32 to index
        %get3A_495 = tpu.vector_load %arg7[%get3A_493, %get3A_494] {strides = array<i32>} : memref<16x1024xf32, #tpu.memory_space<vmem>>, vector<1x16xf32>,
        %get3A_496 = vector.shape_cast %get3A_495 : vector<1x16xf32> to vector<16xf32>
        %mul3A_497 = arith.constant 3.200000e+01 : f32
        %mul3A_498 = vector.broadcast %mul3A_497 : f32 to vector<16xf32>
        %mul3A_499 = arith.mulf %get3A_496, %mul3A_498 : vector<16xf32>
        %swap3A_500 = arith.index_cast %shift_right_arithmetic3A_432 : i32 to index
        %swap3A_501 = arith.index_cast %add3A_492 : i32 to index
        %swap3A_502 = tpu.vector_load %arg7[%swap3A_500, %swap3A_501] {strides = array<i32>} : memref<16x1024xf32, #tpu.memory_space<vmem>>, vector<1x16xf32>,
        %swap3A_503 = vector.shape_cast %swap3A_502 : vector<1x16xf32> to vector<16xf32>
        %swap3A_504 = vector.shape_cast %mul3A_499 : vector<16xf32> to vector<1x16xf32>
        tpu.vector_store %arg7[%swap3A_500, %swap3A_501], %swap3A_504 {strides = array<i32>} : memref<16x1024xf32, #tpu.memory_space<vmem>>, vector<1x16xf32>,
        %add3A_505 = arith.constant 80 : i32
        %add3A_506 = arith.addi %mul3A_435, %add3A_505 : i32
        %get3A_507 = arith.index_cast %shift_right_arithmetic3A_432 : i32 to index
        %get3A_508 = arith.index_cast %add3A_506 : i32 to index
        %get3A_509 = tpu.vector_load %arg7[%get3A_507, %get3A_508] {strides = array<i32>} : memref<16x1024xf32, #tpu.memory_space<vmem>>, vector<1x16xf32>,
        %get3A_510 = vector.shape_cast %get3A_509 : vector<1x16xf32> to vector<16xf32>
        %mul3A_511 = arith.constant 3.200000e+01 : f32
        %mul3A_512 = vector.broadcast %mul3A_511 : f32 to vector<16xf32>
        %mul3A_513 = arith.mulf %get3A_510, %mul3A_512 : vector<16xf32>
        %swap3A_514 = arith.index_cast %shift_right_arithmetic3A_432 : i32 to index
        %swap3A_515 = arith.index_cast %add3A_506 : i32 to index
        %swap3A_516 = tpu.vector_load %arg7[%swap3A_514, %swap3A_515] {strides = array<i32>} : memref<16x1024xf32, #tpu.memory_space<vmem>>, vector<1x16xf32>,
        %swap3A_517 = vector.shape_cast %swap3A_516 : vector<1x16xf32> to vector<16xf32>
        %swap3A_518 = vector.shape_cast %mul3A_513 : vector<16xf32> to vector<1x16xf32>
        tpu.vector_store %arg7[%swap3A_514, %swap3A_515], %swap3A_518 {strides = array<i32>} : memref<16x1024xf32, #tpu.memory_space<vmem>>, vector<1x16xf32>,
        %add3A_519 = arith.constant 96 : i32
        %add3A_520 = arith.addi %mul3A_435, %add3A_519 : i32
        %get3A_521 = arith.index_cast %shift_right_arithmetic3A_432 : i32 to index
        %get3A_522 = arith.index_cast %add3A_520 : i32 to index
        %get3A_523 = tpu.vector_load %arg7[%get3A_521, %get3A_522] {strides = array<i32>} : memref<16x1024xf32, #tpu.memory_space<vmem>>, vector<1x16xf32>,
        %get3A_524 = vector.shape_cast %get3A_523 : vector<1x16xf32> to vector<16xf32>
        %mul3A_525 = arith.constant 3.200000e+01 : f32
        %mul3A_526 = vector.broadcast %mul3A_525 : f32 to vector<16xf32>
        %mul3A_527 = arith.mulf %get3A_524, %mul3A_526 : vector<16xf32>
        %swap3A_528 = arith.index_cast %shift_right_arithmetic3A_432 : i32 to index
        %swap3A_529 = arith.index_cast %add3A_520 : i32 to index
        %swap3A_530 = tpu.vector_load %arg7[%swap3A_528, %swap3A_529] {strides = array<i32>} : memref<16x1024xf32, #tpu.memory_space<vmem>>, vector<1x16xf32>,
        %swap3A_531 = vector.shape_cast %swap3A_530 : vector<1x16xf32> to vector<16xf32>
        %swap3A_532 = vector.shape_cast %mul3A_527 : vector<16xf32> to vector<1x16xf32>
        tpu.vector_store %arg7[%swap3A_528, %swap3A_529], %swap3A_532 {strides = array<i32>} : memref<16x1024xf32, #tpu.memory_space<vmem>>, vector<1x16xf32>,
        %add3A_533 = arith.constant 112 : i32
        %add3A_534 = arith.addi %mul3A_435, %add3A_533 : i32
        %get3A_535 = arith.index_cast %shift_right_arithmetic3A_432 : i32 to index
        %get3A_536 = arith.index_cast %add3A_534 : i32 to index
        %get3A_537 = tpu.vector_load %arg7[%get3A_535, %get3A_536] {strides = array<i32>} : memref<16x1024xf32, #tpu.memory_space<vmem>>, vector<1x16xf32>,
        %get3A_538 = vector.shape_cast %get3A_537 : vector<1x16xf32> to vector<16xf32>
        %mul3A_539 = arith.constant 3.200000e+01 : f32
        %mul3A_540 = vector.broadcast %mul3A_539 : f32 to vector<16xf32>
        %mul3A_541 = arith.mulf %get3A_538, %mul3A_540 : vector<16xf32>
        %swap3A_542 = arith.index_cast %shift_right_arithmetic3A_432 : i32 to index
        %swap3A_543 = arith.index_cast %add3A_534 : i32 to index
        %swap3A_544 = tpu.vector_load %arg7[%swap3A_542, %swap3A_543] {strides = array<i32>} : memref<16x1024xf32, #tpu.memory_space<vmem>>, vector<1x16xf32>,
        %swap3A_545 = vector.shape_cast %swap3A_544 : vector<1x16xf32> to vector<16xf32>
        %swap3A_546 = vector.shape_cast %mul3A_541 : vector<16xf32> to vector<1x16xf32>
        tpu.vector_store %arg7[%swap3A_542, %swap3A_543], %swap3A_546 {strides = array<i32>} : memref<16x1024xf32, #tpu.memory_space<vmem>>, vector<1x16xf32>,
        %scan3A_547 = arith.constant 0 : i32
        scf.yield %scan3A_547 : i32
      }
      %scan3A_326 = arith.constant 128 : i32
      %dma_wait3A_327 = arith.constant 0 : i32
      %dma_wait3A_328 = arith.constant 0 : i32
      %dma_wait3A_329 = tpu.memref_slice %arg4[%dma_wait3A_327, %dma_wait3A_328] : memref<32768x1024xf32, #tpu.memory_space<hbm>> -> memref<16x1024xf32, #tpu.memory_space<hbm>>
      %dma_wait3A_330 = arith.constant 0 : i32
      %dma_wait3A_331 = arith.constant 0 : i32
      %dma_wait3A_332 = tpu.memref_slice %arg4[%dma_wait3A_330, %dma_wait3A_331] : memref<32768x1024xf32, #tpu.memory_space<hbm>> -> memref<16x1024xf32, #tpu.memory_space<hbm>>
      tpu.wait_dma2 semaphore(%arg11 : memref<!tpu.dma_semaphore, #tpu.memory_space<semaphore_mem>>) src(%dma_wait3A_332 : memref<16x1024xf32, #tpu.memory_space<hbm>>) dst(%arg6 : memref<16x1024xf32, #tpu.memory_space<vmem>>)
      %add3A_333 = arith.constant 3 : i32
      %add3A_334 = arith.addi %add3A_313, %add3A_333 : i32
      %mul3A_335 = arith.constant 16 : i32
      %mul3A_336 = arith.muli %add3A_334, %mul3A_335 : i32
      %multiple_of3A_337 = tpu.assume_multiple %mul3A_336, 8 : i32
      %get3A_338 = arith.index_cast %multiple_of3A_337 : i32 to index
      %get3A_339 = tpu.vector_load %arg5[%get3A_338] {strides = array<i32>} : memref<1024xi32, #tpu.memory_space<vmem>>, vector<16xi32>,
      %get3A_340 = vector.shape_cast %get3A_339 : vector<16xi32> to vector<16xi32>
      %dma_start3A_341 = arith.constant 0 : i32
      %dma_start3A_342 = arith.constant 0 : i32
      %dma_start3A_343 = tpu.memref_slice %arg3[%dma_start3A_341, %dma_start3A_342] : memref<100000x1024xf32, #tpu.memory_space<hbm>> -> memref<100000x1024xf32, #tpu.memory_space<hbm>>
      tpu.enqueue_indirect_dma source(%dma_start3A_343 : memref<100000x1024xf32, #tpu.memory_space<hbm>>) target(%arg6 : memref<16x1024xf32, #tpu.memory_space<vmem>>) offsets(%get3A_340 : vector<16xi32>) semaphore(%arg10 : memref<!tpu.dma_semaphore, #tpu.memory_space<semaphore_mem>>)
      %mul3A_344 = arith.constant 16 : i32
      %mul3A_345 = arith.muli %add3A_313, %mul3A_344 : i32
      %add3A_346 = arith.addi %mul3A_2, %mul3A_345 : i32
      %dma_start3A_347 = arith.constant 0 : i32
      %dma_start3A_348 = tpu.memref_slice %arg4[%add3A_346, %dma_start3A_347] : memref<32768x1024xf32, #tpu.memory_space<hbm>> -> memref<16x1024xf32, #tpu.memory_space<hbm>>
      %dma_start3A_349 = arith.constant 0 : i32
      %dma_start3A_350 = tpu.memref_slice %arg4[%add3A_346, %dma_start3A_349] : memref<32768x1024xf32, #tpu.memory_space<hbm>> -> memref<16x1024xf32, #tpu.memory_space<hbm>>
      tpu.enqueue_dma source(%arg7 : memref<16x1024xf32, #tpu.memory_space<vmem>>) target(%dma_start3A_350 : memref<16x1024xf32, #tpu.memory_space<hbm>>) target_semaphore(%arg11 : memref<!tpu.dma_semaphore, #tpu.memory_space<semaphore_mem>>)
      %add3A_351 = arith.constant 2 : i32
      %add3A_352 = arith.addi %mul3A_272, %add3A_351 : i32
      %dma_wait3A_353 = arith.constant 0 : i32
      %dma_wait3A_354 = arith.constant 0 : i32
      %dma_wait3A_355 = tpu.memref_slice %arg4[%dma_wait3A_353, %dma_wait3A_354] : memref<32768x1024xf32, #tpu.memory_space<hbm>> -> memref<16x1024xf32, #tpu.memory_space<hbm>>
      %dma_wait3A_356 = arith.constant 0 : i32
      %dma_wait3A_357 = arith.constant 0 : i32
      %dma_wait3A_358 = tpu.memref_slice %arg4[%dma_wait3A_356, %dma_wait3A_357] : memref<32768x1024xf32, #tpu.memory_space<hbm>> -> memref<16x1024xf32, #tpu.memory_space<hbm>>
      tpu.wait_dma2 semaphore(%arg10 : memref<!tpu.dma_semaphore, #tpu.memory_space<semaphore_mem>>) src(%dma_wait3A_358 : memref<16x1024xf32, #tpu.memory_space<hbm>>) dst(%arg8 : memref<16x1024xf32, #tpu.memory_space<vmem>>)
      %scan3A_359 = arith.constant 0 : i32
      %scan3A_360 = arith.constant 0 : i32
      %scan3A_361 = arith.constant 128 : i32
      %scan3A_362 = arith.addi %scan3A_360, %scan3A_361 : i32
      %scan3A_363 = arith.constant 1 : i32
      %scan3A_364 = scf.for %scan3A_430 = %scan3A_360 to %scan3A_362 step %scan3A_363 iter_args(%scan3A_431 = %scan3A_359) -> (i32)  : i32 {
        %shift_right_arithmetic3A = arith.constant 3 : i32
        %shift_right_arithmetic3A_432 = arith.shrsi %scan3A_430, %shift_right_arithmetic3A : i32
        %and3A = arith.constant 7 : i32
        %and3A_433 = arith.andi %scan3A_430, %and3A : i32
        %mul3A_434 = arith.constant 128 : i32
        %mul3A_435 = arith.muli %and3A_433, %mul3A_434 : i32
        %add3A_436 = arith.constant 0 : i32
        %add3A_437 = arith.addi %mul3A_435, %add3A_436 : i32
        %get3A_438 = arith.index_cast %shift_right_arithmetic3A_432 : i32 to index
        %get3A_439 = arith.index_cast %add3A_437 : i32 to index
        %get3A_440 = tpu.vector_load %arg8[%get3A_438, %get3A_439] {strides = array<i32>} : memref<16x1024xf32, #tpu.memory_space<vmem>>, vector<1x16xf32>,
        %get3A_441 = vector.shape_cast %get3A_440 : vector<1x16xf32> to vector<16xf32>
        %mul3A_442 = arith.constant 3.200000e+01 : f32
        %mul3A_443 = vector.broadcast %mul3A_442 : f32 to vector<16xf32>
        %mul3A_444 = arith.mulf %get3A_441, %mul3A_443 : vector<16xf32>
        %swap3A = arith.index_cast %shift_right_arithmetic3A_432 : i32 to index
        %swap3A_445 = arith.index_cast %add3A_437 : i32 to index
        %swap3A_446 = tpu.vector_load %arg8[%swap3A, %swap3A_445] {strides = array<i32>} : memref<16x1024xf32, #tpu.memory_space<vmem>>, vector<1x16xf32>,
        %swap3A_447 = vector.shape_cast %swap3A_446 : vector<1x16xf32> to vector<16xf32>
        %swap3A_448 = vector.shape_cast %mul3A_444 : vector<16xf32> to vector<1x16xf32>
        tpu.vector_store %arg8[%swap3A, %swap3A_445], %swap3A_448 {strides = array<i32>} : memref<16x1024xf32, #tpu.memory_space<vmem>>, vector<1x16xf32>,
        %add3A_449 = arith.constant 16 : i32
        %add3A_450 = arith.addi %mul3A_435, %add3A_449 : i32
        %get3A_451 = arith.index_cast %shift_right_arithmetic3A_432 : i32 to index
        %get3A_452 = arith.index_cast %add3A_450 : i32 to index
        %get3A_453 = tpu.vector_load %arg8[%get3A_451, %get3A_452] {strides = array<i32>} : memref<16x1024xf32, #tpu.memory_space<vmem>>, vector<1x16xf32>,
        %get3A_454 = vector.shape_cast %get3A_453 : vector<1x16xf32> to vector<16xf32>
        %mul3A_455 = arith.constant 3.200000e+01 : f32
        %mul3A_456 = vector.broadcast %mul3A_455 : f32 to vector<16xf32>
        %mul3A_457 = arith.mulf %get3A_454, %mul3A_456 : vector<16xf32>
        %swap3A_458 = arith.index_cast %shift_right_arithmetic3A_432 : i32 to index
        %swap3A_459 = arith.index_cast %add3A_450 : i32 to index
        %swap3A_460 = tpu.vector_load %arg8[%swap3A_458, %swap3A_459] {strides = array<i32>} : memref<16x1024xf32, #tpu.memory_space<vmem>>, vector<1x16xf32>,
        %swap3A_461 = vector.shape_cast %swap3A_460 : vector<1x16xf32> to vector<16xf32>
        %swap3A_462 = vector.shape_cast %mul3A_457 : vector<16xf32> to vector<1x16xf32>
        tpu.vector_store %arg8[%swap3A_458, %swap3A_459], %swap3A_462 {strides = array<i32>} : memref<16x1024xf32, #tpu.memory_space<vmem>>, vector<1x16xf32>,
        %add3A_463 = arith.constant 32 : i32
        %add3A_464 = arith.addi %mul3A_435, %add3A_463 : i32
        %get3A_465 = arith.index_cast %shift_right_arithmetic3A_432 : i32 to index
        %get3A_466 = arith.index_cast %add3A_464 : i32 to index
        %get3A_467 = tpu.vector_load %arg8[%get3A_465, %get3A_466] {strides = array<i32>} : memref<16x1024xf32, #tpu.memory_space<vmem>>, vector<1x16xf32>,
        %get3A_468 = vector.shape_cast %get3A_467 : vector<1x16xf32> to vector<16xf32>
        %mul3A_469 = arith.constant 3.200000e+01 : f32
        %mul3A_470 = vector.broadcast %mul3A_469 : f32 to vector<16xf32>
        %mul3A_471 = arith.mulf %get3A_468, %mul3A_470 : vector<16xf32>
        %swap3A_472 = arith.index_cast %shift_right_arithmetic3A_432 : i32 to index
        %swap3A_473 = arith.index_cast %add3A_464 : i32 to index
        %swap3A_474 = tpu.vector_load %arg8[%swap3A_472, %swap3A_473] {strides = array<i32>} : memref<16x1024xf32, #tpu.memory_space<vmem>>, vector<1x16xf32>,
        %swap3A_475 = vector.shape_cast %swap3A_474 : vector<1x16xf32> to vector<16xf32>
        %swap3A_476 = vector.shape_cast %mul3A_471 : vector<16xf32> to vector<1x16xf32>
        tpu.vector_store %arg8[%swap3A_472, %swap3A_473], %swap3A_476 {strides = array<i32>} : memref<16x1024xf32, #tpu.memory_space<vmem>>, vector<1x16xf32>,
        %add3A_477 = arith.constant 48 : i32
        %add3A_478 = arith.addi %mul3A_435, %add3A_477 : i32
        %get3A_479 = arith.index_cast %shift_right_arithmetic3A_432 : i32 to index
        %get3A_480 = arith.index_cast %add3A_478 : i32 to index
        %get3A_481 = tpu.vector_load %arg8[%get3A_479, %get3A_480] {strides = array<i32>} : memref<16x1024xf32, #tpu.memory_space<vmem>>, vector<1x16xf32>,
        %get3A_482 = vector.shape_cast %get3A_481 : vector<1x16xf32> to vector<16xf32>
        %mul3A_483 = arith.constant 3.200000e+01 : f32
        %mul3A_484 = vector.broadcast %mul3A_483 : f32 to vector<16xf32>
        %mul3A_485 = arith.mulf %get3A_482, %mul3A_484 : vector<16xf32>
        %swap3A_486 = arith.index_cast %shift_right_arithmetic3A_432 : i32 to index
        %swap3A_487 = arith.index_cast %add3A_478 : i32 to index
        %swap3A_488 = tpu.vector_load %arg8[%swap3A_486, %swap3A_487] {strides = array<i32>} : memref<16x1024xf32, #tpu.memory_space<vmem>>, vector<1x16xf32>,
        %swap3A_489 = vector.shape_cast %swap3A_488 : vector<1x16xf32> to vector<16xf32>
        %swap3A_490 = vector.shape_cast %mul3A_485 : vector<16xf32> to vector<1x16xf32>
        tpu.vector_store %arg8[%swap3A_486, %swap3A_487], %swap3A_490 {strides = array<i32>} : memref<16x1024xf32, #tpu.memory_space<vmem>>, vector<1x16xf32>,
        %add3A_491 = arith.constant 64 : i32
        %add3A_492 = arith.addi %mul3A_435, %add3A_491 : i32
        %get3A_493 = arith.index_cast %shift_right_arithmetic3A_432 : i32 to index
        %get3A_494 = arith.index_cast %add3A_492 : i32 to index
        %get3A_495 = tpu.vector_load %arg8[%get3A_493, %get3A_494] {strides = array<i32>} : memref<16x1024xf32, #tpu.memory_space<vmem>>, vector<1x16xf32>,
        %get3A_496 = vector.shape_cast %get3A_495 : vector<1x16xf32> to vector<16xf32>
        %mul3A_497 = arith.constant 3.200000e+01 : f32
        %mul3A_498 = vector.broadcast %mul3A_497 : f32 to vector<16xf32>
        %mul3A_499 = arith.mulf %get3A_496, %mul3A_498 : vector<16xf32>
        %swap3A_500 = arith.index_cast %shift_right_arithmetic3A_432 : i32 to index
        %swap3A_501 = arith.index_cast %add3A_492 : i32 to index
        %swap3A_502 = tpu.vector_load %arg8[%swap3A_500, %swap3A_501] {strides = array<i32>} : memref<16x1024xf32, #tpu.memory_space<vmem>>, vector<1x16xf32>,
        %swap3A_503 = vector.shape_cast %swap3A_502 : vector<1x16xf32> to vector<16xf32>
        %swap3A_504 = vector.shape_cast %mul3A_499 : vector<16xf32> to vector<1x16xf32>
        tpu.vector_store %arg8[%swap3A_500, %swap3A_501], %swap3A_504 {strides = array<i32>} : memref<16x1024xf32, #tpu.memory_space<vmem>>, vector<1x16xf32>,
        %add3A_505 = arith.constant 80 : i32
        %add3A_506 = arith.addi %mul3A_435, %add3A_505 : i32
        %get3A_507 = arith.index_cast %shift_right_arithmetic3A_432 : i32 to index
        %get3A_508 = arith.index_cast %add3A_506 : i32 to index
        %get3A_509 = tpu.vector_load %arg8[%get3A_507, %get3A_508] {strides = array<i32>} : memref<16x1024xf32, #tpu.memory_space<vmem>>, vector<1x16xf32>,
        %get3A_510 = vector.shape_cast %get3A_509 : vector<1x16xf32> to vector<16xf32>
        %mul3A_511 = arith.constant 3.200000e+01 : f32
        %mul3A_512 = vector.broadcast %mul3A_511 : f32 to vector<16xf32>
        %mul3A_513 = arith.mulf %get3A_510, %mul3A_512 : vector<16xf32>
        %swap3A_514 = arith.index_cast %shift_right_arithmetic3A_432 : i32 to index
        %swap3A_515 = arith.index_cast %add3A_506 : i32 to index
        %swap3A_516 = tpu.vector_load %arg8[%swap3A_514, %swap3A_515] {strides = array<i32>} : memref<16x1024xf32, #tpu.memory_space<vmem>>, vector<1x16xf32>,
        %swap3A_517 = vector.shape_cast %swap3A_516 : vector<1x16xf32> to vector<16xf32>
        %swap3A_518 = vector.shape_cast %mul3A_513 : vector<16xf32> to vector<1x16xf32>
        tpu.vector_store %arg8[%swap3A_514, %swap3A_515], %swap3A_518 {strides = array<i32>} : memref<16x1024xf32, #tpu.memory_space<vmem>>, vector<1x16xf32>,
        %add3A_519 = arith.constant 96 : i32
        %add3A_520 = arith.addi %mul3A_435, %add3A_519 : i32
        %get3A_521 = arith.index_cast %shift_right_arithmetic3A_432 : i32 to index
        %get3A_522 = arith.index_cast %add3A_520 : i32 to index
        %get3A_523 = tpu.vector_load %arg8[%get3A_521, %get3A_522] {strides = array<i32>} : memref<16x1024xf32, #tpu.memory_space<vmem>>, vector<1x16xf32>,
        %get3A_524 = vector.shape_cast %get3A_523 : vector<1x16xf32> to vector<16xf32>
        %mul3A_525 = arith.constant 3.200000e+01 : f32
        %mul3A_526 = vector.broadcast %mul3A_525 : f32 to vector<16xf32>
        %mul3A_527 = arith.mulf %get3A_524, %mul3A_526 : vector<16xf32>
        %swap3A_528 = arith.index_cast %shift_right_arithmetic3A_432 : i32 to index
        %swap3A_529 = arith.index_cast %add3A_520 : i32 to index
        %swap3A_530 = tpu.vector_load %arg8[%swap3A_528, %swap3A_529] {strides = array<i32>} : memref<16x1024xf32, #tpu.memory_space<vmem>>, vector<1x16xf32>,
        %swap3A_531 = vector.shape_cast %swap3A_530 : vector<1x16xf32> to vector<16xf32>
        %swap3A_532 = vector.shape_cast %mul3A_527 : vector<16xf32> to vector<1x16xf32>
        tpu.vector_store %arg8[%swap3A_528, %swap3A_529], %swap3A_532 {strides = array<i32>} : memref<16x1024xf32, #tpu.memory_space<vmem>>, vector<1x16xf32>,
        %add3A_533 = arith.constant 112 : i32
        %add3A_534 = arith.addi %mul3A_435, %add3A_533 : i32
        %get3A_535 = arith.index_cast %shift_right_arithmetic3A_432 : i32 to index
        %get3A_536 = arith.index_cast %add3A_534 : i32 to index
        %get3A_537 = tpu.vector_load %arg8[%get3A_535, %get3A_536] {strides = array<i32>} : memref<16x1024xf32, #tpu.memory_space<vmem>>, vector<1x16xf32>,
        %get3A_538 = vector.shape_cast %get3A_537 : vector<1x16xf32> to vector<16xf32>
        %mul3A_539 = arith.constant 3.200000e+01 : f32
        %mul3A_540 = vector.broadcast %mul3A_539 : f32 to vector<16xf32>
        %mul3A_541 = arith.mulf %get3A_538, %mul3A_540 : vector<16xf32>
        %swap3A_542 = arith.index_cast %shift_right_arithmetic3A_432 : i32 to index
        %swap3A_543 = arith.index_cast %add3A_534 : i32 to index
        %swap3A_544 = tpu.vector_load %arg8[%swap3A_542, %swap3A_543] {strides = array<i32>} : memref<16x1024xf32, #tpu.memory_space<vmem>>, vector<1x16xf32>,
        %swap3A_545 = vector.shape_cast %swap3A_544 : vector<1x16xf32> to vector<16xf32>
        %swap3A_546 = vector.shape_cast %mul3A_541 : vector<16xf32> to vector<1x16xf32>
        tpu.vector_store %arg8[%swap3A_542, %swap3A_543], %swap3A_546 {strides = array<i32>} : memref<16x1024xf32, #tpu.memory_space<vmem>>, vector<1x16xf32>,
        %scan3A_547 = arith.constant 0 : i32
        scf.yield %scan3A_547 : i32
      }
      %scan3A_365 = arith.constant 128 : i32
      %dma_wait3A_366 = arith.constant 0 : i32
      %dma_wait3A_367 = arith.constant 0 : i32
      %dma_wait3A_368 = tpu.memref_slice %arg4[%dma_wait3A_366, %dma_wait3A_367] : memref<32768x1024xf32, #tpu.memory_space<hbm>> -> memref<16x1024xf32, #tpu.memory_space<hbm>>
      %dma_wait3A_369 = arith.constant 0 : i32
      %dma_wait3A_370 = arith.constant 0 : i32
      %dma_wait3A_371 = tpu.memref_slice %arg4[%dma_wait3A_369, %dma_wait3A_370] : memref<32768x1024xf32, #tpu.memory_space<hbm>> -> memref<16x1024xf32, #tpu.memory_space<hbm>>
      tpu.wait_dma2 semaphore(%arg11 : memref<!tpu.dma_semaphore, #tpu.memory_space<semaphore_mem>>) src(%dma_wait3A_371 : memref<16x1024xf32, #tpu.memory_space<hbm>>) dst(%arg7 : memref<16x1024xf32, #tpu.memory_space<vmem>>)
      %add3A_372 = arith.constant 3 : i32
      %add3A_373 = arith.addi %add3A_352, %add3A_372 : i32
      %mul3A_374 = arith.constant 16 : i32
      %mul3A_375 = arith.muli %add3A_373, %mul3A_374 : i32
      %multiple_of3A_376 = tpu.assume_multiple %mul3A_375, 8 : i32
      %get3A_377 = arith.index_cast %multiple_of3A_376 : i32 to index
      %get3A_378 = tpu.vector_load %arg5[%get3A_377] {strides = array<i32>} : memref<1024xi32, #tpu.memory_space<vmem>>, vector<16xi32>,
      %get3A_379 = vector.shape_cast %get3A_378 : vector<16xi32> to vector<16xi32>
      %dma_start3A_380 = arith.constant 0 : i32
      %dma_start3A_381 = arith.constant 0 : i32
      %dma_start3A_382 = tpu.memref_slice %arg3[%dma_start3A_380, %dma_start3A_381] : memref<100000x1024xf32, #tpu.memory_space<hbm>> -> memref<100000x1024xf32, #tpu.memory_space<hbm>>
      tpu.enqueue_indirect_dma source(%dma_start3A_382 : memref<100000x1024xf32, #tpu.memory_space<hbm>>) target(%arg7 : memref<16x1024xf32, #tpu.memory_space<vmem>>) offsets(%get3A_379 : vector<16xi32>) semaphore(%arg10 : memref<!tpu.dma_semaphore, #tpu.memory_space<semaphore_mem>>)
      %mul3A_383 = arith.constant 16 : i32
      %mul3A_384 = arith.muli %add3A_352, %mul3A_383 : i32
      %add3A_385 = arith.addi %mul3A_2, %mul3A_384 : i32
      %dma_start3A_386 = arith.constant 0 : i32
      %dma_start3A_387 = tpu.memref_slice %arg4[%add3A_385, %dma_start3A_386] : memref<32768x1024xf32, #tpu.memory_space<hbm>> -> memref<16x1024xf32, #tpu.memory_space<hbm>>
      %dma_start3A_388 = arith.constant 0 : i32
      %dma_start3A_389 = tpu.memref_slice %arg4[%add3A_385, %dma_start3A_388] : memref<32768x1024xf32, #tpu.memory_space<hbm>> -> memref<16x1024xf32, #tpu.memory_space<hbm>>
      tpu.enqueue_dma source(%arg8 : memref<16x1024xf32, #tpu.memory_space<vmem>>) target(%dma_start3A_389 : memref<16x1024xf32, #tpu.memory_space<hbm>>) target_semaphore(%arg11 : memref<!tpu.dma_semaphore, #tpu.memory_space<semaphore_mem>>)
      %add3A_390 = arith.constant 3 : i32
      %add3A_391 = arith.addi %mul3A_272, %add3A_390 : i32
      %dma_wait3A_392 = arith.constant 0 : i32
      %dma_wait3A_393 = arith.constant 0 : i32
      %dma_wait3A_394 = tpu.memref_slice %arg4[%dma_wait3A_392, %dma_wait3A_393] : memref<32768x1024xf32, #tpu.memory_space<hbm>> -> memref<16x1024xf32, #tpu.memory_space<hbm>>
      %dma_wait3A_395 = arith.constant 0 : i32
      %dma_wait3A_396 = arith.constant 0 : i32
      %dma_wait3A_397 = tpu.memref_slice %arg4[%dma_wait3A_395, %dma_wait3A_396] : memref<32768x1024xf32, #tpu.memory_space<hbm>> -> memref<16x1024xf32, #tpu.memory_space<hbm>>
      tpu.wait_dma2 semaphore(%arg10 : memref<!tpu.dma_semaphore, #tpu.memory_space<semaphore_mem>>) src(%dma_wait3A_397 : memref<16x1024xf32, #tpu.memory_space<hbm>>) dst(%arg9 : memref<16x1024xf32, #tpu.memory_space<vmem>>)
      %scan3A_398 = arith.constant 0 : i32
      %scan3A_399 = arith.constant 0 : i32
      %scan3A_400 = arith.constant 128 : i32
      %scan3A_401 = arith.addi %scan3A_399, %scan3A_400 : i32
      %scan3A_402 = arith.constant 1 : i32
      %scan3A_403 = scf.for %scan3A_430 = %scan3A_399 to %scan3A_401 step %scan3A_402 iter_args(%scan3A_431 = %scan3A_398) -> (i32)  : i32 {
        %shift_right_arithmetic3A = arith.constant 3 : i32
        %shift_right_arithmetic3A_432 = arith.shrsi %scan3A_430, %shift_right_arithmetic3A : i32
        %and3A = arith.constant 7 : i32
        %and3A_433 = arith.andi %scan3A_430, %and3A : i32
        %mul3A_434 = arith.constant 128 : i32
        %mul3A_435 = arith.muli %and3A_433, %mul3A_434 : i32
        %add3A_436 = arith.constant 0 : i32
        %add3A_437 = arith.addi %mul3A_435, %add3A_436 : i32
        %get3A_438 = arith.index_cast %shift_right_arithmetic3A_432 : i32 to index
        %get3A_439 = arith.index_cast %add3A_437 : i32 to index
        %get3A_440 = tpu.vector_load %arg9[%get3A_438, %get3A_439] {strides = array<i32>} : memref<16x1024xf32, #tpu.memory_space<vmem>>, vector<1x16xf32>,
        %get3A_441 = vector.shape_cast %get3A_440 : vector<1x16xf32> to vector<16xf32>
        %mul3A_442 = arith.constant 3.200000e+01 : f32
        %mul3A_443 = vector.broadcast %mul3A_442 : f32 to vector<16xf32>
        %mul3A_444 = arith.mulf %get3A_441, %mul3A_443 : vector<16xf32>
        %swap3A = arith.index_cast %shift_right_arithmetic3A_432 : i32 to index
        %swap3A_445 = arith.index_cast %add3A_437 : i32 to index
        %swap3A_446 = tpu.vector_load %arg9[%swap3A, %swap3A_445] {strides = array<i32>} : memref<16x1024xf32, #tpu.memory_space<vmem>>, vector<1x16xf32>,
        %swap3A_447 = vector.shape_cast %swap3A_446 : vector<1x16xf32> to vector<16xf32>
        %swap3A_448 = vector.shape_cast %mul3A_444 : vector<16xf32> to vector<1x16xf32>
        tpu.vector_store %arg9[%swap3A, %swap3A_445], %swap3A_448 {strides = array<i32>} : memref<16x1024xf32, #tpu.memory_space<vmem>>, vector<1x16xf32>,
        %add3A_449 = arith.constant 16 : i32
        %add3A_450 = arith.addi %mul3A_435, %add3A_449 : i32
        %get3A_451 = arith.index_cast %shift_right_arithmetic3A_432 : i32 to index
        %get3A_452 = arith.index_cast %add3A_450 : i32 to index
        %get3A_453 = tpu.vector_load %arg9[%get3A_451, %get3A_452] {strides = array<i32>} : memref<16x1024xf32, #tpu.memory_space<vmem>>, vector<1x16xf32>,
        %get3A_454 = vector.shape_cast %get3A_453 : vector<1x16xf32> to vector<16xf32>
        %mul3A_455 = arith.constant 3.200000e+01 : f32
        %mul3A_456 = vector.broadcast %mul3A_455 : f32 to vector<16xf32>
        %mul3A_457 = arith.mulf %get3A_454, %mul3A_456 : vector<16xf32>
        %swap3A_458 = arith.index_cast %shift_right_arithmetic3A_432 : i32 to index
        %swap3A_459 = arith.index_cast %add3A_450 : i32 to index
        %swap3A_460 = tpu.vector_load %arg9[%swap3A_458, %swap3A_459] {strides = array<i32>} : memref<16x1024xf32, #tpu.memory_space<vmem>>, vector<1x16xf32>,
        %swap3A_461 = vector.shape_cast %swap3A_460 : vector<1x16xf32> to vector<16xf32>
        %swap3A_462 = vector.shape_cast %mul3A_457 : vector<16xf32> to vector<1x16xf32>
        tpu.vector_store %arg9[%swap3A_458, %swap3A_459], %swap3A_462 {strides = array<i32>} : memref<16x1024xf32, #tpu.memory_space<vmem>>, vector<1x16xf32>,
        %add3A_463 = arith.constant 32 : i32
        %add3A_464 = arith.addi %mul3A_435, %add3A_463 : i32
        %get3A_465 = arith.index_cast %shift_right_arithmetic3A_432 : i32 to index
        %get3A_466 = arith.index_cast %add3A_464 : i32 to index
        %get3A_467 = tpu.vector_load %arg9[%get3A_465, %get3A_466] {strides = array<i32>} : memref<16x1024xf32, #tpu.memory_space<vmem>>, vector<1x16xf32>,
        %get3A_468 = vector.shape_cast %get3A_467 : vector<1x16xf32> to vector<16xf32>
        %mul3A_469 = arith.constant 3.200000e+01 : f32
        %mul3A_470 = vector.broadcast %mul3A_469 : f32 to vector<16xf32>
        %mul3A_471 = arith.mulf %get3A_468, %mul3A_470 : vector<16xf32>
        %swap3A_472 = arith.index_cast %shift_right_arithmetic3A_432 : i32 to index
        %swap3A_473 = arith.index_cast %add3A_464 : i32 to index
        %swap3A_474 = tpu.vector_load %arg9[%swap3A_472, %swap3A_473] {strides = array<i32>} : memref<16x1024xf32, #tpu.memory_space<vmem>>, vector<1x16xf32>,
        %swap3A_475 = vector.shape_cast %swap3A_474 : vector<1x16xf32> to vector<16xf32>
        %swap3A_476 = vector.shape_cast %mul3A_471 : vector<16xf32> to vector<1x16xf32>
        tpu.vector_store %arg9[%swap3A_472, %swap3A_473], %swap3A_476 {strides = array<i32>} : memref<16x1024xf32, #tpu.memory_space<vmem>>, vector<1x16xf32>,
        %add3A_477 = arith.constant 48 : i32
        %add3A_478 = arith.addi %mul3A_435, %add3A_477 : i32
        %get3A_479 = arith.index_cast %shift_right_arithmetic3A_432 : i32 to index
        %get3A_480 = arith.index_cast %add3A_478 : i32 to index
        %get3A_481 = tpu.vector_load %arg9[%get3A_479, %get3A_480] {strides = array<i32>} : memref<16x1024xf32, #tpu.memory_space<vmem>>, vector<1x16xf32>,
        %get3A_482 = vector.shape_cast %get3A_481 : vector<1x16xf32> to vector<16xf32>
        %mul3A_483 = arith.constant 3.200000e+01 : f32
        %mul3A_484 = vector.broadcast %mul3A_483 : f32 to vector<16xf32>
        %mul3A_485 = arith.mulf %get3A_482, %mul3A_484 : vector<16xf32>
        %swap3A_486 = arith.index_cast %shift_right_arithmetic3A_432 : i32 to index
        %swap3A_487 = arith.index_cast %add3A_478 : i32 to index
        %swap3A_488 = tpu.vector_load %arg9[%swap3A_486, %swap3A_487] {strides = array<i32>} : memref<16x1024xf32, #tpu.memory_space<vmem>>, vector<1x16xf32>,
        %swap3A_489 = vector.shape_cast %swap3A_488 : vector<1x16xf32> to vector<16xf32>
        %swap3A_490 = vector.shape_cast %mul3A_485 : vector<16xf32> to vector<1x16xf32>
        tpu.vector_store %arg9[%swap3A_486, %swap3A_487], %swap3A_490 {strides = array<i32>} : memref<16x1024xf32, #tpu.memory_space<vmem>>, vector<1x16xf32>,
        %add3A_491 = arith.constant 64 : i32
        %add3A_492 = arith.addi %mul3A_435, %add3A_491 : i32
        %get3A_493 = arith.index_cast %shift_right_arithmetic3A_432 : i32 to index
        %get3A_494 = arith.index_cast %add3A_492 : i32 to index
        %get3A_495 = tpu.vector_load %arg9[%get3A_493, %get3A_494] {strides = array<i32>} : memref<16x1024xf32, #tpu.memory_space<vmem>>, vector<1x16xf32>,
        %get3A_496 = vector.shape_cast %get3A_495 : vector<1x16xf32> to vector<16xf32>
        %mul3A_497 = arith.constant 3.200000e+01 : f32
        %mul3A_498 = vector.broadcast %mul3A_497 : f32 to vector<16xf32>
        %mul3A_499 = arith.mulf %get3A_496, %mul3A_498 : vector<16xf32>
        %swap3A_500 = arith.index_cast %shift_right_arithmetic3A_432 : i32 to index
        %swap3A_501 = arith.index_cast %add3A_492 : i32 to index
        %swap3A_502 = tpu.vector_load %arg9[%swap3A_500, %swap3A_501] {strides = array<i32>} : memref<16x1024xf32, #tpu.memory_space<vmem>>, vector<1x16xf32>,
        %swap3A_503 = vector.shape_cast %swap3A_502 : vector<1x16xf32> to vector<16xf32>
        %swap3A_504 = vector.shape_cast %mul3A_499 : vector<16xf32> to vector<1x16xf32>
        tpu.vector_store %arg9[%swap3A_500, %swap3A_501], %swap3A_504 {strides = array<i32>} : memref<16x1024xf32, #tpu.memory_space<vmem>>, vector<1x16xf32>,
        %add3A_505 = arith.constant 80 : i32
        %add3A_506 = arith.addi %mul3A_435, %add3A_505 : i32
        %get3A_507 = arith.index_cast %shift_right_arithmetic3A_432 : i32 to index
        %get3A_508 = arith.index_cast %add3A_506 : i32 to index
        %get3A_509 = tpu.vector_load %arg9[%get3A_507, %get3A_508] {strides = array<i32>} : memref<16x1024xf32, #tpu.memory_space<vmem>>, vector<1x16xf32>,
        %get3A_510 = vector.shape_cast %get3A_509 : vector<1x16xf32> to vector<16xf32>
        %mul3A_511 = arith.constant 3.200000e+01 : f32
        %mul3A_512 = vector.broadcast %mul3A_511 : f32 to vector<16xf32>
        %mul3A_513 = arith.mulf %get3A_510, %mul3A_512 : vector<16xf32>
        %swap3A_514 = arith.index_cast %shift_right_arithmetic3A_432 : i32 to index
        %swap3A_515 = arith.index_cast %add3A_506 : i32 to index
        %swap3A_516 = tpu.vector_load %arg9[%swap3A_514, %swap3A_515] {strides = array<i32>} : memref<16x1024xf32, #tpu.memory_space<vmem>>, vector<1x16xf32>,
        %swap3A_517 = vector.shape_cast %swap3A_516 : vector<1x16xf32> to vector<16xf32>
        %swap3A_518 = vector.shape_cast %mul3A_513 : vector<16xf32> to vector<1x16xf32>
        tpu.vector_store %arg9[%swap3A_514, %swap3A_515], %swap3A_518 {strides = array<i32>} : memref<16x1024xf32, #tpu.memory_space<vmem>>, vector<1x16xf32>,
        %add3A_519 = arith.constant 96 : i32
        %add3A_520 = arith.addi %mul3A_435, %add3A_519 : i32
        %get3A_521 = arith.index_cast %shift_right_arithmetic3A_432 : i32 to index
        %get3A_522 = arith.index_cast %add3A_520 : i32 to index
        %get3A_523 = tpu.vector_load %arg9[%get3A_521, %get3A_522] {strides = array<i32>} : memref<16x1024xf32, #tpu.memory_space<vmem>>, vector<1x16xf32>,
        %get3A_524 = vector.shape_cast %get3A_523 : vector<1x16xf32> to vector<16xf32>
        %mul3A_525 = arith.constant 3.200000e+01 : f32
        %mul3A_526 = vector.broadcast %mul3A_525 : f32 to vector<16xf32>
        %mul3A_527 = arith.mulf %get3A_524, %mul3A_526 : vector<16xf32>
        %swap3A_528 = arith.index_cast %shift_right_arithmetic3A_432 : i32 to index
        %swap3A_529 = arith.index_cast %add3A_520 : i32 to index
        %swap3A_530 = tpu.vector_load %arg9[%swap3A_528, %swap3A_529] {strides = array<i32>} : memref<16x1024xf32, #tpu.memory_space<vmem>>, vector<1x16xf32>,
        %swap3A_531 = vector.shape_cast %swap3A_530 : vector<1x16xf32> to vector<16xf32>
        %swap3A_532 = vector.shape_cast %mul3A_527 : vector<16xf32> to vector<1x16xf32>
        tpu.vector_store %arg9[%swap3A_528, %swap3A_529], %swap3A_532 {strides = array<i32>} : memref<16x1024xf32, #tpu.memory_space<vmem>>, vector<1x16xf32>,
        %add3A_533 = arith.constant 112 : i32
        %add3A_534 = arith.addi %mul3A_435, %add3A_533 : i32
        %get3A_535 = arith.index_cast %shift_right_arithmetic3A_432 : i32 to index
        %get3A_536 = arith.index_cast %add3A_534 : i32 to index
        %get3A_537 = tpu.vector_load %arg9[%get3A_535, %get3A_536] {strides = array<i32>} : memref<16x1024xf32, #tpu.memory_space<vmem>>, vector<1x16xf32>,
        %get3A_538 = vector.shape_cast %get3A_537 : vector<1x16xf32> to vector<16xf32>
        %mul3A_539 = arith.constant 3.200000e+01 : f32
        %mul3A_540 = vector.broadcast %mul3A_539 : f32 to vector<16xf32>
        %mul3A_541 = arith.mulf %get3A_538, %mul3A_540 : vector<16xf32>
        %swap3A_542 = arith.index_cast %shift_right_arithmetic3A_432 : i32 to index
        %swap3A_543 = arith.index_cast %add3A_534 : i32 to index
        %swap3A_544 = tpu.vector_load %arg9[%swap3A_542, %swap3A_543] {strides = array<i32>} : memref<16x1024xf32, #tpu.memory_space<vmem>>, vector<1x16xf32>,
        %swap3A_545 = vector.shape_cast %swap3A_544 : vector<1x16xf32> to vector<16xf32>
        %swap3A_546 = vector.shape_cast %mul3A_541 : vector<16xf32> to vector<1x16xf32>
        tpu.vector_store %arg9[%swap3A_542, %swap3A_543], %swap3A_546 {strides = array<i32>} : memref<16x1024xf32, #tpu.memory_space<vmem>>, vector<1x16xf32>,
        %scan3A_547 = arith.constant 0 : i32
        scf.yield %scan3A_547 : i32
      }
      %scan3A_404 = arith.constant 128 : i32
      %dma_wait3A_405 = arith.constant 0 : i32
      %dma_wait3A_406 = arith.constant 0 : i32
      %dma_wait3A_407 = tpu.memref_slice %arg4[%dma_wait3A_405, %dma_wait3A_406] : memref<32768x1024xf32, #tpu.memory_space<hbm>> -> memref<16x1024xf32, #tpu.memory_space<hbm>>
      %dma_wait3A_408 = arith.constant 0 : i32
      %dma_wait3A_409 = arith.constant 0 : i32
      %dma_wait3A_410 = tpu.memref_slice %arg4[%dma_wait3A_408, %dma_wait3A_409] : memref<32768x1024xf32, #tpu.memory_space<hbm>> -> memref<16x1024xf32, #tpu.memory_space<hbm>>
      tpu.wait_dma2 semaphore(%arg11 : memref<!tpu.dma_semaphore, #tpu.memory_space<semaphore_mem>>) src(%dma_wait3A_410 : memref<16x1024xf32, #tpu.memory_space<hbm>>) dst(%arg8 : memref<16x1024xf32, #tpu.memory_space<vmem>>)
      %add3A_411 = arith.constant 3 : i32
      %add3A_412 = arith.addi %add3A_391, %add3A_411 : i32
      %mul3A_413 = arith.constant 16 : i32
      %mul3A_414 = arith.muli %add3A_412, %mul3A_413 : i32
      %multiple_of3A_415 = tpu.assume_multiple %mul3A_414, 8 : i32
      %get3A_416 = arith.index_cast %multiple_of3A_415 : i32 to index
      %get3A_417 = tpu.vector_load %arg5[%get3A_416] {strides = array<i32>} : memref<1024xi32, #tpu.memory_space<vmem>>, vector<16xi32>,
      %get3A_418 = vector.shape_cast %get3A_417 : vector<16xi32> to vector<16xi32>
      %dma_start3A_419 = arith.constant 0 : i32
      %dma_start3A_420 = arith.constant 0 : i32
      %dma_start3A_421 = tpu.memref_slice %arg3[%dma_start3A_419, %dma_start3A_420] : memref<100000x1024xf32, #tpu.memory_space<hbm>> -> memref<100000x1024xf32, #tpu.memory_space<hbm>>
      tpu.enqueue_indirect_dma source(%dma_start3A_421 : memref<100000x1024xf32, #tpu.memory_space<hbm>>) target(%arg8 : memref<16x1024xf32, #tpu.memory_space<vmem>>) offsets(%get3A_418 : vector<16xi32>) semaphore(%arg10 : memref<!tpu.dma_semaphore, #tpu.memory_space<semaphore_mem>>)
      %mul3A_422 = arith.constant 16 : i32
      %mul3A_423 = arith.muli %add3A_391, %mul3A_422 : i32
      %add3A_424 = arith.addi %mul3A_2, %mul3A_423 : i32
      %dma_start3A_425 = arith.constant 0 : i32
      %dma_start3A_426 = tpu.memref_slice %arg4[%add3A_424, %dma_start3A_425] : memref<32768x1024xf32, #tpu.memory_space<hbm>> -> memref<16x1024xf32, #tpu.memory_space<hbm>>
      %dma_start3A_427 = arith.constant 0 : i32
      %dma_start3A_428 = tpu.memref_slice %arg4[%add3A_424, %dma_start3A_427] : memref<32768x1024xf32, #tpu.memory_space<hbm>> -> memref<16x1024xf32, #tpu.memory_space<hbm>>
      tpu.enqueue_dma source(%arg9 : memref<16x1024xf32, #tpu.memory_space<vmem>>) target(%dma_start3A_428 : memref<16x1024xf32, #tpu.memory_space<hbm>>) target_semaphore(%arg11 : memref<!tpu.dma_semaphore, #tpu.memory_space<semaphore_mem>>)
      %scan3A_429 = arith.constant 0 : i32
      scf.yield %scan3A_429 : i32
    }
    %scan3A_154 = arith.constant 14 : i32
    %dma_wait3A_155 = arith.constant 0 : i32
    %dma_wait3A_156 = arith.constant 0 : i32
    %dma_wait3A_157 = tpu.memref_slice %arg4[%dma_wait3A_155, %dma_wait3A_156] : memref<32768x1024xf32, #tpu.memory_space<hbm>> -> memref<16x1024xf32, #tpu.memory_space<hbm>>
    %dma_wait3A_158 = arith.constant 0 : i32
    %dma_wait3A_159 = arith.constant 0 : i32
    %dma_wait3A_160 = tpu.memref_slice %arg4[%dma_wait3A_158, %dma_wait3A_159] : memref<32768x1024xf32, #tpu.memory_space<hbm>> -> memref<16x1024xf32, #tpu.memory_space<hbm>>
    tpu.wait_dma2 semaphore(%arg10 : memref<!tpu.dma_semaphore, #tpu.memory_space<semaphore_mem>>) src(%dma_wait3A_160 : memref<16x1024xf32, #tpu.memory_space<hbm>>) dst(%arg6 : memref<16x1024xf32, #tpu.memory_space<vmem>>)
    %scan3A_161 = arith.constant 0 : i32
    %scan3A_162 = arith.constant 0 : i32
    %scan3A_163 = arith.constant 128 : i32
    %scan3A_164 = arith.addi %scan3A_162, %scan3A_163 : i32
    %scan3A_165 = arith.constant 1 : i32
    %scan3A_166 = scf.for %scan3A_269 = %scan3A_162 to %scan3A_164 step %scan3A_165 iter_args(%scan3A_270 = %scan3A_161) -> (i32)  : i32 {
      %shift_right_arithmetic3A = arith.constant 3 : i32
      %shift_right_arithmetic3A_271 = arith.shrsi %scan3A_269, %shift_right_arithmetic3A : i32
      %and3A = arith.constant 7 : i32
      %and3A_272 = arith.andi %scan3A_269, %and3A : i32
      %mul3A_273 = arith.constant 128 : i32
      %mul3A_274 = arith.muli %and3A_272, %mul3A_273 : i32
      %add3A_275 = arith.constant 0 : i32
      %add3A_276 = arith.addi %mul3A_274, %add3A_275 : i32
      %get3A_277 = arith.index_cast %shift_right_arithmetic3A_271 : i32 to index
      %get3A_278 = arith.index_cast %add3A_276 : i32 to index
      %get3A_279 = tpu.vector_load %arg6[%get3A_277, %get3A_278] {strides = array<i32>} : memref<16x1024xf32, #tpu.memory_space<vmem>>, vector<1x16xf32>,
      %get3A_280 = vector.shape_cast %get3A_279 : vector<1x16xf32> to vector<16xf32>
      %mul3A_281 = arith.constant 3.200000e+01 : f32
      %mul3A_282 = vector.broadcast %mul3A_281 : f32 to vector<16xf32>
      %mul3A_283 = arith.mulf %get3A_280, %mul3A_282 : vector<16xf32>
      %swap3A = arith.index_cast %shift_right_arithmetic3A_271 : i32 to index
      %swap3A_284 = arith.index_cast %add3A_276 : i32 to index
      %swap3A_285 = tpu.vector_load %arg6[%swap3A, %swap3A_284] {strides = array<i32>} : memref<16x1024xf32, #tpu.memory_space<vmem>>, vector<1x16xf32>,
      %swap3A_286 = vector.shape_cast %swap3A_285 : vector<1x16xf32> to vector<16xf32>
      %swap3A_287 = vector.shape_cast %mul3A_283 : vector<16xf32> to vector<1x16xf32>
      tpu.vector_store %arg6[%swap3A, %swap3A_284], %swap3A_287 {strides = array<i32>} : memref<16x1024xf32, #tpu.memory_space<vmem>>, vector<1x16xf32>,
      %add3A_288 = arith.constant 16 : i32
      %add3A_289 = arith.addi %mul3A_274, %add3A_288 : i32
      %get3A_290 = arith.index_cast %shift_right_arithmetic3A_271 : i32 to index
      %get3A_291 = arith.index_cast %add3A_289 : i32 to index
      %get3A_292 = tpu.vector_load %arg6[%get3A_290, %get3A_291] {strides = array<i32>} : memref<16x1024xf32, #tpu.memory_space<vmem>>, vector<1x16xf32>,
      %get3A_293 = vector.shape_cast %get3A_292 : vector<1x16xf32> to vector<16xf32>
      %mul3A_294 = arith.constant 3.200000e+01 : f32
      %mul3A_295 = vector.broadcast %mul3A_294 : f32 to vector<16xf32>
      %mul3A_296 = arith.mulf %get3A_293, %mul3A_295 : vector<16xf32>
      %swap3A_297 = arith.index_cast %shift_right_arithmetic3A_271 : i32 to index
      %swap3A_298 = arith.index_cast %add3A_289 : i32 to index
      %swap3A_299 = tpu.vector_load %arg6[%swap3A_297, %swap3A_298] {strides = array<i32>} : memref<16x1024xf32, #tpu.memory_space<vmem>>, vector<1x16xf32>,
      %swap3A_300 = vector.shape_cast %swap3A_299 : vector<1x16xf32> to vector<16xf32>
      %swap3A_301 = vector.shape_cast %mul3A_296 : vector<16xf32> to vector<1x16xf32>
      tpu.vector_store %arg6[%swap3A_297, %swap3A_298], %swap3A_301 {strides = array<i32>} : memref<16x1024xf32, #tpu.memory_space<vmem>>, vector<1x16xf32>,
      %add3A_302 = arith.constant 32 : i32
      %add3A_303 = arith.addi %mul3A_274, %add3A_302 : i32
      %get3A_304 = arith.index_cast %shift_right_arithmetic3A_271 : i32 to index
      %get3A_305 = arith.index_cast %add3A_303 : i32 to index
      %get3A_306 = tpu.vector_load %arg6[%get3A_304, %get3A_305] {strides = array<i32>} : memref<16x1024xf32, #tpu.memory_space<vmem>>, vector<1x16xf32>,
      %get3A_307 = vector.shape_cast %get3A_306 : vector<1x16xf32> to vector<16xf32>
      %mul3A_308 = arith.constant 3.200000e+01 : f32
      %mul3A_309 = vector.broadcast %mul3A_308 : f32 to vector<16xf32>
      %mul3A_310 = arith.mulf %get3A_307, %mul3A_309 : vector<16xf32>
      %swap3A_311 = arith.index_cast %shift_right_arithmetic3A_271 : i32 to index
      %swap3A_312 = arith.index_cast %add3A_303 : i32 to index
      %swap3A_313 = tpu.vector_load %arg6[%swap3A_311, %swap3A_312] {strides = array<i32>} : memref<16x1024xf32, #tpu.memory_space<vmem>>, vector<1x16xf32>,
      %swap3A_314 = vector.shape_cast %swap3A_313 : vector<1x16xf32> to vector<16xf32>
      %swap3A_315 = vector.shape_cast %mul3A_310 : vector<16xf32> to vector<1x16xf32>
      tpu.vector_store %arg6[%swap3A_311, %swap3A_312], %swap3A_315 {strides = array<i32>} : memref<16x1024xf32, #tpu.memory_space<vmem>>, vector<1x16xf32>,
      %add3A_316 = arith.constant 48 : i32
      %add3A_317 = arith.addi %mul3A_274, %add3A_316 : i32
      %get3A_318 = arith.index_cast %shift_right_arithmetic3A_271 : i32 to index
      %get3A_319 = arith.index_cast %add3A_317 : i32 to index
      %get3A_320 = tpu.vector_load %arg6[%get3A_318, %get3A_319] {strides = array<i32>} : memref<16x1024xf32, #tpu.memory_space<vmem>>, vector<1x16xf32>,
      %get3A_321 = vector.shape_cast %get3A_320 : vector<1x16xf32> to vector<16xf32>
      %mul3A_322 = arith.constant 3.200000e+01 : f32
      %mul3A_323 = vector.broadcast %mul3A_322 : f32 to vector<16xf32>
      %mul3A_324 = arith.mulf %get3A_321, %mul3A_323 : vector<16xf32>
      %swap3A_325 = arith.index_cast %shift_right_arithmetic3A_271 : i32 to index
      %swap3A_326 = arith.index_cast %add3A_317 : i32 to index
      %swap3A_327 = tpu.vector_load %arg6[%swap3A_325, %swap3A_326] {strides = array<i32>} : memref<16x1024xf32, #tpu.memory_space<vmem>>, vector<1x16xf32>,
      %swap3A_328 = vector.shape_cast %swap3A_327 : vector<1x16xf32> to vector<16xf32>
      %swap3A_329 = vector.shape_cast %mul3A_324 : vector<16xf32> to vector<1x16xf32>
      tpu.vector_store %arg6[%swap3A_325, %swap3A_326], %swap3A_329 {strides = array<i32>} : memref<16x1024xf32, #tpu.memory_space<vmem>>, vector<1x16xf32>,
      %add3A_330 = arith.constant 64 : i32
      %add3A_331 = arith.addi %mul3A_274, %add3A_330 : i32
      %get3A_332 = arith.index_cast %shift_right_arithmetic3A_271 : i32 to index
      %get3A_333 = arith.index_cast %add3A_331 : i32 to index
      %get3A_334 = tpu.vector_load %arg6[%get3A_332, %get3A_333] {strides = array<i32>} : memref<16x1024xf32, #tpu.memory_space<vmem>>, vector<1x16xf32>,
      %get3A_335 = vector.shape_cast %get3A_334 : vector<1x16xf32> to vector<16xf32>
      %mul3A_336 = arith.constant 3.200000e+01 : f32
      %mul3A_337 = vector.broadcast %mul3A_336 : f32 to vector<16xf32>
      %mul3A_338 = arith.mulf %get3A_335, %mul3A_337 : vector<16xf32>
      %swap3A_339 = arith.index_cast %shift_right_arithmetic3A_271 : i32 to index
      %swap3A_340 = arith.index_cast %add3A_331 : i32 to index
      %swap3A_341 = tpu.vector_load %arg6[%swap3A_339, %swap3A_340] {strides = array<i32>} : memref<16x1024xf32, #tpu.memory_space<vmem>>, vector<1x16xf32>,
      %swap3A_342 = vector.shape_cast %swap3A_341 : vector<1x16xf32> to vector<16xf32>
      %swap3A_343 = vector.shape_cast %mul3A_338 : vector<16xf32> to vector<1x16xf32>
      tpu.vector_store %arg6[%swap3A_339, %swap3A_340], %swap3A_343 {strides = array<i32>} : memref<16x1024xf32, #tpu.memory_space<vmem>>, vector<1x16xf32>,
      %add3A_344 = arith.constant 80 : i32
      %add3A_345 = arith.addi %mul3A_274, %add3A_344 : i32
      %get3A_346 = arith.index_cast %shift_right_arithmetic3A_271 : i32 to index
      %get3A_347 = arith.index_cast %add3A_345 : i32 to index
      %get3A_348 = tpu.vector_load %arg6[%get3A_346, %get3A_347] {strides = array<i32>} : memref<16x1024xf32, #tpu.memory_space<vmem>>, vector<1x16xf32>,
      %get3A_349 = vector.shape_cast %get3A_348 : vector<1x16xf32> to vector<16xf32>
      %mul3A_350 = arith.constant 3.200000e+01 : f32
      %mul3A_351 = vector.broadcast %mul3A_350 : f32 to vector<16xf32>
      %mul3A_352 = arith.mulf %get3A_349, %mul3A_351 : vector<16xf32>
      %swap3A_353 = arith.index_cast %shift_right_arithmetic3A_271 : i32 to index
      %swap3A_354 = arith.index_cast %add3A_345 : i32 to index
      %swap3A_355 = tpu.vector_load %arg6[%swap3A_353, %swap3A_354] {strides = array<i32>} : memref<16x1024xf32, #tpu.memory_space<vmem>>, vector<1x16xf32>,
      %swap3A_356 = vector.shape_cast %swap3A_355 : vector<1x16xf32> to vector<16xf32>
      %swap3A_357 = vector.shape_cast %mul3A_352 : vector<16xf32> to vector<1x16xf32>
      tpu.vector_store %arg6[%swap3A_353, %swap3A_354], %swap3A_357 {strides = array<i32>} : memref<16x1024xf32, #tpu.memory_space<vmem>>, vector<1x16xf32>,
      %add3A_358 = arith.constant 96 : i32
      %add3A_359 = arith.addi %mul3A_274, %add3A_358 : i32
      %get3A_360 = arith.index_cast %shift_right_arithmetic3A_271 : i32 to index
      %get3A_361 = arith.index_cast %add3A_359 : i32 to index
      %get3A_362 = tpu.vector_load %arg6[%get3A_360, %get3A_361] {strides = array<i32>} : memref<16x1024xf32, #tpu.memory_space<vmem>>, vector<1x16xf32>,
      %get3A_363 = vector.shape_cast %get3A_362 : vector<1x16xf32> to vector<16xf32>
      %mul3A_364 = arith.constant 3.200000e+01 : f32
      %mul3A_365 = vector.broadcast %mul3A_364 : f32 to vector<16xf32>
      %mul3A_366 = arith.mulf %get3A_363, %mul3A_365 : vector<16xf32>
      %swap3A_367 = arith.index_cast %shift_right_arithmetic3A_271 : i32 to index
      %swap3A_368 = arith.index_cast %add3A_359 : i32 to index
      %swap3A_369 = tpu.vector_load %arg6[%swap3A_367, %swap3A_368] {strides = array<i32>} : memref<16x1024xf32, #tpu.memory_space<vmem>>, vector<1x16xf32>,
      %swap3A_370 = vector.shape_cast %swap3A_369 : vector<1x16xf32> to vector<16xf32>
      %swap3A_371 = vector.shape_cast %mul3A_366 : vector<16xf32> to vector<1x16xf32>
      tpu.vector_store %arg6[%swap3A_367, %swap3A_368], %swap3A_371 {strides = array<i32>} : memref<16x1024xf32, #tpu.memory_space<vmem>>, vector<1x16xf32>,
      %add3A_372 = arith.constant 112 : i32
      %add3A_373 = arith.addi %mul3A_274, %add3A_372 : i32
      %get3A_374 = arith.index_cast %shift_right_arithmetic3A_271 : i32 to index
      %get3A_375 = arith.index_cast %add3A_373 : i32 to index
      %get3A_376 = tpu.vector_load %arg6[%get3A_374, %get3A_375] {strides = array<i32>} : memref<16x1024xf32, #tpu.memory_space<vmem>>, vector<1x16xf32>,
      %get3A_377 = vector.shape_cast %get3A_376 : vector<1x16xf32> to vector<16xf32>
      %mul3A_378 = arith.constant 3.200000e+01 : f32
      %mul3A_379 = vector.broadcast %mul3A_378 : f32 to vector<16xf32>
      %mul3A_380 = arith.mulf %get3A_377, %mul3A_379 : vector<16xf32>
      %swap3A_381 = arith.index_cast %shift_right_arithmetic3A_271 : i32 to index
      %swap3A_382 = arith.index_cast %add3A_373 : i32 to index
      %swap3A_383 = tpu.vector_load %arg6[%swap3A_381, %swap3A_382] {strides = array<i32>} : memref<16x1024xf32, #tpu.memory_space<vmem>>, vector<1x16xf32>,
      %swap3A_384 = vector.shape_cast %swap3A_383 : vector<1x16xf32> to vector<16xf32>
      %swap3A_385 = vector.shape_cast %mul3A_380 : vector<16xf32> to vector<1x16xf32>
      tpu.vector_store %arg6[%swap3A_381, %swap3A_382], %swap3A_385 {strides = array<i32>} : memref<16x1024xf32, #tpu.memory_space<vmem>>, vector<1x16xf32>,
      %scan3A_386 = arith.constant 0 : i32
      scf.yield %scan3A_386 : i32
    }
    %scan3A_167 = arith.constant 128 : i32
    %dma_wait3A_168 = arith.constant 0 : i32
    %dma_wait3A_169 = arith.constant 0 : i32
    %dma_wait3A_170 = tpu.memref_slice %arg4[%dma_wait3A_168, %dma_wait3A_169] : memref<32768x1024xf32, #tpu.memory_space<hbm>> -> memref<16x1024xf32, #tpu.memory_space<hbm>>
    %dma_wait3A_171 = arith.constant 0 : i32
    %dma_wait3A_172 = arith.constant 0 : i32
    %dma_wait3A_173 = tpu.memref_slice %arg4[%dma_wait3A_171, %dma_wait3A_172] : memref<32768x1024xf32, #tpu.memory_space<hbm>> -> memref<16x1024xf32, #tpu.memory_space<hbm>>
    tpu.wait_dma2 semaphore(%arg11 : memref<!tpu.dma_semaphore, #tpu.memory_space<semaphore_mem>>) src(%dma_wait3A_173 : memref<16x1024xf32, #tpu.memory_space<hbm>>) dst(%arg9 : memref<16x1024xf32, #tpu.memory_space<vmem>>)
    %multiple_of3A_174 = arith.constant 1008 : i32
    %multiple_of3A_175 = tpu.assume_multiple %multiple_of3A_174, 8 : i32
    %get3A_176 = arith.index_cast %multiple_of3A_175 : i32 to index
    %get3A_177 = tpu.vector_load %arg5[%get3A_176] {strides = array<i32>} : memref<1024xi32, #tpu.memory_space<vmem>>, vector<16xi32>,
    %get3A_178 = vector.shape_cast %get3A_177 : vector<16xi32> to vector<16xi32>
    %dma_start3A_179 = arith.constant 0 : i32
    %dma_start3A_180 = arith.constant 0 : i32
    %dma_start3A_181 = tpu.memref_slice %arg3[%dma_start3A_179, %dma_start3A_180] : memref<100000x1024xf32, #tpu.memory_space<hbm>> -> memref<100000x1024xf32, #tpu.memory_space<hbm>>
    tpu.enqueue_indirect_dma source(%dma_start3A_181 : memref<100000x1024xf32, #tpu.memory_space<hbm>>) target(%arg9 : memref<16x1024xf32, #tpu.memory_space<vmem>>) offsets(%get3A_178 : vector<16xi32>) semaphore(%arg10 : memref<!tpu.dma_semaphore, #tpu.memory_space<semaphore_mem>>)
    %add3A_182 = arith.constant 960 : i32
    %add3A_183 = arith.addi %mul3A_2, %add3A_182 : i32
    %dma_start3A_184 = arith.constant 0 : i32
    %dma_start3A_185 = tpu.memref_slice %arg4[%add3A_183, %dma_start3A_184] : memref<32768x1024xf32, #tpu.memory_space<hbm>> -> memref<16x1024xf32, #tpu.memory_space<hbm>>
    %dma_start3A_186 = arith.constant 0 : i32
    %dma_start3A_187 = tpu.memref_slice %arg4[%add3A_183, %dma_start3A_186] : memref<32768x1024xf32, #tpu.memory_space<hbm>> -> memref<16x1024xf32, #tpu.memory_space<hbm>>
    tpu.enqueue_dma source(%arg6 : memref<16x1024xf32, #tpu.memory_space<vmem>>) target(%dma_start3A_187 : memref<16x1024xf32, #tpu.memory_space<hbm>>) target_semaphore(%arg11 : memref<!tpu.dma_semaphore, #tpu.memory_space<semaphore_mem>>)
    %dma_wait3A_188 = arith.constant 0 : i32
    %dma_wait3A_189 = arith.constant 0 : i32
    %dma_wait3A_190 = tpu.memref_slice %arg4[%dma_wait3A_188, %dma_wait3A_189] : memref<32768x1024xf32, #tpu.memory_space<hbm>> -> memref<16x1024xf32, #tpu.memory_space<hbm>>
    %dma_wait3A_191 = arith.constant 0 : i32
    %dma_wait3A_192 = arith.constant 0 : i32
    %dma_wait3A_193 = tpu.memref_slice %arg4[%dma_wait3A_191, %dma_wait3A_192] : memref<32768x1024xf32, #tpu.memory_space<hbm>> -> memref<16x1024xf32, #tpu.memory_space<hbm>>
    tpu.wait_dma2 semaphore(%arg10 : memref<!tpu.dma_semaphore, #tpu.memory_space<semaphore_mem>>) src(%dma_wait3A_193 : memref<16x1024xf32, #tpu.memory_space<hbm>>) dst(%arg7 : memref<16x1024xf32, #tpu.memory_space<vmem>>)
    %scan3A_194 = arith.constant 0 : i32
    %scan3A_195 = arith.constant 0 : i32
    %scan3A_196 = arith.constant 128 : i32
    %scan3A_197 = arith.addi %scan3A_195, %scan3A_196 : i32
    %scan3A_198 = arith.constant 1 : i32
    %scan3A_199 = scf.for %scan3A_269 = %scan3A_195 to %scan3A_197 step %scan3A_198 iter_args(%scan3A_270 = %scan3A_194) -> (i32)  : i32 {
      %shift_right_arithmetic3A = arith.constant 3 : i32
      %shift_right_arithmetic3A_271 = arith.shrsi %scan3A_269, %shift_right_arithmetic3A : i32
      %and3A = arith.constant 7 : i32
      %and3A_272 = arith.andi %scan3A_269, %and3A : i32
      %mul3A_273 = arith.constant 128 : i32
      %mul3A_274 = arith.muli %and3A_272, %mul3A_273 : i32
      %add3A_275 = arith.constant 0 : i32
      %add3A_276 = arith.addi %mul3A_274, %add3A_275 : i32
      %get3A_277 = arith.index_cast %shift_right_arithmetic3A_271 : i32 to index
      %get3A_278 = arith.index_cast %add3A_276 : i32 to index
      %get3A_279 = tpu.vector_load %arg7[%get3A_277, %get3A_278] {strides = array<i32>} : memref<16x1024xf32, #tpu.memory_space<vmem>>, vector<1x16xf32>,
      %get3A_280 = vector.shape_cast %get3A_279 : vector<1x16xf32> to vector<16xf32>
      %mul3A_281 = arith.constant 3.200000e+01 : f32
      %mul3A_282 = vector.broadcast %mul3A_281 : f32 to vector<16xf32>
      %mul3A_283 = arith.mulf %get3A_280, %mul3A_282 : vector<16xf32>
      %swap3A = arith.index_cast %shift_right_arithmetic3A_271 : i32 to index
      %swap3A_284 = arith.index_cast %add3A_276 : i32 to index
      %swap3A_285 = tpu.vector_load %arg7[%swap3A, %swap3A_284] {strides = array<i32>} : memref<16x1024xf32, #tpu.memory_space<vmem>>, vector<1x16xf32>,
      %swap3A_286 = vector.shape_cast %swap3A_285 : vector<1x16xf32> to vector<16xf32>
      %swap3A_287 = vector.shape_cast %mul3A_283 : vector<16xf32> to vector<1x16xf32>
      tpu.vector_store %arg7[%swap3A, %swap3A_284], %swap3A_287 {strides = array<i32>} : memref<16x1024xf32, #tpu.memory_space<vmem>>, vector<1x16xf32>,
      %add3A_288 = arith.constant 16 : i32
      %add3A_289 = arith.addi %mul3A_274, %add3A_288 : i32
      %get3A_290 = arith.index_cast %shift_right_arithmetic3A_271 : i32 to index
      %get3A_291 = arith.index_cast %add3A_289 : i32 to index
      %get3A_292 = tpu.vector_load %arg7[%get3A_290, %get3A_291] {strides = array<i32>} : memref<16x1024xf32, #tpu.memory_space<vmem>>, vector<1x16xf32>,
      %get3A_293 = vector.shape_cast %get3A_292 : vector<1x16xf32> to vector<16xf32>
      %mul3A_294 = arith.constant 3.200000e+01 : f32
      %mul3A_295 = vector.broadcast %mul3A_294 : f32 to vector<16xf32>
      %mul3A_296 = arith.mulf %get3A_293, %mul3A_295 : vector<16xf32>
      %swap3A_297 = arith.index_cast %shift_right_arithmetic3A_271 : i32 to index
      %swap3A_298 = arith.index_cast %add3A_289 : i32 to index
      %swap3A_299 = tpu.vector_load %arg7[%swap3A_297, %swap3A_298] {strides = array<i32>} : memref<16x1024xf32, #tpu.memory_space<vmem>>, vector<1x16xf32>,
      %swap3A_300 = vector.shape_cast %swap3A_299 : vector<1x16xf32> to vector<16xf32>
      %swap3A_301 = vector.shape_cast %mul3A_296 : vector<16xf32> to vector<1x16xf32>
      tpu.vector_store %arg7[%swap3A_297, %swap3A_298], %swap3A_301 {strides = array<i32>} : memref<16x1024xf32, #tpu.memory_space<vmem>>, vector<1x16xf32>,
      %add3A_302 = arith.constant 32 : i32
      %add3A_303 = arith.addi %mul3A_274, %add3A_302 : i32
      %get3A_304 = arith.index_cast %shift_right_arithmetic3A_271 : i32 to index
      %get3A_305 = arith.index_cast %add3A_303 : i32 to index
      %get3A_306 = tpu.vector_load %arg7[%get3A_304, %get3A_305] {strides = array<i32>} : memref<16x1024xf32, #tpu.memory_space<vmem>>, vector<1x16xf32>,
      %get3A_307 = vector.shape_cast %get3A_306 : vector<1x16xf32> to vector<16xf32>
      %mul3A_308 = arith.constant 3.200000e+01 : f32
      %mul3A_309 = vector.broadcast %mul3A_308 : f32 to vector<16xf32>
      %mul3A_310 = arith.mulf %get3A_307, %mul3A_309 : vector<16xf32>
      %swap3A_311 = arith.index_cast %shift_right_arithmetic3A_271 : i32 to index
      %swap3A_312 = arith.index_cast %add3A_303 : i32 to index
      %swap3A_313 = tpu.vector_load %arg7[%swap3A_311, %swap3A_312] {strides = array<i32>} : memref<16x1024xf32, #tpu.memory_space<vmem>>, vector<1x16xf32>,
      %swap3A_314 = vector.shape_cast %swap3A_313 : vector<1x16xf32> to vector<16xf32>
      %swap3A_315 = vector.shape_cast %mul3A_310 : vector<16xf32> to vector<1x16xf32>
      tpu.vector_store %arg7[%swap3A_311, %swap3A_312], %swap3A_315 {strides = array<i32>} : memref<16x1024xf32, #tpu.memory_space<vmem>>, vector<1x16xf32>,
      %add3A_316 = arith.constant 48 : i32
      %add3A_317 = arith.addi %mul3A_274, %add3A_316 : i32
      %get3A_318 = arith.index_cast %shift_right_arithmetic3A_271 : i32 to index
      %get3A_319 = arith.index_cast %add3A_317 : i32 to index
      %get3A_320 = tpu.vector_load %arg7[%get3A_318, %get3A_319] {strides = array<i32>} : memref<16x1024xf32, #tpu.memory_space<vmem>>, vector<1x16xf32>,
      %get3A_321 = vector.shape_cast %get3A_320 : vector<1x16xf32> to vector<16xf32>
      %mul3A_322 = arith.constant 3.200000e+01 : f32
      %mul3A_323 = vector.broadcast %mul3A_322 : f32 to vector<16xf32>
      %mul3A_324 = arith.mulf %get3A_321, %mul3A_323 : vector<16xf32>
      %swap3A_325 = arith.index_cast %shift_right_arithmetic3A_271 : i32 to index
      %swap3A_326 = arith.index_cast %add3A_317 : i32 to index
      %swap3A_327 = tpu.vector_load %arg7[%swap3A_325, %swap3A_326] {strides = array<i32>} : memref<16x1024xf32, #tpu.memory_space<vmem>>, vector<1x16xf32>,
      %swap3A_328 = vector.shape_cast %swap3A_327 : vector<1x16xf32> to vector<16xf32>
      %swap3A_329 = vector.shape_cast %mul3A_324 : vector<16xf32> to vector<1x16xf32>
      tpu.vector_store %arg7[%swap3A_325, %swap3A_326], %swap3A_329 {strides = array<i32>} : memref<16x1024xf32, #tpu.memory_space<vmem>>, vector<1x16xf32>,
      %add3A_330 = arith.constant 64 : i32
      %add3A_331 = arith.addi %mul3A_274, %add3A_330 : i32
      %get3A_332 = arith.index_cast %shift_right_arithmetic3A_271 : i32 to index
      %get3A_333 = arith.index_cast %add3A_331 : i32 to index
      %get3A_334 = tpu.vector_load %arg7[%get3A_332, %get3A_333] {strides = array<i32>} : memref<16x1024xf32, #tpu.memory_space<vmem>>, vector<1x16xf32>,
      %get3A_335 = vector.shape_cast %get3A_334 : vector<1x16xf32> to vector<16xf32>
      %mul3A_336 = arith.constant 3.200000e+01 : f32
      %mul3A_337 = vector.broadcast %mul3A_336 : f32 to vector<16xf32>
      %mul3A_338 = arith.mulf %get3A_335, %mul3A_337 : vector<16xf32>
      %swap3A_339 = arith.index_cast %shift_right_arithmetic3A_271 : i32 to index
      %swap3A_340 = arith.index_cast %add3A_331 : i32 to index
      %swap3A_341 = tpu.vector_load %arg7[%swap3A_339, %swap3A_340] {strides = array<i32>} : memref<16x1024xf32, #tpu.memory_space<vmem>>, vector<1x16xf32>,
      %swap3A_342 = vector.shape_cast %swap3A_341 : vector<1x16xf32> to vector<16xf32>
      %swap3A_343 = vector.shape_cast %mul3A_338 : vector<16xf32> to vector<1x16xf32>
      tpu.vector_store %arg7[%swap3A_339, %swap3A_340], %swap3A_343 {strides = array<i32>} : memref<16x1024xf32, #tpu.memory_space<vmem>>, vector<1x16xf32>,
      %add3A_344 = arith.constant 80 : i32
      %add3A_345 = arith.addi %mul3A_274, %add3A_344 : i32
      %get3A_346 = arith.index_cast %shift_right_arithmetic3A_271 : i32 to index
      %get3A_347 = arith.index_cast %add3A_345 : i32 to index
      %get3A_348 = tpu.vector_load %arg7[%get3A_346, %get3A_347] {strides = array<i32>} : memref<16x1024xf32, #tpu.memory_space<vmem>>, vector<1x16xf32>,
      %get3A_349 = vector.shape_cast %get3A_348 : vector<1x16xf32> to vector<16xf32>
      %mul3A_350 = arith.constant 3.200000e+01 : f32
      %mul3A_351 = vector.broadcast %mul3A_350 : f32 to vector<16xf32>
      %mul3A_352 = arith.mulf %get3A_349, %mul3A_351 : vector<16xf32>
      %swap3A_353 = arith.index_cast %shift_right_arithmetic3A_271 : i32 to index
      %swap3A_354 = arith.index_cast %add3A_345 : i32 to index
      %swap3A_355 = tpu.vector_load %arg7[%swap3A_353, %swap3A_354] {strides = array<i32>} : memref<16x1024xf32, #tpu.memory_space<vmem>>, vector<1x16xf32>,
      %swap3A_356 = vector.shape_cast %swap3A_355 : vector<1x16xf32> to vector<16xf32>
      %swap3A_357 = vector.shape_cast %mul3A_352 : vector<16xf32> to vector<1x16xf32>
      tpu.vector_store %arg7[%swap3A_353, %swap3A_354], %swap3A_357 {strides = array<i32>} : memref<16x1024xf32, #tpu.memory_space<vmem>>, vector<1x16xf32>,
      %add3A_358 = arith.constant 96 : i32
      %add3A_359 = arith.addi %mul3A_274, %add3A_358 : i32
      %get3A_360 = arith.index_cast %shift_right_arithmetic3A_271 : i32 to index
      %get3A_361 = arith.index_cast %add3A_359 : i32 to index
      %get3A_362 = tpu.vector_load %arg7[%get3A_360, %get3A_361] {strides = array<i32>} : memref<16x1024xf32, #tpu.memory_space<vmem>>, vector<1x16xf32>,
      %get3A_363 = vector.shape_cast %get3A_362 : vector<1x16xf32> to vector<16xf32>
      %mul3A_364 = arith.constant 3.200000e+01 : f32
      %mul3A_365 = vector.broadcast %mul3A_364 : f32 to vector<16xf32>
      %mul3A_366 = arith.mulf %get3A_363, %mul3A_365 : vector<16xf32>
      %swap3A_367 = arith.index_cast %shift_right_arithmetic3A_271 : i32 to index
      %swap3A_368 = arith.index_cast %add3A_359 : i32 to index
      %swap3A_369 = tpu.vector_load %arg7[%swap3A_367, %swap3A_368] {strides = array<i32>} : memref<16x1024xf32, #tpu.memory_space<vmem>>, vector<1x16xf32>,
      %swap3A_370 = vector.shape_cast %swap3A_369 : vector<1x16xf32> to vector<16xf32>
      %swap3A_371 = vector.shape_cast %mul3A_366 : vector<16xf32> to vector<1x16xf32>
      tpu.vector_store %arg7[%swap3A_367, %swap3A_368], %swap3A_371 {strides = array<i32>} : memref<16x1024xf32, #tpu.memory_space<vmem>>, vector<1x16xf32>,
      %add3A_372 = arith.constant 112 : i32
      %add3A_373 = arith.addi %mul3A_274, %add3A_372 : i32
      %get3A_374 = arith.index_cast %shift_right_arithmetic3A_271 : i32 to index
      %get3A_375 = arith.index_cast %add3A_373 : i32 to index
      %get3A_376 = tpu.vector_load %arg7[%get3A_374, %get3A_375] {strides = array<i32>} : memref<16x1024xf32, #tpu.memory_space<vmem>>, vector<1x16xf32>,
      %get3A_377 = vector.shape_cast %get3A_376 : vector<1x16xf32> to vector<16xf32>
      %mul3A_378 = arith.constant 3.200000e+01 : f32
      %mul3A_379 = vector.broadcast %mul3A_378 : f32 to vector<16xf32>
      %mul3A_380 = arith.mulf %get3A_377, %mul3A_379 : vector<16xf32>
      %swap3A_381 = arith.index_cast %shift_right_arithmetic3A_271 : i32 to index
      %swap3A_382 = arith.index_cast %add3A_373 : i32 to index
      %swap3A_383 = tpu.vector_load %arg7[%swap3A_381, %swap3A_382] {strides = array<i32>} : memref<16x1024xf32, #tpu.memory_space<vmem>>, vector<1x16xf32>,
      %swap3A_384 = vector.shape_cast %swap3A_383 : vector<1x16xf32> to vector<16xf32>
      %swap3A_385 = vector.shape_cast %mul3A_380 : vector<16xf32> to vector<1x16xf32>
      tpu.vector_store %arg7[%swap3A_381, %swap3A_382], %swap3A_385 {strides = array<i32>} : memref<16x1024xf32, #tpu.memory_space<vmem>>, vector<1x16xf32>,
      %scan3A_386 = arith.constant 0 : i32
      scf.yield %scan3A_386 : i32
    }
    %scan3A_200 = arith.constant 128 : i32
    %add3A_201 = arith.constant 976 : i32
    %add3A_202 = arith.addi %mul3A_2, %add3A_201 : i32
    %dma_start3A_203 = arith.constant 0 : i32
    %dma_start3A_204 = tpu.memref_slice %arg4[%add3A_202, %dma_start3A_203] : memref<32768x1024xf32, #tpu.memory_space<hbm>> -> memref<16x1024xf32, #tpu.memory_space<hbm>>
    %dma_start3A_205 = arith.constant 0 : i32
    %dma_start3A_206 = tpu.memref_slice %arg4[%add3A_202, %dma_start3A_205] : memref<32768x1024xf32, #tpu.memory_space<hbm>> -> memref<16x1024xf32, #tpu.memory_space<hbm>>
    tpu.enqueue_dma source(%arg7 : memref<16x1024xf32, #tpu.memory_space<vmem>>) target(%dma_start3A_206 : memref<16x1024xf32, #tpu.memory_space<hbm>>) target_semaphore(%arg11 : memref<!tpu.dma_semaphore, #tpu.memory_space<semaphore_mem>>)
    %dma_wait3A_207 = arith.constant 0 : i32
    %dma_wait3A_208 = arith.constant 0 : i32
    %dma_wait3A_209 = tpu.memref_slice %arg4[%dma_wait3A_207, %dma_wait3A_208] : memref<32768x1024xf32, #tpu.memory_space<hbm>> -> memref<16x1024xf32, #tpu.memory_space<hbm>>
    %dma_wait3A_210 = arith.constant 0 : i32
    %dma_wait3A_211 = arith.constant 0 : i32
    %dma_wait3A_212 = tpu.memref_slice %arg4[%dma_wait3A_210, %dma_wait3A_211] : memref<32768x1024xf32, #tpu.memory_space<hbm>> -> memref<16x1024xf32, #tpu.memory_space<hbm>>
    tpu.wait_dma2 semaphore(%arg10 : memref<!tpu.dma_semaphore, #tpu.memory_space<semaphore_mem>>) src(%dma_wait3A_212 : memref<16x1024xf32, #tpu.memory_space<hbm>>) dst(%arg8 : memref<16x1024xf32, #tpu.memory_space<vmem>>)
    %scan3A_213 = arith.constant 0 : i32
    %scan3A_214 = arith.constant 0 : i32
    %scan3A_215 = arith.constant 128 : i32
    %scan3A_216 = arith.addi %scan3A_214, %scan3A_215 : i32
    %scan3A_217 = arith.constant 1 : i32
    %scan3A_218 = scf.for %scan3A_269 = %scan3A_214 to %scan3A_216 step %scan3A_217 iter_args(%scan3A_270 = %scan3A_213) -> (i32)  : i32 {
      %shift_right_arithmetic3A = arith.constant 3 : i32
      %shift_right_arithmetic3A_271 = arith.shrsi %scan3A_269, %shift_right_arithmetic3A : i32
      %and3A = arith.constant 7 : i32
      %and3A_272 = arith.andi %scan3A_269, %and3A : i32
      %mul3A_273 = arith.constant 128 : i32
      %mul3A_274 = arith.muli %and3A_272, %mul3A_273 : i32
      %add3A_275 = arith.constant 0 : i32
      %add3A_276 = arith.addi %mul3A_274, %add3A_275 : i32
      %get3A_277 = arith.index_cast %shift_right_arithmetic3A_271 : i32 to index
      %get3A_278 = arith.index_cast %add3A_276 : i32 to index
      %get3A_279 = tpu.vector_load %arg8[%get3A_277, %get3A_278] {strides = array<i32>} : memref<16x1024xf32, #tpu.memory_space<vmem>>, vector<1x16xf32>,
      %get3A_280 = vector.shape_cast %get3A_279 : vector<1x16xf32> to vector<16xf32>
      %mul3A_281 = arith.constant 3.200000e+01 : f32
      %mul3A_282 = vector.broadcast %mul3A_281 : f32 to vector<16xf32>
      %mul3A_283 = arith.mulf %get3A_280, %mul3A_282 : vector<16xf32>
      %swap3A = arith.index_cast %shift_right_arithmetic3A_271 : i32 to index
      %swap3A_284 = arith.index_cast %add3A_276 : i32 to index
      %swap3A_285 = tpu.vector_load %arg8[%swap3A, %swap3A_284] {strides = array<i32>} : memref<16x1024xf32, #tpu.memory_space<vmem>>, vector<1x16xf32>,
      %swap3A_286 = vector.shape_cast %swap3A_285 : vector<1x16xf32> to vector<16xf32>
      %swap3A_287 = vector.shape_cast %mul3A_283 : vector<16xf32> to vector<1x16xf32>
      tpu.vector_store %arg8[%swap3A, %swap3A_284], %swap3A_287 {strides = array<i32>} : memref<16x1024xf32, #tpu.memory_space<vmem>>, vector<1x16xf32>,
      %add3A_288 = arith.constant 16 : i32
      %add3A_289 = arith.addi %mul3A_274, %add3A_288 : i32
      %get3A_290 = arith.index_cast %shift_right_arithmetic3A_271 : i32 to index
      %get3A_291 = arith.index_cast %add3A_289 : i32 to index
      %get3A_292 = tpu.vector_load %arg8[%get3A_290, %get3A_291] {strides = array<i32>} : memref<16x1024xf32, #tpu.memory_space<vmem>>, vector<1x16xf32>,
      %get3A_293 = vector.shape_cast %get3A_292 : vector<1x16xf32> to vector<16xf32>
      %mul3A_294 = arith.constant 3.200000e+01 : f32
      %mul3A_295 = vector.broadcast %mul3A_294 : f32 to vector<16xf32>
      %mul3A_296 = arith.mulf %get3A_293, %mul3A_295 : vector<16xf32>
      %swap3A_297 = arith.index_cast %shift_right_arithmetic3A_271 : i32 to index
      %swap3A_298 = arith.index_cast %add3A_289 : i32 to index
      %swap3A_299 = tpu.vector_load %arg8[%swap3A_297, %swap3A_298] {strides = array<i32>} : memref<16x1024xf32, #tpu.memory_space<vmem>>, vector<1x16xf32>,
      %swap3A_300 = vector.shape_cast %swap3A_299 : vector<1x16xf32> to vector<16xf32>
      %swap3A_301 = vector.shape_cast %mul3A_296 : vector<16xf32> to vector<1x16xf32>
      tpu.vector_store %arg8[%swap3A_297, %swap3A_298], %swap3A_301 {strides = array<i32>} : memref<16x1024xf32, #tpu.memory_space<vmem>>, vector<1x16xf32>,
      %add3A_302 = arith.constant 32 : i32
      %add3A_303 = arith.addi %mul3A_274, %add3A_302 : i32
      %get3A_304 = arith.index_cast %shift_right_arithmetic3A_271 : i32 to index
      %get3A_305 = arith.index_cast %add3A_303 : i32 to index
      %get3A_306 = tpu.vector_load %arg8[%get3A_304, %get3A_305] {strides = array<i32>} : memref<16x1024xf32, #tpu.memory_space<vmem>>, vector<1x16xf32>,
      %get3A_307 = vector.shape_cast %get3A_306 : vector<1x16xf32> to vector<16xf32>
      %mul3A_308 = arith.constant 3.200000e+01 : f32
      %mul3A_309 = vector.broadcast %mul3A_308 : f32 to vector<16xf32>
      %mul3A_310 = arith.mulf %get3A_307, %mul3A_309 : vector<16xf32>
      %swap3A_311 = arith.index_cast %shift_right_arithmetic3A_271 : i32 to index
      %swap3A_312 = arith.index_cast %add3A_303 : i32 to index
      %swap3A_313 = tpu.vector_load %arg8[%swap3A_311, %swap3A_312] {strides = array<i32>} : memref<16x1024xf32, #tpu.memory_space<vmem>>, vector<1x16xf32>,
      %swap3A_314 = vector.shape_cast %swap3A_313 : vector<1x16xf32> to vector<16xf32>
      %swap3A_315 = vector.shape_cast %mul3A_310 : vector<16xf32> to vector<1x16xf32>
      tpu.vector_store %arg8[%swap3A_311, %swap3A_312], %swap3A_315 {strides = array<i32>} : memref<16x1024xf32, #tpu.memory_space<vmem>>, vector<1x16xf32>,
      %add3A_316 = arith.constant 48 : i32
      %add3A_317 = arith.addi %mul3A_274, %add3A_316 : i32
      %get3A_318 = arith.index_cast %shift_right_arithmetic3A_271 : i32 to index
      %get3A_319 = arith.index_cast %add3A_317 : i32 to index
      %get3A_320 = tpu.vector_load %arg8[%get3A_318, %get3A_319] {strides = array<i32>} : memref<16x1024xf32, #tpu.memory_space<vmem>>, vector<1x16xf32>,
      %get3A_321 = vector.shape_cast %get3A_320 : vector<1x16xf32> to vector<16xf32>
      %mul3A_322 = arith.constant 3.200000e+01 : f32
      %mul3A_323 = vector.broadcast %mul3A_322 : f32 to vector<16xf32>
      %mul3A_324 = arith.mulf %get3A_321, %mul3A_323 : vector<16xf32>
      %swap3A_325 = arith.index_cast %shift_right_arithmetic3A_271 : i32 to index
      %swap3A_326 = arith.index_cast %add3A_317 : i32 to index
      %swap3A_327 = tpu.vector_load %arg8[%swap3A_325, %swap3A_326] {strides = array<i32>} : memref<16x1024xf32, #tpu.memory_space<vmem>>, vector<1x16xf32>,
      %swap3A_328 = vector.shape_cast %swap3A_327 : vector<1x16xf32> to vector<16xf32>
      %swap3A_329 = vector.shape_cast %mul3A_324 : vector<16xf32> to vector<1x16xf32>
      tpu.vector_store %arg8[%swap3A_325, %swap3A_326], %swap3A_329 {strides = array<i32>} : memref<16x1024xf32, #tpu.memory_space<vmem>>, vector<1x16xf32>,
      %add3A_330 = arith.constant 64 : i32
      %add3A_331 = arith.addi %mul3A_274, %add3A_330 : i32
      %get3A_332 = arith.index_cast %shift_right_arithmetic3A_271 : i32 to index
      %get3A_333 = arith.index_cast %add3A_331 : i32 to index
      %get3A_334 = tpu.vector_load %arg8[%get3A_332, %get3A_333] {strides = array<i32>} : memref<16x1024xf32, #tpu.memory_space<vmem>>, vector<1x16xf32>,
      %get3A_335 = vector.shape_cast %get3A_334 : vector<1x16xf32> to vector<16xf32>
      %mul3A_336 = arith.constant 3.200000e+01 : f32
      %mul3A_337 = vector.broadcast %mul3A_336 : f32 to vector<16xf32>
      %mul3A_338 = arith.mulf %get3A_335, %mul3A_337 : vector<16xf32>
      %swap3A_339 = arith.index_cast %shift_right_arithmetic3A_271 : i32 to index
      %swap3A_340 = arith.index_cast %add3A_331 : i32 to index
      %swap3A_341 = tpu.vector_load %arg8[%swap3A_339, %swap3A_340] {strides = array<i32>} : memref<16x1024xf32, #tpu.memory_space<vmem>>, vector<1x16xf32>,
      %swap3A_342 = vector.shape_cast %swap3A_341 : vector<1x16xf32> to vector<16xf32>
      %swap3A_343 = vector.shape_cast %mul3A_338 : vector<16xf32> to vector<1x16xf32>
      tpu.vector_store %arg8[%swap3A_339, %swap3A_340], %swap3A_343 {strides = array<i32>} : memref<16x1024xf32, #tpu.memory_space<vmem>>, vector<1x16xf32>,
      %add3A_344 = arith.constant 80 : i32
      %add3A_345 = arith.addi %mul3A_274, %add3A_344 : i32
      %get3A_346 = arith.index_cast %shift_right_arithmetic3A_271 : i32 to index
      %get3A_347 = arith.index_cast %add3A_345 : i32 to index
      %get3A_348 = tpu.vector_load %arg8[%get3A_346, %get3A_347] {strides = array<i32>} : memref<16x1024xf32, #tpu.memory_space<vmem>>, vector<1x16xf32>,
      %get3A_349 = vector.shape_cast %get3A_348 : vector<1x16xf32> to vector<16xf32>
      %mul3A_350 = arith.constant 3.200000e+01 : f32
      %mul3A_351 = vector.broadcast %mul3A_350 : f32 to vector<16xf32>
      %mul3A_352 = arith.mulf %get3A_349, %mul3A_351 : vector<16xf32>
      %swap3A_353 = arith.index_cast %shift_right_arithmetic3A_271 : i32 to index
      %swap3A_354 = arith.index_cast %add3A_345 : i32 to index
      %swap3A_355 = tpu.vector_load %arg8[%swap3A_353, %swap3A_354] {strides = array<i32>} : memref<16x1024xf32, #tpu.memory_space<vmem>>, vector<1x16xf32>,
      %swap3A_356 = vector.shape_cast %swap3A_355 : vector<1x16xf32> to vector<16xf32>
      %swap3A_357 = vector.shape_cast %mul3A_352 : vector<16xf32> to vector<1x16xf32>
      tpu.vector_store %arg8[%swap3A_353, %swap3A_354], %swap3A_357 {strides = array<i32>} : memref<16x1024xf32, #tpu.memory_space<vmem>>, vector<1x16xf32>,
      %add3A_358 = arith.constant 96 : i32
      %add3A_359 = arith.addi %mul3A_274, %add3A_358 : i32
      %get3A_360 = arith.index_cast %shift_right_arithmetic3A_271 : i32 to index
      %get3A_361 = arith.index_cast %add3A_359 : i32 to index
      %get3A_362 = tpu.vector_load %arg8[%get3A_360, %get3A_361] {strides = array<i32>} : memref<16x1024xf32, #tpu.memory_space<vmem>>, vector<1x16xf32>,
      %get3A_363 = vector.shape_cast %get3A_362 : vector<1x16xf32> to vector<16xf32>
      %mul3A_364 = arith.constant 3.200000e+01 : f32
      %mul3A_365 = vector.broadcast %mul3A_364 : f32 to vector<16xf32>
      %mul3A_366 = arith.mulf %get3A_363, %mul3A_365 : vector<16xf32>
      %swap3A_367 = arith.index_cast %shift_right_arithmetic3A_271 : i32 to index
      %swap3A_368 = arith.index_cast %add3A_359 : i32 to index
      %swap3A_369 = tpu.vector_load %arg8[%swap3A_367, %swap3A_368] {strides = array<i32>} : memref<16x1024xf32, #tpu.memory_space<vmem>>, vector<1x16xf32>,
      %swap3A_370 = vector.shape_cast %swap3A_369 : vector<1x16xf32> to vector<16xf32>
      %swap3A_371 = vector.shape_cast %mul3A_366 : vector<16xf32> to vector<1x16xf32>
      tpu.vector_store %arg8[%swap3A_367, %swap3A_368], %swap3A_371 {strides = array<i32>} : memref<16x1024xf32, #tpu.memory_space<vmem>>, vector<1x16xf32>,
      %add3A_372 = arith.constant 112 : i32
      %add3A_373 = arith.addi %mul3A_274, %add3A_372 : i32
      %get3A_374 = arith.index_cast %shift_right_arithmetic3A_271 : i32 to index
      %get3A_375 = arith.index_cast %add3A_373 : i32 to index
      %get3A_376 = tpu.vector_load %arg8[%get3A_374, %get3A_375] {strides = array<i32>} : memref<16x1024xf32, #tpu.memory_space<vmem>>, vector<1x16xf32>,
      %get3A_377 = vector.shape_cast %get3A_376 : vector<1x16xf32> to vector<16xf32>
      %mul3A_378 = arith.constant 3.200000e+01 : f32
      %mul3A_379 = vector.broadcast %mul3A_378 : f32 to vector<16xf32>
      %mul3A_380 = arith.mulf %get3A_377, %mul3A_379 : vector<16xf32>
      %swap3A_381 = arith.index_cast %shift_right_arithmetic3A_271 : i32 to index
      %swap3A_382 = arith.index_cast %add3A_373 : i32 to index
      %swap3A_383 = tpu.vector_load %arg8[%swap3A_381, %swap3A_382] {strides = array<i32>} : memref<16x1024xf32, #tpu.memory_space<vmem>>, vector<1x16xf32>,
      %swap3A_384 = vector.shape_cast %swap3A_383 : vector<1x16xf32> to vector<16xf32>
      %swap3A_385 = vector.shape_cast %mul3A_380 : vector<16xf32> to vector<1x16xf32>
      tpu.vector_store %arg8[%swap3A_381, %swap3A_382], %swap3A_385 {strides = array<i32>} : memref<16x1024xf32, #tpu.memory_space<vmem>>, vector<1x16xf32>,
      %scan3A_386 = arith.constant 0 : i32
      scf.yield %scan3A_386 : i32
    }
    %scan3A_219 = arith.constant 128 : i32
    %add3A_220 = arith.constant 992 : i32
    %add3A_221 = arith.addi %mul3A_2, %add3A_220 : i32
    %dma_start3A_222 = arith.constant 0 : i32
    %dma_start3A_223 = tpu.memref_slice %arg4[%add3A_221, %dma_start3A_222] : memref<32768x1024xf32, #tpu.memory_space<hbm>> -> memref<16x1024xf32, #tpu.memory_space<hbm>>
    %dma_start3A_224 = arith.constant 0 : i32
    %dma_start3A_225 = tpu.memref_slice %arg4[%add3A_221, %dma_start3A_224] : memref<32768x1024xf32, #tpu.memory_space<hbm>> -> memref<16x1024xf32, #tpu.memory_space<hbm>>
    tpu.enqueue_dma source(%arg8 : memref<16x1024xf32, #tpu.memory_space<vmem>>) target(%dma_start3A_225 : memref<16x1024xf32, #tpu.memory_space<hbm>>) target_semaphore(%arg11 : memref<!tpu.dma_semaphore, #tpu.memory_space<semaphore_mem>>)
    %dma_wait3A_226 = arith.constant 0 : i32
    %dma_wait3A_227 = arith.constant 0 : i32
    %dma_wait3A_228 = tpu.memref_slice %arg4[%dma_wait3A_226, %dma_wait3A_227] : memref<32768x1024xf32, #tpu.memory_space<hbm>> -> memref<16x1024xf32, #tpu.memory_space<hbm>>
    %dma_wait3A_229 = arith.constant 0 : i32
    %dma_wait3A_230 = arith.constant 0 : i32
    %dma_wait3A_231 = tpu.memref_slice %arg4[%dma_wait3A_229, %dma_wait3A_230] : memref<32768x1024xf32, #tpu.memory_space<hbm>> -> memref<16x1024xf32, #tpu.memory_space<hbm>>
    tpu.wait_dma2 semaphore(%arg10 : memref<!tpu.dma_semaphore, #tpu.memory_space<semaphore_mem>>) src(%dma_wait3A_231 : memref<16x1024xf32, #tpu.memory_space<hbm>>) dst(%arg9 : memref<16x1024xf32, #tpu.memory_space<vmem>>)
    %scan3A_232 = arith.constant 0 : i32
    %scan3A_233 = arith.constant 0 : i32
    %scan3A_234 = arith.constant 128 : i32
    %scan3A_235 = arith.addi %scan3A_233, %scan3A_234 : i32
    %scan3A_236 = arith.constant 1 : i32
    %scan3A_237 = scf.for %scan3A_269 = %scan3A_233 to %scan3A_235 step %scan3A_236 iter_args(%scan3A_270 = %scan3A_232) -> (i32)  : i32 {
      %shift_right_arithmetic3A = arith.constant 3 : i32
      %shift_right_arithmetic3A_271 = arith.shrsi %scan3A_269, %shift_right_arithmetic3A : i32
      %and3A = arith.constant 7 : i32
      %and3A_272 = arith.andi %scan3A_269, %and3A : i32
      %mul3A_273 = arith.constant 128 : i32
      %mul3A_274 = arith.muli %and3A_272, %mul3A_273 : i32
      %add3A_275 = arith.constant 0 : i32
      %add3A_276 = arith.addi %mul3A_274, %add3A_275 : i32
      %get3A_277 = arith.index_cast %shift_right_arithmetic3A_271 : i32 to index
      %get3A_278 = arith.index_cast %add3A_276 : i32 to index
      %get3A_279 = tpu.vector_load %arg9[%get3A_277, %get3A_278] {strides = array<i32>} : memref<16x1024xf32, #tpu.memory_space<vmem>>, vector<1x16xf32>,
      %get3A_280 = vector.shape_cast %get3A_279 : vector<1x16xf32> to vector<16xf32>
      %mul3A_281 = arith.constant 3.200000e+01 : f32
      %mul3A_282 = vector.broadcast %mul3A_281 : f32 to vector<16xf32>
      %mul3A_283 = arith.mulf %get3A_280, %mul3A_282 : vector<16xf32>
      %swap3A = arith.index_cast %shift_right_arithmetic3A_271 : i32 to index
      %swap3A_284 = arith.index_cast %add3A_276 : i32 to index
      %swap3A_285 = tpu.vector_load %arg9[%swap3A, %swap3A_284] {strides = array<i32>} : memref<16x1024xf32, #tpu.memory_space<vmem>>, vector<1x16xf32>,
      %swap3A_286 = vector.shape_cast %swap3A_285 : vector<1x16xf32> to vector<16xf32>
      %swap3A_287 = vector.shape_cast %mul3A_283 : vector<16xf32> to vector<1x16xf32>
      tpu.vector_store %arg9[%swap3A, %swap3A_284], %swap3A_287 {strides = array<i32>} : memref<16x1024xf32, #tpu.memory_space<vmem>>, vector<1x16xf32>,
      %add3A_288 = arith.constant 16 : i32
      %add3A_289 = arith.addi %mul3A_274, %add3A_288 : i32
      %get3A_290 = arith.index_cast %shift_right_arithmetic3A_271 : i32 to index
      %get3A_291 = arith.index_cast %add3A_289 : i32 to index
      %get3A_292 = tpu.vector_load %arg9[%get3A_290, %get3A_291] {strides = array<i32>} : memref<16x1024xf32, #tpu.memory_space<vmem>>, vector<1x16xf32>,
      %get3A_293 = vector.shape_cast %get3A_292 : vector<1x16xf32> to vector<16xf32>
      %mul3A_294 = arith.constant 3.200000e+01 : f32
      %mul3A_295 = vector.broadcast %mul3A_294 : f32 to vector<16xf32>
      %mul3A_296 = arith.mulf %get3A_293, %mul3A_295 : vector<16xf32>
      %swap3A_297 = arith.index_cast %shift_right_arithmetic3A_271 : i32 to index
      %swap3A_298 = arith.index_cast %add3A_289 : i32 to index
      %swap3A_299 = tpu.vector_load %arg9[%swap3A_297, %swap3A_298] {strides = array<i32>} : memref<16x1024xf32, #tpu.memory_space<vmem>>, vector<1x16xf32>,
      %swap3A_300 = vector.shape_cast %swap3A_299 : vector<1x16xf32> to vector<16xf32>
      %swap3A_301 = vector.shape_cast %mul3A_296 : vector<16xf32> to vector<1x16xf32>
      tpu.vector_store %arg9[%swap3A_297, %swap3A_298], %swap3A_301 {strides = array<i32>} : memref<16x1024xf32, #tpu.memory_space<vmem>>, vector<1x16xf32>,
      %add3A_302 = arith.constant 32 : i32
      %add3A_303 = arith.addi %mul3A_274, %add3A_302 : i32
      %get3A_304 = arith.index_cast %shift_right_arithmetic3A_271 : i32 to index
      %get3A_305 = arith.index_cast %add3A_303 : i32 to index
      %get3A_306 = tpu.vector_load %arg9[%get3A_304, %get3A_305] {strides = array<i32>} : memref<16x1024xf32, #tpu.memory_space<vmem>>, vector<1x16xf32>,
      %get3A_307 = vector.shape_cast %get3A_306 : vector<1x16xf32> to vector<16xf32>
      %mul3A_308 = arith.constant 3.200000e+01 : f32
      %mul3A_309 = vector.broadcast %mul3A_308 : f32 to vector<16xf32>
      %mul3A_310 = arith.mulf %get3A_307, %mul3A_309 : vector<16xf32>
      %swap3A_311 = arith.index_cast %shift_right_arithmetic3A_271 : i32 to index
      %swap3A_312 = arith.index_cast %add3A_303 : i32 to index
      %swap3A_313 = tpu.vector_load %arg9[%swap3A_311, %swap3A_312] {strides = array<i32>} : memref<16x1024xf32, #tpu.memory_space<vmem>>, vector<1x16xf32>,
      %swap3A_314 = vector.shape_cast %swap3A_313 : vector<1x16xf32> to vector<16xf32>
      %swap3A_315 = vector.shape_cast %mul3A_310 : vector<16xf32> to vector<1x16xf32>
      tpu.vector_store %arg9[%swap3A_311, %swap3A_312], %swap3A_315 {strides = array<i32>} : memref<16x1024xf32, #tpu.memory_space<vmem>>, vector<1x16xf32>,
      %add3A_316 = arith.constant 48 : i32
      %add3A_317 = arith.addi %mul3A_274, %add3A_316 : i32
      %get3A_318 = arith.index_cast %shift_right_arithmetic3A_271 : i32 to index
      %get3A_319 = arith.index_cast %add3A_317 : i32 to index
      %get3A_320 = tpu.vector_load %arg9[%get3A_318, %get3A_319] {strides = array<i32>} : memref<16x1024xf32, #tpu.memory_space<vmem>>, vector<1x16xf32>,
      %get3A_321 = vector.shape_cast %get3A_320 : vector<1x16xf32> to vector<16xf32>
      %mul3A_322 = arith.constant 3.200000e+01 : f32
      %mul3A_323 = vector.broadcast %mul3A_322 : f32 to vector<16xf32>
      %mul3A_324 = arith.mulf %get3A_321, %mul3A_323 : vector<16xf32>
      %swap3A_325 = arith.index_cast %shift_right_arithmetic3A_271 : i32 to index
      %swap3A_326 = arith.index_cast %add3A_317 : i32 to index
      %swap3A_327 = tpu.vector_load %arg9[%swap3A_325, %swap3A_326] {strides = array<i32>} : memref<16x1024xf32, #tpu.memory_space<vmem>>, vector<1x16xf32>,
      %swap3A_328 = vector.shape_cast %swap3A_327 : vector<1x16xf32> to vector<16xf32>
      %swap3A_329 = vector.shape_cast %mul3A_324 : vector<16xf32> to vector<1x16xf32>
      tpu.vector_store %arg9[%swap3A_325, %swap3A_326], %swap3A_329 {strides = array<i32>} : memref<16x1024xf32, #tpu.memory_space<vmem>>, vector<1x16xf32>,
      %add3A_330 = arith.constant 64 : i32
      %add3A_331 = arith.addi %mul3A_274, %add3A_330 : i32
      %get3A_332 = arith.index_cast %shift_right_arithmetic3A_271 : i32 to index
      %get3A_333 = arith.index_cast %add3A_331 : i32 to index
      %get3A_334 = tpu.vector_load %arg9[%get3A_332, %get3A_333] {strides = array<i32>} : memref<16x1024xf32, #tpu.memory_space<vmem>>, vector<1x16xf32>,
      %get3A_335 = vector.shape_cast %get3A_334 : vector<1x16xf32> to vector<16xf32>
      %mul3A_336 = arith.constant 3.200000e+01 : f32
      %mul3A_337 = vector.broadcast %mul3A_336 : f32 to vector<16xf32>
      %mul3A_338 = arith.mulf %get3A_335, %mul3A_337 : vector<16xf32>
      %swap3A_339 = arith.index_cast %shift_right_arithmetic3A_271 : i32 to index
      %swap3A_340 = arith.index_cast %add3A_331 : i32 to index
      %swap3A_341 = tpu.vector_load %arg9[%swap3A_339, %swap3A_340] {strides = array<i32>} : memref<16x1024xf32, #tpu.memory_space<vmem>>, vector<1x16xf32>,
      %swap3A_342 = vector.shape_cast %swap3A_341 : vector<1x16xf32> to vector<16xf32>
      %swap3A_343 = vector.shape_cast %mul3A_338 : vector<16xf32> to vector<1x16xf32>
      tpu.vector_store %arg9[%swap3A_339, %swap3A_340], %swap3A_343 {strides = array<i32>} : memref<16x1024xf32, #tpu.memory_space<vmem>>, vector<1x16xf32>,
      %add3A_344 = arith.constant 80 : i32
      %add3A_345 = arith.addi %mul3A_274, %add3A_344 : i32
      %get3A_346 = arith.index_cast %shift_right_arithmetic3A_271 : i32 to index
      %get3A_347 = arith.index_cast %add3A_345 : i32 to index
      %get3A_348 = tpu.vector_load %arg9[%get3A_346, %get3A_347] {strides = array<i32>} : memref<16x1024xf32, #tpu.memory_space<vmem>>, vector<1x16xf32>,
      %get3A_349 = vector.shape_cast %get3A_348 : vector<1x16xf32> to vector<16xf32>
      %mul3A_350 = arith.constant 3.200000e+01 : f32
      %mul3A_351 = vector.broadcast %mul3A_350 : f32 to vector<16xf32>
      %mul3A_352 = arith.mulf %get3A_349, %mul3A_351 : vector<16xf32>
      %swap3A_353 = arith.index_cast %shift_right_arithmetic3A_271 : i32 to index
      %swap3A_354 = arith.index_cast %add3A_345 : i32 to index
      %swap3A_355 = tpu.vector_load %arg9[%swap3A_353, %swap3A_354] {strides = array<i32>} : memref<16x1024xf32, #tpu.memory_space<vmem>>, vector<1x16xf32>,
      %swap3A_356 = vector.shape_cast %swap3A_355 : vector<1x16xf32> to vector<16xf32>
      %swap3A_357 = vector.shape_cast %mul3A_352 : vector<16xf32> to vector<1x16xf32>
      tpu.vector_store %arg9[%swap3A_353, %swap3A_354], %swap3A_357 {strides = array<i32>} : memref<16x1024xf32, #tpu.memory_space<vmem>>, vector<1x16xf32>,
      %add3A_358 = arith.constant 96 : i32
      %add3A_359 = arith.addi %mul3A_274, %add3A_358 : i32
      %get3A_360 = arith.index_cast %shift_right_arithmetic3A_271 : i32 to index
      %get3A_361 = arith.index_cast %add3A_359 : i32 to index
      %get3A_362 = tpu.vector_load %arg9[%get3A_360, %get3A_361] {strides = array<i32>} : memref<16x1024xf32, #tpu.memory_space<vmem>>, vector<1x16xf32>,
      %get3A_363 = vector.shape_cast %get3A_362 : vector<1x16xf32> to vector<16xf32>
      %mul3A_364 = arith.constant 3.200000e+01 : f32
      %mul3A_365 = vector.broadcast %mul3A_364 : f32 to vector<16xf32>
      %mul3A_366 = arith.mulf %get3A_363, %mul3A_365 : vector<16xf32>
      %swap3A_367 = arith.index_cast %shift_right_arithmetic3A_271 : i32 to index
      %swap3A_368 = arith.index_cast %add3A_359 : i32 to index
      %swap3A_369 = tpu.vector_load %arg9[%swap3A_367, %swap3A_368] {strides = array<i32>} : memref<16x1024xf32, #tpu.memory_space<vmem>>, vector<1x16xf32>,
      %swap3A_370 = vector.shape_cast %swap3A_369 : vector<1x16xf32> to vector<16xf32>
      %swap3A_371 = vector.shape_cast %mul3A_366 : vector<16xf32> to vector<1x16xf32>
      tpu.vector_store %arg9[%swap3A_367, %swap3A_368], %swap3A_371 {strides = array<i32>} : memref<16x1024xf32, #tpu.memory_space<vmem>>, vector<1x16xf32>,
      %add3A_372 = arith.constant 112 : i32
      %add3A_373 = arith.addi %mul3A_274, %add3A_372 : i32
      %get3A_374 = arith.index_cast %shift_right_arithmetic3A_271 : i32 to index
      %get3A_375 = arith.index_cast %add3A_373 : i32 to index
      %get3A_376 = tpu.vector_load %arg9[%get3A_374, %get3A_375] {strides = array<i32>} : memref<16x1024xf32, #tpu.memory_space<vmem>>, vector<1x16xf32>,
      %get3A_377 = vector.shape_cast %get3A_376 : vector<1x16xf32> to vector<16xf32>
      %mul3A_378 = arith.constant 3.200000e+01 : f32
      %mul3A_379 = vector.broadcast %mul3A_378 : f32 to vector<16xf32>
      %mul3A_380 = arith.mulf %get3A_377, %mul3A_379 : vector<16xf32>
      %swap3A_381 = arith.index_cast %shift_right_arithmetic3A_271 : i32 to index
      %swap3A_382 = arith.index_cast %add3A_373 : i32 to index
      %swap3A_383 = tpu.vector_load %arg9[%swap3A_381, %swap3A_382] {strides = array<i32>} : memref<16x1024xf32, #tpu.memory_space<vmem>>, vector<1x16xf32>,
      %swap3A_384 = vector.shape_cast %swap3A_383 : vector<1x16xf32> to vector<16xf32>
      %swap3A_385 = vector.shape_cast %mul3A_380 : vector<16xf32> to vector<1x16xf32>
      tpu.vector_store %arg9[%swap3A_381, %swap3A_382], %swap3A_385 {strides = array<i32>} : memref<16x1024xf32, #tpu.memory_space<vmem>>, vector<1x16xf32>,
      %scan3A_386 = arith.constant 0 : i32
      scf.yield %scan3A_386 : i32
    }
    %scan3A_238 = arith.constant 128 : i32
    %add3A_239 = arith.constant 1008 : i32
    %add3A_240 = arith.addi %mul3A_2, %add3A_239 : i32
    %dma_start3A_241 = arith.constant 0 : i32
    %dma_start3A_242 = tpu.memref_slice %arg4[%add3A_240, %dma_start3A_241] : memref<32768x1024xf32, #tpu.memory_space<hbm>> -> memref<16x1024xf32, #tpu.memory_space<hbm>>
    %dma_start3A_243 = arith.constant 0 : i32
    %dma_start3A_244 = tpu.memref_slice %arg4[%add3A_240, %dma_start3A_243] : memref<32768x1024xf32, #tpu.memory_space<hbm>> -> memref<16x1024xf32, #tpu.memory_space<hbm>>
    tpu.enqueue_dma source(%arg9 : memref<16x1024xf32, #tpu.memory_space<vmem>>) target(%dma_start3A_244 : memref<16x1024xf32, #tpu.memory_space<hbm>>) target_semaphore(%arg11 : memref<!tpu.dma_semaphore, #tpu.memory_space<semaphore_mem>>)
    %dma_wait3A_245 = arith.constant 0 : i32
    %dma_wait3A_246 = arith.constant 0 : i32
    %dma_wait3A_247 = tpu.memref_slice %arg4[%dma_wait3A_245, %dma_wait3A_246] : memref<32768x1024xf32, #tpu.memory_space<hbm>> -> memref<16x1024xf32, #tpu.memory_space<hbm>>
    %dma_wait3A_248 = arith.constant 0 : i32
    %dma_wait3A_249 = arith.constant 0 : i32
    %dma_wait3A_250 = tpu.memref_slice %arg4[%dma_wait3A_248, %dma_wait3A_249] : memref<32768x1024xf32, #tpu.memory_space<hbm>> -> memref<16x1024xf32, #tpu.memory_space<hbm>>
    tpu.wait_dma2 semaphore(%arg11 : memref<!tpu.dma_semaphore, #tpu.memory_space<semaphore_mem>>) src(%dma_wait3A_250 : memref<16x1024xf32, #tpu.memory_space<hbm>>) dst(%arg6 : memref<16x1024xf32, #tpu.memory_space<vmem>>)
    %dma_wait3A_251 = arith.constant 0 : i32
    %dma_wait3A_252 = arith.constant 0 : i32
    %dma_wait3A_253 = tpu.memref_slice %arg4[%dma_wait3A_251, %dma_wait3A_252] : memref<32768x1024xf32, #tpu.memory_space<hbm>> -> memref<16x1024xf32, #tpu.memory_space<hbm>>
    %dma_wait3A_254 = arith.constant 0 : i32
    %dma_wait3A_255 = arith.constant 0 : i32
    %dma_wait3A_256 = tpu.memref_slice %arg4[%dma_wait3A_254, %dma_wait3A_255] : memref<32768x1024xf32, #tpu.memory_space<hbm>> -> memref<16x1024xf32, #tpu.memory_space<hbm>>
    tpu.wait_dma2 semaphore(%arg11 : memref<!tpu.dma_semaphore, #tpu.memory_space<semaphore_mem>>) src(%dma_wait3A_256 : memref<16x1024xf32, #tpu.memory_space<hbm>>) dst(%arg6 : memref<16x1024xf32, #tpu.memory_space<vmem>>)
    %dma_wait3A_257 = arith.constant 0 : i32
    %dma_wait3A_258 = arith.constant 0 : i32
    %dma_wait3A_259 = tpu.memref_slice %arg4[%dma_wait3A_257, %dma_wait3A_258] : memref<32768x1024xf32, #tpu.memory_space<hbm>> -> memref<16x1024xf32, #tpu.memory_space<hbm>>
    %dma_wait3A_260 = arith.constant 0 : i32
    %dma_wait3A_261 = arith.constant 0 : i32
    %dma_wait3A_262 = tpu.memref_slice %arg4[%dma_wait3A_260, %dma_wait3A_261] : memref<32768x1024xf32, #tpu.memory_space<hbm>> -> memref<16x1024xf32, #tpu.memory_space<hbm>>
    tpu.wait_dma2 semaphore(%arg11 : memref<!tpu.dma_semaphore, #tpu.memory_space<semaphore_mem>>) src(%dma_wait3A_262 : memref<16x1024xf32, #tpu.memory_space<hbm>>) dst(%arg6 : memref<16x1024xf32, #tpu.memory_space<vmem>>)
    %dma_wait3A_263 = arith.constant 0 : i32
    %dma_wait3A_264 = arith.constant 0 : i32
    %dma_wait3A_265 = tpu.memref_slice %arg4[%dma_wait3A_263, %dma_wait3A_264] : memref<32768x1024xf32, #tpu.memory_space<hbm>> -> memref<16x1024xf32, #tpu.memory_space<hbm>>
    %dma_wait3A_266 = arith.constant 0 : i32
    %dma_wait3A_267 = arith.constant 0 : i32
    %dma_wait3A_268 = tpu.memref_slice %arg4[%dma_wait3A_266, %dma_wait3A_267] : memref<32768x1024xf32, #tpu.memory_space<hbm>> -> memref<16x1024xf32, #tpu.memory_space<hbm>>
    tpu.wait_dma2 semaphore(%arg11 : memref<!tpu.dma_semaphore, #tpu.memory_space<semaphore_mem>>) src(%dma_wait3A_268 : memref<16x1024xf32, #tpu.memory_space<hbm>>) dst(%arg6 : memref<16x1024xf32, #tpu.memory_space<vmem>>)
    return
  }
}

</mosaic_0001>

<sc_bundles>
// kernel: kernel.3.cloned.1.call-start
scs
__scs_entry_jumppad:
0x0: {  	(pc) =	sbr.rel $0x88, $3  }
0x1: {  	(tag) =	ssettag $0x0;
	lr =	simm.s32 $0x1  }
0x2: {  	[smem:$0x3F9F] =	sst lr;
	_ =	strace $0xD0000000  }
0x3: {  	_ = 	snop  }
0x4: {  	_ = 	snop  }
0x5: {  	_ = 	snop  }
0x6: {  	_ = 	snop  }
0x7: {  	_ = 	snop  }
__scs_overlays_trampoline_lowered:
0x8: {  	[smem:$0x3FAE] =	sst s0  }
0x9: {  	[smem:$0x3FAF] =	sst s1  }
0xa: {  	[smem:$0x3FB0] =	sst s2  }
0xb: {  	[smem:$0x3FB1] =	sst s3  }
0xc: {  	[smem:$0x3FB2] =	sst s4  }
0xd: {  	[smem:$0x3FB3] =	sst s5  }
0xe: {  	[smem:$0x3FB4] =	sst s6  }
0xf: {  	[smem:$0x3FB5] =	sst s7  }
0x10: {  	[smem:$0x3FB6] =	sst s8  }
0x11: {  	[smem:$0x3FB7] =	sst s9;
	s0 =	simm.s32 @!p0 $0x0  }
0x12: {  	s1 =	sld [smem:$0x3F9D];
	s0 =	simm.s32 @p0 $0x1  }
0x13: {  	[smem:$0x3FB8] =	sst s0;
	s0 =	simm.s32 @!p1 $0x0  }
0x14: {  	s2 =	sld [smem:$0x3F9C];
	s0 =	simm.s32 @p1 $0x1  }
0x15: {  	[smem:$0x3FB9] =	sst s0;
	s0 =	simm.s32 @!p2 $0x0  }
0x16: {  	s3 =	sld [smem:$0x3FDB];
	s0 =	simm.s32 @p2 $0x1  }
0x17: {  	s4 =	simm.s32 $0x1BF5;
	[smem:$0x3FBB] =	sst s0  }
0x18: {  	s0 =	sld [smem:$0x3F9E];
	_ =	swait.ge [sflag:s4], $0x0  }
0x19: {  	s7 =	sld [smem:$0x3F9F]  }
0x1a: {  	s8 =	sadd.s32 $0xFFFFE003, lr  }
0x1b: {  	s9 =	sadd.s32 $0xFFFFFEF7, lr;
	s5 =	simm.s32 $0xFFFFFFFF;
	p2 =	slt.u32 s8, $0xFFFFF086  }
0x1c: {  	p1 =	slt.u32 s9, $0xF7A;
	s5 =	simm.s32 @!p2 $0x0  }
0x1d: {  	s5 =	simm.s32 @p1 $0x1;
	p0 =	seq.s32 s7, s2  }
0x1e: {  	s7 =	smul.u32 @!p0 $0xF7A, s2;
	p2 =	seq.s32 @!p0 s5, $0x0  }
0x1f: {  	s9 =	smul.u32 $0xF7A, s1;
	s8 =	simm.s32 @!p0 $0x1BF5;
	p2 =	por !p2, p0  }
0x20: {  	[sflag:s8] =	ssyncset.s32 @!p0 $0xFFFFF086;
	s6 =	sadd.s32 @!p0 s3, s7;
	s7 =	simm.s32 @!p0 $0x108  }
0x21: {  	s3 =	sadd.s32 s3, s9;
	s6 =	sadd.s32 @!p0 $0x88, s6;
	s7 =	simm.s32 @p2 $0x1082  }
0x22: {  	[simem:s7], [sflag:s8] =	dma.local @!p0 [hbm:s6], $0xF7A  }
0x23: {  	s9 =	sor.u32 $0xD0000000, s2;
	s6 =	simm.s32 $0x108;
	_ =	swait.ge @!p0 [sflag:s8], $0x0  }
0x24: {  	s3 =	sadd.s32 $0x88, s3;
	s6 =	simm.s32 @!p1 $0x1082;
	[sflag:s4] =	ssyncset.s32 $0xFFFFF086  }
0x25: {  	[simem:s6], [sflag:s4] =	dma.local [hbm:s3], $0xF7A  }
0x26: {  	[smem:$0x3F9F] =	sst s1;
	(tag) =	ssettag s2;
	_ =	strace s9  }
0x27: {  	s1 =	sld [smem:$0x3FAF]  }
0x28: {  	s2 =	sld [smem:$0x3FB0]  }
0x29: {  	s4 =	sld [smem:$0x3FB2]  }
0x2a: {  	p0 =	seq.s32 s5, $0x0;
	s5 =	sld [smem:$0x3FB3]  }
0x2b: {  	s6 =	sld [smem:$0x3FB4]  }
0x2c: {  	s7 =	sld [smem:$0x3FB5]  }
0x2d: {  	s3 =	simm.s32 $0x108;
	s8 =	sld [smem:$0x3FB6]  }
0x2e: {  	s3 =	simm.s32 @!p0 $0x1082;
	s9 =	sld [smem:$0x3FB7]  }
0x2f: {  	lr =	sadd.s32 s0, s3;
	s0 =	sld [smem:$0x3FAE]  }
0x30: {  	s3 =	sld [smem:$0x3FB1]  }
0x31: {  	[smem:$0x3FBA] =	sst s10  }
0x32: {  	s10 =	sld [smem:$0x3FB8];
	_ =	sdelay $0x3  }
0x33: {  	p0 =	seq.s32 s10, $0x1;
	s10 =	sld [smem:$0x3FBA];
	_ =	sdelay $0x3  }
0x34: {  	[smem:$0x3FBA] =	sst s10  }
0x35: {  	s10 =	sld [smem:$0x3FB9];
	_ =	sdelay $0x3  }
0x36: {  	p1 =	seq.s32 s10, $0x1;
	s10 =	sld [smem:$0x3FBA];
	_ =	sdelay $0x3  }
0x37: {  	[smem:$0x3FBA] =	sst s10  }
0x38: {  	s10 =	sld [smem:$0x3FBB]  }
0x39: {  	_ = 	snop;
	(pc) =	sbr.ind lr, $3  }
0x3a: {  	_ = 	snop  }
0x3b: {  	_ = 	snop  }
0x3c: {  	p2 =	seq.s32 s10, $0x1;
	s10 =	sld [smem:$0x3FBA]  }
0x3d: {  	_ =	shalt  }
0x3e: {  	_ =	shalt  }
0x3f: {  	_ =	shalt  }
0x40: {  	_ =	shalt  }
0x41: {  	_ =	shalt  }
0x42: {  	_ =	shalt  }
0x43: {  	_ =	shalt  }
0x44: {  	_ =	shalt  }
0x45: {  	_ =	shalt  }
0x46: {  	_ =	shalt  }
0x47: {  	_ =	shalt  }
0x48: {  	_ =	shalt  }
0x49: {  	_ =	shalt  }
0x4a: {  	_ =	shalt  }
0x4b: {  	_ =	shalt  }
0x4c: {  	_ =	shalt  }
0x4d: {  	_ =	shalt  }
0x4e: {  	_ =	shalt  }
0x4f: {  	_ =	shalt  }
0x50: {  	_ =	shalt  }
0x51: {  	_ =	shalt  }
0x52: {  	_ =	shalt  }
0x53: {  	_ =	shalt  }
0x54: {  	_ =	shalt  }
0x55: {  	_ =	shalt  }
0x56: {  	_ =	shalt  }
0x57: {  	_ =	shalt  }
0x58: {  	_ =	shalt  }
0x59: {  	_ =	shalt  }
0x5a: {  	_ =	shalt  }
0x5b: {  	_ =	shalt  }
0x5c: {  	_ =	shalt  }
0x5d: {  	_ =	shalt  }
0x5e: {  	_ =	shalt  }
0x5f: {  	_ =	shalt  }
0x60: {  	_ =	shalt  }
0x61: {  	_ =	shalt  }
0x62: {  	_ =	shalt  }
0x63: {  	_ =	shalt  }
0x64: {  	_ =	shalt  }
0x65: {  	_ =	shalt  }
0x66: {  	_ =	shalt  }
0x67: {  	_ =	shalt  }
0x68: {  	_ =	shalt  }
0x69: {  	_ =	shalt  }
0x6a: {  	_ =	shalt  }
0x6b: {  	_ =	shalt  }
0x6c: {  	_ =	shalt  }
0x6d: {  	_ =	shalt  }
0x6e: {  	_ =	shalt  }
0x6f: {  	_ =	shalt  }
0x70: {  	_ =	shalt  }
0x71: {  	_ =	shalt  }
0x72: {  	_ =	shalt  }
0x73: {  	_ =	shalt  }
0x74: {  	_ =	shalt  }
0x75: {  	_ =	shalt  }
0x76: {  	_ =	shalt  }
0x77: {  	_ =	shalt  }
0x78: {  	_ =	shalt  }
0x79: {  	_ =	shalt  }
0x7a: {  	_ =	shalt  }
0x7b: {  	_ =	shalt  }
0x7c: {  	_ =	shalt  }
0x7d: {  	_ =	shalt  }
0x7e: {  	_ =	shalt  }
0x7f: {  	_ =	shalt  }
0x80: {  	_ =	shalt  }
0x81: {  	_ =	shalt  }
0x82: {  	_ =	shalt  }
0x83: {  	_ =	shalt  }
0x84: {  	_ =	shalt  }
0x85: {  	_ =	shalt  }
0x86: {  	_ =	shalt  }
0x87: {  	_ =	shalt  }
.Lfunc_end0:
.L_simem_size_0:
called_computation_lowered:
.L_overlay_start_0:
0x88: {  	s2 =	sld [smem:$0x3FD9]  }
0x89: {  	s3 =	sld [smem:$0x3FFE];
	_ =	sdelay $0x1  }
0x8a: {  	s1 =	srdreg.scid  }
0x8b: {  	s0 =	sand.u32 $0x1, s1  }
0x8c: {  	s17 =	sshll.u32 s0, $0xA;
	s2 =	sadd.s32 s3, s2  }
0x8d: {  	s2 =	sadd.s32 s2, s17  }
0x8e: {  	[smem:$0x3FC6] =	sst s2  }
0x8f: {  	_ = 	snop  }
0x90: {  	s2 =	sld [smem:$0x3FC8]  }
0x91: {  	s18 =	sld [smem:$0x3FD0];
	(tm) =	ssettm $0x1  }
0x92: {  	s4 =	sld [smem:$0x3FFB];
	_ =	sdelay $0x3  }
0x93: {  	_ =	strace s4  }
0x94: {  	s4 =	sld [smem:$0x3FFC];
	_ =	sdelay $0x3  }
0x95: {  	_ =	strace s4  }
0x96: {  	s4 =	sld [smem:$0x3FFD];
	_ =	sdelay $0x3  }
0x97: {  	_ =	strace s4  }
0x98: {  	_ =	strace $0x8FFFFFFF  }
0x99: {  	s19 =	sld [smem:$0x3FDB];
	_ =	sdelay $0x1  }
0x9a: {  	s5 =	simm.s32 $_scs_section_size  }
0x9b: {  	s6 =	simm.s32 $_size__tile_overlayer_lowered;
	s7 =	simm.s32 $_tile_overlayer_lowered  }
0x9c: {  	s22 =	simm.s32 $0x1BFF;
	s21 =	sshll.u32 s7, $0x1;
	s4 =	sadd.s32 s5, s19  }
0x9d: {  	s8 =	simm.s32 $0x0;
	s20 =	sshll.u32 s6, $0x1;
	s6 =	sadd.s32 s21, s4  }
0x9e: {  	[timem:s8], [sflag:s22] =	dma.local [hbm:s6], s20  }
0x9f: {  	_ =	swait.ge [sflag:s22], s20  }
0xa0: {  	s5 =	ssub.s32 $0x0, s20;
	[sflag:s22] =	ssyncset.done $0x0  }
0xa1: {  	[sflag:s22] =	ssyncadd.s32 s5;
	_ =	sdelay $0x1  }
0xa2: {  	s23 =	simm.s32 $0x1B8B  }
0xa3: {  	_ =	swait.ge [sflag:s23], $0x1  }
0xa4: {  	[sflag:s23] =	ssyncset.done $0x0  }
0xa5: {  	s25 =	simm.s32 $0x1B8E;
	s24 =	sld [smem:$0x3FFE];
	[sflag:s23] =	ssyncadd.s32 $0xFFFFFFFF  }
0xa6: {  	s26 =	simm.s32 $execute0_lowered;
	[smem:$0x3FD2] =	sst s25  }
0xa7: {  	s6 =	sshll.u32 s26, $0x1;
	_ =	strace $0x80000046;
	[dreg:$0x1] =	wrdreg $0xFFFFFFFF  }
0xa8: {  	s28 =	simm.s32 $_size_execute0_lowered;
	s4 =	sadd.s32 s4, s6;
	[dreg:$0x0] =	wrdreg $0x0  }
0xa9: {  	s6 =	sshll.u32 s28, $0x1;
	[dreg:$0x2] =	wrdreg s4  }
0xaa: {  	[dreg:$0x3] =	wrdreg s6  }
0xab: {  	[dreg:$0x4] =	wrdreg $0xC0  }
0xac: {  	_ =	task [dreg:s8], $0x5FFFF  }
0xad: {  	[dreg:$0x1] =	wrdreg $0xFFFFFFFF  }
0xae: {  	[dreg:$0x0] =	wrdreg $0x60  }
0xaf: {  	[dreg:$0x2] =	wrdreg s24  }
0xb0: {  	[dreg:$0x3] =	wrdreg s2  }
0xb1: {  	[dreg:$0x4] =	wrdreg s18  }
0xb2: {  	[dreg:$0x5] =	wrdreg $0x9  }
0xb3: {  	_ =	task.clear_ibuf [dreg:s8], $0x6FFFF;
	_ =	strace $0x90000046  }
0xb4: {  	s29 =	simm.s32 $0x9;
	_ =	strace $0x80000048  }
0xb5: {  	_ =	swait.ge [sflag:s29], $0x1  }
0xb6: {  	[sflag:s29] =	ssyncadd.s32 $0xFFFFFFFF  }
0xb7: {  	_ =	strace $0x90000048  }
0xb8: {  	_ =	sfence  }
0xb9: {  	s30 =	sld [smem:$0x0];
	_ =	sdelay $0x2  }
0xba: {  	s31 =	sshll.u32 s1, $0xD;
	s1 =	sshrl.u32 s1, $0x2  }
0xbb: {  	s3 =	sand.u32 $0x4000, s31;
	s1 =	sadd.s32 s1, s30  }
0xbc: {  	s0 =	sor.u32 s3, s0;
	s1 =	sshll.u32 s1, $0x11  }
0xbd: {  	s0 =	sor.u32 s1, s0  }
0xbe: {  	s0 =	sadd.s32 $0x8F2B, s0  }
0xbf: {  	[sflag:s0] =	ssyncadd.remote.s32 $0x1  }
0xc0: {  	_ =	sfence.sel $0xFFFF  }
0xc1: {  	[dreg:$0x0] =	wrdreg $0xFFFFFFFF;
	(pc) =	sbr.abs _section_cstart, $3  }
0xc2: {  	[dreg:$0x1] =	wrdreg $0xFFFFFFFF  }
0xc3: {  	_ =	task.clear_ibuf [dreg:s8], $0x2FFFF;
	_ =	strace $0x9FFFFFFF  }
0xc4: {  	(tm) =	ssettm $0x7FFFFFFF  }
0xc5: {  	_ =	shalt  }
tec
execute0_lowered:
.L_overlay_start_1:
0x0: {  	(tag) =	ssettag $0x1  }
0x1: {  	s0 =	rddreg [dreg:$0x0]  }
0x2: {  	s1 =	srdreg.scid;
	s2 =	rddreg [dreg:$0x1]  }
0x3: {  	s4 =	stileid.u32;
	s3 =	rddreg [dreg:$0x2]  }
0x4: {  	s29 =	simm.s32 $0x4400;
	s13 =	simm.s32 $0x8400;
	s28 =	simm.s32 $0xE400  }
0x5: {  	s30 =	simm.s32 $0xEC00;
	s1 =	sand.u32 $0x1, s1;
	s5 =	sshll.u32 s4, $0xB  }
0x6: {  	s4 =	simm.s32 $0x0;
	s6 =	sshll.u32 s1, $0xA;
	s1 =	ssub.s32 $0x2, s1  }
0x7: {  	[smem:$0x7FF] =	sst s4;
	s5 =	sor.u32 s6, s5;
	s18 =	sshrl.u32 s1, $0x1  }
0x8: {  	_ =	strace $0x80000047;
	s6 =	sshrl.u32 s5, $0x3;
	s1 =	ssub.s32 s1, s18  }
0x9: {  	s19 =	sshll.u32 s5, $0x7;
	s0 =	sadd.s32 s6, s0;
	s26 =	smax.u32 s1, $0x1  }
0xa: {  	s9 =	sadd.s32 s3, s19;
	s0 =	sadd.s32 $0x400, s0;
	[dreg:$0xc] =	wrdreg s26  }
0xb: {  	s31 =	simm.s32 $0xF400;
	s20 =	sadd.s32 $0x1000, s9;
	[dreg:$0x4] =	wrdreg s0  }
0xc: {  	s11 =	simm.s32 $0x0;
	s21 =	sadd.s32 $0x1800, s9;
	[dreg:$0x6] =	wrdreg s20  }
0xd: {  	s7 =	sadd.s32 $0x100, s2;
	s22 =	sadd.s32 $0x1E000, s9;
	[dreg:$0x7] =	wrdreg s21  }
0xe: {  	s8 =	sadd.s32 $0x200, s2;
	s23 =	sadd.s32 $0x1E800, s9;
	[dreg:$0x8] =	wrdreg s22  }
0xf: {  	s10 =	sadd.s32 $0x300, s2;
	s24 =	sadd.s32 $0x1F000, s9;
	[dreg:$0x9] =	wrdreg s23  }
0x10: {  	s1 =	simm.s32 $0xFC00;
	s25 =	sadd.s32 $0x1F800, s9;
	[dreg:$0xa] =	wrdreg s24  }
0x11: {  	v2 =	vlaneseq.u32;
	s26 =	simm.s32 $0xDC00;
	s0 =	sadd.s32 $0x800, s9;
	[dreg:$0xb] =	wrdreg s25  }
0x12: {  	vm0 =	vmmov $0xffff;
	v1 =	vshrl.u32 v2, $0x3;
	s20 =	simm.s32 $0x400;
	s22 =	simm.s32 $0x1;
	s23 =	simm.s32 $0xC400  }
0x13: {  	v0 =	vand.u32 $0x7, v2;
	v2 =	vor.u32 $0x8, v2;
	v1 =	vmul.u32 $0x8, v1;
	s25 =	simm.s32 $0xD400;
	[dreg:$0x5] =	wrdreg s0;
	s0 =	simm.s32 $0x2  }
.LBB2_1:
0x14: {  	[dreg:$0xd] =	wrdreg s11  }
0x15: {  	s6 =	rddreg [dreg:$0x4];
	s16 =	simm.s32 $0x3  }
0x16: {  	[tilespmem:s4], [sflag:$0x3] =	stream.linear.gather [hbm4b:s6+s4], $0x400, $0x38;
	[tilespmem:$0x10400] =	vst v63  }
0x17: {  	_ =	swait.ge [sflag:s16], $0x400  }
0x18: {  	[sflag:s16] =	ssyncset.done $0x0  }
0x19: {  	[sflag:s16] =	ssyncadd.s32 $0xFFFFFC00  }
0x1a: {  	v3 =	vld [tilespmem:$0x0];
	_ =	sdelay $0x4  }
0x1b: {  	v4 =	vshll.u32 v3, $0x3  }
0x1c: {  	v3 =	vand.u32 $0x7, v3;
	v4 =	vand.u32 $0xFFFFFFC0, v4  }
0x1d: {  	v3 =	vor.u32 v3, v4  }
0x1e: {  	v4 =	vperm.xlane v3, v0;
	_ =	sdelay $0x1  }
0x1f: {  	v4 =	vadd.s32 v1, v4;
	_ =	sdelay $0x4  }
0x20: {  	[tilespmem:s20], [sflag:$0x1] =	stream.indirect_vreg.gather [hbm4b:s2+s4], $0x80, v4, vm0, $0xb8;
	[tilespmem:$0x10400] =	vst v63  }
0x21: {  	s17 =	simm.s32 $0xC00;
	v3 =	vperm.xlane v3, v2  }
0x22: {  	[tilespmem:s17], [sflag:$0x1] =	stream.indirect_vreg.gather [hbm4b:s7+s4], $0x80, v4, vm0, $0xb8;
	[tilespmem:$0x10400] =	vst v63  }
0x23: {  	s18 =	simm.s32 $0x1400;
	v3 =	vadd.s32 v1, v3  }
0x24: {  	[tilespmem:s18], [sflag:$0x1] =	stream.indirect_vreg.gather [hbm4b:s8+s4], $0x80, v4, vm0, $0xb8;
	[tilespmem:$0x10400] =	vst v63  }
0x25: {  	s19 =	simm.s32 $0x1C00  }
0x26: {  	[tilespmem:s19], [sflag:$0x1] =	stream.indirect_vreg.gather [hbm4b:s10+s4], $0x80, v4, vm0, $0xb8;
	[tilespmem:$0x10400] =	vst v63  }
0x27: {  	s21 =	simm.s32 $0x2400  }
0x28: {  	[tilespmem:s21], [sflag:$0x1] =	stream.indirect_vreg.gather [hbm4b:s2+s4], $0x80, v3, vm0, $0xb8;
	[tilespmem:$0x10400] =	vst v63  }
0x29: {  	s24 =	simm.s32 $0x2C00  }
0x2a: {  	[tilespmem:s24], [sflag:$0x1] =	stream.indirect_vreg.gather [hbm4b:s7+s4], $0x80, v3, vm0, $0xb8;
	[tilespmem:$0x10400] =	vst v63  }
0x2b: {  	s11 =	simm.s32 $0x3400  }
0x2c: {  	[tilespmem:s11], [sflag:$0x1] =	stream.indirect_vreg.gather [hbm4b:s8+s4], $0x80, v3, vm0, $0xb8;
	[tilespmem:$0x10400] =	vst v63  }
0x2d: {  	s12 =	simm.s32 $0x3C00  }
0x2e: {  	[tilespmem:s12], [sflag:$0x1] =	stream.indirect_vreg.gather [hbm4b:s10+s4], $0x80, v3, vm0, $0xb8;
	[tilespmem:$0x10400] =	vst v63  }
0x2f: {  	v3 =	vld [tilespmem:$0x10];
	_ =	sdelay $0x4  }
0x30: {  	v4 =	vshll.u32 v3, $0x3  }
0x31: {  	v3 =	vand.u32 $0x7, v3;
	v4 =	vand.u32 $0xFFFFFFC0, v4  }
0x32: {  	v3 =	vor.u32 v3, v4  }
0x33: {  	v4 =	vperm.xlane v3, v0;
	_ =	sdelay $0x1  }
0x34: {  	v4 =	vadd.s32 v1, v4;
	_ =	sdelay $0x4  }
0x35: {  	[tilespmem:s29], [sflag:$0x1] =	stream.indirect_vreg.gather [hbm4b:s2+s4], $0x80, v4, vm0, $0xb8;
	[tilespmem:$0x10400] =	vst v63  }
0x36: {  	s14 =	simm.s32 $0x4C00;
	v3 =	vperm.xlane v3, v2  }
0x37: {  	[tilespmem:s14], [sflag:$0x1] =	stream.indirect_vreg.gather [hbm4b:s7+s4], $0x80, v4, vm0, $0xb8;
	[tilespmem:$0x10400] =	vst v63  }
0x38: {  	s15 =	simm.s32 $0x5400;
	v3 =	vadd.s32 v1, v3  }
0x39: {  	[tilespmem:s15], [sflag:$0x1] =	stream.indirect_vreg.gather [hbm4b:s8+s4], $0x80, v4, vm0, $0xb8;
	[tilespmem:$0x10400] =	vst v63  }
0x3a: {  	s16 =	simm.s32 $0x5C00  }
0x3b: {  	[tilespmem:s16], [sflag:$0x1] =	stream.indirect_vreg.gather [hbm4b:s10+s4], $0x80, v4, vm0, $0xb8;
	[tilespmem:$0x10400] =	vst v63  }
0x3c: {  	s17 =	simm.s32 $0x6400  }
0x3d: {  	[tilespmem:s17], [sflag:$0x1] =	stream.indirect_vreg.gather [hbm4b:s2+s4], $0x80, v3, vm0, $0xb8;
	[tilespmem:$0x10400] =	vst v63  }
0x3e: {  	s18 =	simm.s32 $0x6C00  }
0x3f: {  	[tilespmem:s18], [sflag:$0x1] =	stream.indirect_vreg.gather [hbm4b:s7+s4], $0x80, v3, vm0, $0xb8;
	[tilespmem:$0x10400] =	vst v63  }
0x40: {  	s19 =	simm.s32 $0x7400  }
0x41: {  	[tilespmem:s19], [sflag:$0x1] =	stream.indirect_vreg.gather [hbm4b:s8+s4], $0x80, v3, vm0, $0xb8;
	[tilespmem:$0x10400] =	vst v63  }
0x42: {  	s21 =	simm.s32 $0x7C00  }
0x43: {  	[tilespmem:s21], [sflag:$0x1] =	stream.indirect_vreg.gather [hbm4b:s10+s4], $0x80, v3, vm0, $0xb8;
	[tilespmem:$0x10400] =	vst v63  }
0x44: {  	v3 =	vld [tilespmem:$0x20];
	_ =	sdelay $0x4  }
0x45: {  	v4 =	vshll.u32 v3, $0x3  }
0x46: {  	v3 =	vand.u32 $0x7, v3;
	v4 =	vand.u32 $0xFFFFFFC0, v4  }
0x47: {  	v3 =	vor.u32 v3, v4  }
0x48: {  	v4 =	vperm.xlane v3, v0;
	_ =	sdelay $0x1  }
0x49: {  	v4 =	vadd.s32 v1, v4;
	_ =	sdelay $0x4  }
0x4a: {  	[tilespmem:s13], [sflag:$0x1] =	stream.indirect_vreg.gather [hbm4b:s2+s4], $0x80, v4, vm0, $0xb8;
	[tilespmem:$0x10400] =	vst v63  }
0x4b: {  	s24 =	simm.s32 $0x8C00;
	v3 =	vperm.xlane v3, v2  }
0x4c: {  	[tilespmem:s24], [sflag:$0x1] =	stream.indirect_vreg.gather [hbm4b:s7+s4], $0x80, v4, vm0, $0xb8;
	[tilespmem:$0x10400] =	vst v63  }
0x4d: {  	s11 =	simm.s32 $0x9400;
	v3 =	vadd.s32 v1, v3  }
0x4e: {  	[tilespmem:s11], [sflag:$0x1] =	stream.indirect_vreg.gather [hbm4b:s8+s4], $0x80, v4, vm0, $0xb8;
	[tilespmem:$0x10400] =	vst v63  }
0x4f: {  	s12 =	simm.s32 $0x9C00  }
0x50: {  	[tilespmem:s12], [sflag:$0x1] =	stream.indirect_vreg.gather [hbm4b:s10+s4], $0x80, v4, vm0, $0xb8;
	[tilespmem:$0x10400] =	vst v63  }
0x51: {  	s14 =	simm.s32 $0xA400  }
0x52: {  	[tilespmem:s14], [sflag:$0x1] =	stream.indirect_vreg.gather [hbm4b:s2+s4], $0x80, v3, vm0, $0xb8;
	[tilespmem:$0x10400] =	vst v63  }
0x53: {  	s15 =	simm.s32 $0xAC00  }
0x54: {  	[tilespmem:s15], [sflag:$0x1] =	stream.indirect_vreg.gather [hbm4b:s7+s4], $0x80, v3, vm0, $0xb8;
	[tilespmem:$0x10400] =	vst v63  }
0x55: {  	s16 =	simm.s32 $0xB400;
	s18 =	sand.u32 $0x7000, s4  }
0x56: {  	[tilespmem:s16], [sflag:$0x1] =	stream.indirect_vreg.gather [hbm4b:s8+s4], $0x80, v3, vm0, $0xb8;
	[tilespmem:$0x10400] =	vst v63  }
0x57: {  	s17 =	simm.s32 $0xBC00;
	s6 =	sshrl.u32 s18, $0x2;
	s19 =	simm.s32 $0x0  }
0x58: {  	[tilespmem:s17], [sflag:$0x1] =	stream.indirect_vreg.gather [hbm4b:s10+s4], $0x80, v3, vm0, $0xb8;
	[tilespmem:$0x10400] =	vst v63  }
0x59: {  	s11 =	sand.u32 $0x2000, s19;
	s12 =	simm.s32 $0x0;
	_ =	swait.ge [sflag:s22], $0x4000  }
0x5a: {  	s6 =	sor.u32 s6, s11;
	s12 =	sand.u32 $0x380, s12;
	[sflag:s22] =	ssyncset.done $0x0  }
0x5b: {  	s6 =	sor.u32 s12, s6;
	[sflag:s22] =	ssyncadd.s32 $0xFFFFC000  }
0x5c: {  	v3 =	vld [tilespmem:s6+$0x400];
	_ =	sdelay $0x1  }
0x5d: {  	v4 =	vld [tilespmem:s6+$0x410]  }
0x5e: {  	s21 =	simm.s32 $0x1000;
	v6 =	vld [tilespmem:s6+$0x420]  }
0x5f: {  	s24 =	simm.s32 $0x80;
	s11 =	sand.u32 $0x7000, s21;
	v7 =	vld [tilespmem:s6+$0x430]  }
0x60: {  	s11 =	sshrl.u32 s11, $0x2;
	s12 =	sand.u32 $0x2000, s24;
	s14 =	simm.s32 $0x10;
	v8 =	vld [tilespmem:s6+$0x440];
	v3 =	vmul.f32 $3.200000000e+01, v3  }
0x61: {  	s14 =	sand.u32 $0x380, s14;
	s11 =	sor.u32 s11, s12;
	v9 =	vld [tilespmem:s6+$0x450]  }
0x62: {  	s11 =	sor.u32 s14, s11;
	v10 =	vld [tilespmem:s6+$0x460];
	v4 =	vmul.f32 $3.200000000e+01, v4;
	[tilespmem:s6+$0x400] =	vst v3  }
0x63: {  	v5 =	vld [tilespmem:s11+$0x400]  }
0x64: {  	v3 =	vmul.f32 $3.200000000e+01, v6;
	[tilespmem:s6+$0x410] =	vst v4;
	v4 =	vmul.f32 $3.200000000e+01, v7;
	v7 =	vld [tilespmem:s6+$0x470];
	_ =	sdelay $0x1  }
0x65: {  	v8 =	vmul.f32 $3.200000000e+01, v8;
	v6 =	vld [tilespmem:s11+$0x410];
	[tilespmem:s6+$0x420] =	vst v3  }
0x66: {  	v9 =	vmul.f32 $3.200000000e+01, v9;
	v3 =	vld [tilespmem:s11+$0x420];
	[tilespmem:s6+$0x430] =	vst v4  }
0x67: {  	s12 =	simm.s32 $0x2000;
	s14 =	simm.s32 $0x2;
	v4 =	vld [tilespmem:s11+$0x430];
	[tilespmem:s6+$0x440] =	vst v8;
	v8 =	vmul.f32 $3.200000000e+01, v10  }
.LBB2_2:
0x68: {  	s15 =	sand.u32 $0x7000, s12;
	s16 =	sshll.u32 s14, $0x7;
	p0 =	sne.s32 s14, $0x7F;
	v10 =	vld [tilespmem:s11+$0x440];
	[tilespmem:s6+$0x450] =	vst v9;
	v7 =	vmul.f32 $3.200000000e+01, v7  }
0x69: {  	s17 =	sshll.u32 s14, $0x4;
	s16 =	sand.u32 $0x2000, s16;
	s15 =	sshrl.u32 s15, $0x2;
	v5 =	vmul.f32 $3.200000000e+01, v5;
	v9 =	vld [tilespmem:s11+$0x450];
	[tilespmem:s6+$0x460] =	vst v8  }
0x6a: {  	s17 =	sand.u32 $0x380, s17;
	s15 =	sor.u32 s15, s16;
	v6 =	vmul.f32 $3.200000000e+01, v6;
	v8 =	vld [tilespmem:s11+$0x460];
	[tilespmem:s6+$0x470] =	vst v7;
	s6 =	smov.u32 s11  }
.Ltmp0:
0x6b: {  	s11 =	sor.u32 s17, s15;
	[tilespmem:s6+$0x400] =	vst v5;
	v3 =	vmul.f32 $3.200000000e+01, v3;
	v7 =	vld [tilespmem:s6+$0x470];
	(pc) =	sbr.rel @p0 .LBB2_2-.Ltmp0, $4  }
0x6c: {  	v5 =	vld [tilespmem:s11+$0x400];
	[tilespmem:s6+$0x410] =	vst v6;
	v4 =	vmul.f32 $3.200000000e+01, v4  }
0x6d: {  	v6 =	vld [tilespmem:s11+$0x410];
	[tilespmem:s6+$0x420] =	vst v3;
	v10 =	vmul.f32 $3.200000000e+01, v10  }
0x6e: {  	v3 =	vld [tilespmem:s11+$0x420];
	[tilespmem:s6+$0x430] =	vst v4;
	v9 =	vmul.f32 $3.200000000e+01, v9  }
0x6f: {  	s12 =	sadd.s32 $0x1000, s12;
	s14 =	sadd.s32 $0x1, s14;
	v4 =	vld [tilespmem:s11+$0x430];
	[tilespmem:s6+$0x440] =	vst v10;
	v8 =	vmul.f32 $3.200000000e+01, v8  }
0x70: {  	v10 =	vld [tilespmem:s11+$0x440];
	[tilespmem:s6+$0x450] =	vst v9;
	v7 =	vmul.f32 $3.200000000e+01, v7  }
0x71: {  	v9 =	vld [tilespmem:s11+$0x450];
	[tilespmem:s6+$0x460] =	vst v8;
	v5 =	vmul.f32 $3.200000000e+01, v5  }
0x72: {  	v8 =	vld [tilespmem:s11+$0x460];
	v6 =	vmul.f32 $3.200000000e+01, v6;
	[tilespmem:s6+$0x470] =	vst v7  }
0x73: {  	[tilespmem:s11+$0x400] =	vst v5;
	v3 =	vmul.f32 $3.200000000e+01, v3;
	v5 =	vld [tilespmem:s11+$0x470]  }
0x74: {  	[tilespmem:s11+$0x410] =	vst v6;
	v4 =	vmul.f32 $3.200000000e+01, v4  }
0x75: {  	[tilespmem:s11+$0x420] =	vst v3;
	v3 =	vmul.f32 $3.200000000e+01, v10  }
0x76: {  	[tilespmem:s11+$0x430] =	vst v4;
	v4 =	vmul.f32 $3.200000000e+01, v9  }
0x77: {  	[tilespmem:s11+$0x440] =	vst v3;
	v3 =	vmul.f32 $3.200000000e+01, v8  }
0x78: {  	[tilespmem:s11+$0x450] =	vst v4;
	v4 =	vmul.f32 $3.200000000e+01, v5  }
0x79: {  	[tilespmem:s11+$0x460] =	vst v3  }
0x7a: {  	[tilespmem:s11+$0x470] =	vst v4  }
0x7b: {  	v3 =	vld [tilespmem:$0x30];
	_ =	sdelay $0x4  }
0x7c: {  	v4 =	vshll.u32 v3, $0x3  }
0x7d: {  	v3 =	vand.u32 $0x7, v3;
	v4 =	vand.u32 $0xFFFFFFC0, v4  }
0x7e: {  	v3 =	vor.u32 v3, v4  }
0x7f: {  	v4 =	vperm.xlane v3, v0;
	_ =	sdelay $0x1  }
0x80: {  	v4 =	vadd.s32 v1, v4;
	_ =	sdelay $0x3  }
0x81: {  	s17 =	simm.s32 $0x0  }
0x82: {  	[tilespmem:s23], [sflag:$0x1] =	stream.indirect_vreg.gather [hbm4b:s2+s17], $0x80, v4, vm0, $0xb8;
	[tilespmem:$0x10400] =	vst v63  }
0x83: {  	s18 =	simm.s32 $0xCC00;
	v3 =	vperm.xlane v3, v2  }
0x84: {  	[tilespmem:s18], [sflag:$0x1] =	stream.indirect_vreg.gather [hbm4b:s7+s17], $0x80, v4, vm0, $0xb8;
	[tilespmem:$0x10400] =	vst v63  }
0x85: {  	v3 =	vadd.s32 v1, v3  }
0x86: {  	[tilespmem:s25], [sflag:$0x1] =	stream.indirect_vreg.gather [hbm4b:s8+s17], $0x80, v4, vm0, $0xb8;
	[tilespmem:$0x10400] =	vst v63  }
0x87: {  	_ = 	snop  }
0x88: {  	[tilespmem:s26], [sflag:$0x1] =	stream.indirect_vreg.gather [hbm4b:s10+s17], $0x80, v4, vm0, $0xb8;
	[tilespmem:$0x10400] =	vst v63  }
0x89: {  	_ = 	snop  }
0x8a: {  	[tilespmem:s28], [sflag:$0x1] =	stream.indirect_vreg.gather [hbm4b:s2+s17], $0x80, v3, vm0, $0xb8;
	[tilespmem:$0x10400] =	vst v63  }
0x8b: {  	_ = 	snop  }
0x8c: {  	[tilespmem:s30], [sflag:$0x1] =	stream.indirect_vreg.gather [hbm4b:s7+s17], $0x80, v3, vm0, $0xb8;
	[tilespmem:$0x10400] =	vst v63  }
0x8d: {  	_ = 	snop  }
0x8e: {  	[tilespmem:s31], [sflag:$0x1] =	stream.indirect_vreg.gather [hbm4b:s8+s17], $0x80, v3, vm0, $0xb8;
	[tilespmem:$0x10400] =	vst v63  }
0x8f: {  	_ = 	snop  }
0x90: {  	[tilespmem:s1], [sflag:$0x1] =	stream.indirect_vreg.gather [hbm4b:s10+s17], $0x80, v3, vm0, $0xb8;
	[tilespmem:$0x10400] =	vst v63  }
0x91: {  	s19 =	simm.s32 $0x0;
	s12 =	simm.s32 $0x0;
	s6 =	sand.u32 $0x7000, s17  }
0x92: {  	[hbm4b:s9+s17] =	stream.linear.scatter [tilespmem:s20], [sflag:$0x2], $0x4000, $0x38;
	[tilespmem:$0x10400] =	vst v63  }
0x93: {  	s6 =	sshrl.u32 s6, $0x2;
	s11 =	sand.u32 $0x2000, s19;
	_ =	swait.ge [sflag:s22], $0x4000  }
0x94: {  	s12 =	sand.u32 $0x380, s12;
	s6 =	sor.u32 s6, s11;
	[sflag:s22] =	ssyncset.done $0x0  }
0x95: {  	s6 =	sor.u32 s12, s6;
	[sflag:s22] =	ssyncadd.s32 $0xFFFFC000  }
0x96: {  	v3 =	vld [tilespmem:s6+$0x4400];
	_ =	sdelay $0x1  }
0x97: {  	v4 =	vld [tilespmem:s6+$0x4410]  }
0x98: {  	s21 =	simm.s32 $0x1000;
	v6 =	vld [tilespmem:s6+$0x4420]  }
0x99: {  	s24 =	simm.s32 $0x80;
	s11 =	sand.u32 $0x7000, s21;
	v7 =	vld [tilespmem:s6+$0x4430]  }
0x9a: {  	s14 =	simm.s32 $0x10;
	s12 =	sand.u32 $0x2000, s24;
	s11 =	sshrl.u32 s11, $0x2;
	v8 =	vld [tilespmem:s6+$0x4440];
	v3 =	vmul.f32 $3.200000000e+01, v3  }
0x9b: {  	s14 =	sand.u32 $0x380, s14;
	s11 =	sor.u32 s11, s12;
	v9 =	vld [tilespmem:s6+$0x4450]  }
0x9c: {  	s11 =	sor.u32 s14, s11;
	v10 =	vld [tilespmem:s6+$0x4460];
	v4 =	vmul.f32 $3.200000000e+01, v4;
	[tilespmem:s6+$0x4400] =	vst v3  }
0x9d: {  	v5 =	vld [tilespmem:s11+$0x4400]  }
0x9e: {  	v3 =	vmul.f32 $3.200000000e+01, v6;
	[tilespmem:s6+$0x4410] =	vst v4;
	v4 =	vmul.f32 $3.200000000e+01, v7;
	v7 =	vld [tilespmem:s6+$0x4470];
	_ =	sdelay $0x1  }
0x9f: {  	v8 =	vmul.f32 $3.200000000e+01, v8;
	v6 =	vld [tilespmem:s11+$0x4410];
	[tilespmem:s6+$0x4420] =	vst v3  }
0xa0: {  	v9 =	vmul.f32 $3.200000000e+01, v9;
	v3 =	vld [tilespmem:s11+$0x4420];
	[tilespmem:s6+$0x4430] =	vst v4  }
0xa1: {  	s12 =	simm.s32 $0x2000;
	s14 =	simm.s32 $0x2;
	v4 =	vld [tilespmem:s11+$0x4430];
	[tilespmem:s6+$0x4440] =	vst v8;
	v8 =	vmul.f32 $3.200000000e+01, v10  }
.LBB2_4:
0xa2: {  	s15 =	sand.u32 $0x7000, s12;
	s16 =	sshll.u32 s14, $0x7;
	p0 =	sne.s32 s14, $0x7F;
	v10 =	vld [tilespmem:s11+$0x4440];
	[tilespmem:s6+$0x4450] =	vst v9;
	v7 =	vmul.f32 $3.200000000e+01, v7  }
0xa3: {  	s17 =	sshll.u32 s14, $0x4;
	s16 =	sand.u32 $0x2000, s16;
	s15 =	sshrl.u32 s15, $0x2;
	v5 =	vmul.f32 $3.200000000e+01, v5;
	v9 =	vld [tilespmem:s11+$0x4450];
	[tilespmem:s6+$0x4460] =	vst v8  }
0xa4: {  	s17 =	sand.u32 $0x380, s17;
	s15 =	sor.u32 s15, s16;
	v6 =	vmul.f32 $3.200000000e+01, v6;
	v8 =	vld [tilespmem:s11+$0x4460];
	[tilespmem:s6+$0x4470] =	vst v7;
	s6 =	smov.u32 s11  }
.Ltmp1:
0xa5: {  	s11 =	sor.u32 s17, s15;
	[tilespmem:s6+$0x4400] =	vst v5;
	v3 =	vmul.f32 $3.200000000e+01, v3;
	v7 =	vld [tilespmem:s6+$0x4470];
	(pc) =	sbr.rel @p0 .LBB2_4-.Ltmp1, $4  }
0xa6: {  	v5 =	vld [tilespmem:s11+$0x4400];
	[tilespmem:s6+$0x4410] =	vst v6;
	v4 =	vmul.f32 $3.200000000e+01, v4  }
0xa7: {  	v6 =	vld [tilespmem:s11+$0x4410];
	[tilespmem:s6+$0x4420] =	vst v3;
	v10 =	vmul.f32 $3.200000000e+01, v10  }
0xa8: {  	v3 =	vld [tilespmem:s11+$0x4420];
	[tilespmem:s6+$0x4430] =	vst v4;
	v9 =	vmul.f32 $3.200000000e+01, v9  }
0xa9: {  	s12 =	sadd.s32 $0x1000, s12;
	s14 =	sadd.s32 $0x1, s14;
	v4 =	vld [tilespmem:s11+$0x4430];
	[tilespmem:s6+$0x4440] =	vst v10;
	v8 =	vmul.f32 $3.200000000e+01, v8  }
0xaa: {  	v10 =	vld [tilespmem:s11+$0x4440];
	[tilespmem:s6+$0x4450] =	vst v9;
	v7 =	vmul.f32 $3.200000000e+01, v7  }
0xab: {  	v9 =	vld [tilespmem:s11+$0x4450];
	[tilespmem:s6+$0x4460] =	vst v8;
	v5 =	vmul.f32 $3.200000000e+01, v5  }
0xac: {  	v8 =	vld [tilespmem:s11+$0x4460];
	v6 =	vmul.f32 $3.200000000e+01, v6;
	[tilespmem:s6+$0x4470] =	vst v7  }
0xad: {  	[tilespmem:s11+$0x4400] =	vst v5;
	v3 =	vmul.f32 $3.200000000e+01, v3;
	v5 =	vld [tilespmem:s11+$0x4470]  }
0xae: {  	[tilespmem:s11+$0x4410] =	vst v6;
	v4 =	vmul.f32 $3.200000000e+01, v4  }
0xaf: {  	[tilespmem:s11+$0x4420] =	vst v3;
	v3 =	vmul.f32 $3.200000000e+01, v10  }
0xb0: {  	[tilespmem:s11+$0x4430] =	vst v4;
	v4 =	vmul.f32 $3.200000000e+01, v9  }
0xb1: {  	[tilespmem:s11+$0x4440] =	vst v3;
	v3 =	vmul.f32 $3.200000000e+01, v8  }
0xb2: {  	[tilespmem:s11+$0x4450] =	vst v4;
	v4 =	vmul.f32 $3.200000000e+01, v5  }
0xb3: {  	[tilespmem:s11+$0x4460] =	vst v3  }
0xb4: {  	[tilespmem:s11+$0x4470] =	vst v4  }
0xb5: {  	_ =	swait.ge [sflag:s0], $0x4000  }
0xb6: {  	[sflag:s0] =	ssyncset.done $0x0  }
0xb7: {  	[sflag:s0] =	ssyncadd.s32 $0xFFFFC000  }
0xb8: {  	v3 =	vld [tilespmem:$0x40];
	_ =	sdelay $0x4  }
0xb9: {  	v4 =	vshll.u32 v3, $0x3  }
0xba: {  	v3 =	vand.u32 $0x7, v3;
	v4 =	vand.u32 $0xFFFFFFC0, v4  }
0xbb: {  	v3 =	vor.u32 v3, v4  }
0xbc: {  	v4 =	vperm.xlane v3, v0;
	_ =	sdelay $0x1  }
0xbd: {  	v4 =	vadd.s32 v1, v4;
	_ =	sdelay $0x3  }
0xbe: {  	s19 =	simm.s32 $0x0  }
0xbf: {  	[tilespmem:s20], [sflag:$0x1] =	stream.indirect_vreg.gather [hbm4b:s2+s19], $0x80, v4, vm0, $0xb8;
	[tilespmem:$0x10400] =	vst v63  }
0xc0: {  	s21 =	simm.s32 $0xC00;
	v3 =	vperm.xlane v3, v2  }
0xc1: {  	[tilespmem:s21], [sflag:$0x1] =	stream.indirect_vreg.gather [hbm4b:s7+s19], $0x80, v4, vm0, $0xb8;
	[tilespmem:$0x10400] =	vst v63  }
0xc2: {  	s24 =	simm.s32 $0x1400;
	v3 =	vadd.s32 v1, v3  }
0xc3: {  	[tilespmem:s24], [sflag:$0x1] =	stream.indirect_vreg.gather [hbm4b:s8+s19], $0x80, v4, vm0, $0xb8;
	[tilespmem:$0x10400] =	vst v63  }
0xc4: {  	s12 =	simm.s32 $0x1C00  }
0xc5: {  	[tilespmem:s12], [sflag:$0x1] =	stream.indirect_vreg.gather [hbm4b:s10+s19], $0x80, v4, vm0, $0xb8;
	[tilespmem:$0x10400] =	vst v63  }
0xc6: {  	s14 =	simm.s32 $0x2400  }
0xc7: {  	[tilespmem:s14], [sflag:$0x1] =	stream.indirect_vreg.gather [hbm4b:s2+s19], $0x80, v3, vm0, $0xb8;
	[tilespmem:$0x10400] =	vst v63  }
0xc8: {  	s15 =	simm.s32 $0x2C00  }
0xc9: {  	[tilespmem:s15], [sflag:$0x1] =	stream.indirect_vreg.gather [hbm4b:s7+s19], $0x80, v3, vm0, $0xb8;
	[tilespmem:$0x10400] =	vst v63  }
0xca: {  	s16 =	simm.s32 $0x3400  }
0xcb: {  	[tilespmem:s16], [sflag:$0x1] =	stream.indirect_vreg.gather [hbm4b:s8+s19], $0x80, v3, vm0, $0xb8;
	[tilespmem:$0x10400] =	vst v63  }
0xcc: {  	s17 =	simm.s32 $0x3C00  }
0xcd: {  	[tilespmem:s17], [sflag:$0x1] =	stream.indirect_vreg.gather [hbm4b:s10+s19], $0x80, v3, vm0, $0xb8;
	[tilespmem:$0x10400] =	vst v63  }
0xce: {  	s6 =	sand.u32 $0x7000, s19;
	s18 =	rddreg [dreg:$0x5]  }
0xcf: {  	[hbm4b:s18+s19] =	stream.linear.scatter [tilespmem:s29], [sflag:$0x2], $0x4000, $0x38;
	[tilespmem:$0x10400] =	vst v63  }
0xd0: {  	s6 =	sshrl.u32 s6, $0x2;
	s19 =	simm.s32 $0x0  }
0xd1: {  	s12 =	simm.s32 $0x0;
	_ =	swait.ge [sflag:s22], $0x4000;
	s11 =	sand.u32 $0x2000, s19  }
0xd2: {  	s12 =	sand.u32 $0x380, s12;
	[sflag:s22] =	ssyncset.done $0x0;
	s6 =	sor.u32 s6, s11  }
0xd3: {  	[sflag:s22] =	ssyncadd.s32 $0xFFFFC000;
	s6 =	sor.u32 s12, s6  }
0xd4: {  	v3 =	vld [tilespmem:s6+$0x8400];
	_ =	sdelay $0x1  }
0xd5: {  	v4 =	vld [tilespmem:s6+$0x8410]  }
0xd6: {  	s21 =	simm.s32 $0x1000;
	v6 =	vld [tilespmem:s6+$0x8420]  }
0xd7: {  	s24 =	simm.s32 $0x80;
	s11 =	sand.u32 $0x7000, s21;
	v7 =	vld [tilespmem:s6+$0x8430]  }
0xd8: {  	s14 =	simm.s32 $0x10;
	s12 =	sand.u32 $0x2000, s24;
	s11 =	sshrl.u32 s11, $0x2;
	v8 =	vld [tilespmem:s6+$0x8440];
	v3 =	vmul.f32 $3.200000000e+01, v3  }
0xd9: {  	s14 =	sand.u32 $0x380, s14;
	s11 =	sor.u32 s11, s12;
	v9 =	vld [tilespmem:s6+$0x8450]  }
0xda: {  	v10 =	vld [tilespmem:s6+$0x8460];
	s11 =	sor.u32 s14, s11;
	v4 =	vmul.f32 $3.200000000e+01, v4;
	[tilespmem:s6+$0x8400] =	vst v3  }
0xdb: {  	v5 =	vld [tilespmem:s11+$0x8400]  }
0xdc: {  	v3 =	vmul.f32 $3.200000000e+01, v6;
	[tilespmem:s6+$0x8410] =	vst v4;
	v4 =	vmul.f32 $3.200000000e+01, v7;
	v7 =	vld [tilespmem:s6+$0x8470];
	_ =	sdelay $0x1  }
0xdd: {  	v8 =	vmul.f32 $3.200000000e+01, v8;
	v6 =	vld [tilespmem:s11+$0x8410];
	[tilespmem:s6+$0x8420] =	vst v3  }
0xde: {  	v9 =	vmul.f32 $3.200000000e+01, v9;
	v3 =	vld [tilespmem:s11+$0x8420];
	[tilespmem:s6+$0x8430] =	vst v4  }
0xdf: {  	s12 =	simm.s32 $0x2000;
	s14 =	simm.s32 $0x2;
	v4 =	vld [tilespmem:s11+$0x8430];
	[tilespmem:s6+$0x8440] =	vst v8;
	v8 =	vmul.f32 $3.200000000e+01, v10  }
.LBB2_6:
0xe0: {  	s15 =	sand.u32 $0x7000, s12;
	s16 =	sshll.u32 s14, $0x7;
	p0 =	sne.s32 s14, $0x7F;
	v10 =	vld [tilespmem:s11+$0x8440];
	[tilespmem:s6+$0x8450] =	vst v9;
	v7 =	vmul.f32 $3.200000000e+01, v7  }
0xe1: {  	s17 =	sshll.u32 s14, $0x4;
	s16 =	sand.u32 $0x2000, s16;
	s15 =	sshrl.u32 s15, $0x2;
	v5 =	vmul.f32 $3.200000000e+01, v5;
	v9 =	vld [tilespmem:s11+$0x8450];
	[tilespmem:s6+$0x8460] =	vst v8  }
0xe2: {  	s17 =	sand.u32 $0x380, s17;
	s15 =	sor.u32 s15, s16;
	v6 =	vmul.f32 $3.200000000e+01, v6;
	v8 =	vld [tilespmem:s11+$0x8460];
	[tilespmem:s6+$0x8470] =	vst v7;
	s6 =	smov.u32 s11  }
.Ltmp2:
0xe3: {  	s11 =	sor.u32 s17, s15;
	[tilespmem:s6+$0x8400] =	vst v5;
	v3 =	vmul.f32 $3.200000000e+01, v3;
	v7 =	vld [tilespmem:s6+$0x8470];
	(pc) =	sbr.rel @p0 .LBB2_6-.Ltmp2, $4  }
0xe4: {  	v5 =	vld [tilespmem:s11+$0x8400];
	[tilespmem:s6+$0x8410] =	vst v6;
	v4 =	vmul.f32 $3.200000000e+01, v4  }
0xe5: {  	v6 =	vld [tilespmem:s11+$0x8410];
	[tilespmem:s6+$0x8420] =	vst v3;
	v10 =	vmul.f32 $3.200000000e+01, v10  }
0xe6: {  	v3 =	vld [tilespmem:s11+$0x8420];
	[tilespmem:s6+$0x8430] =	vst v4;
	v9 =	vmul.f32 $3.200000000e+01, v9  }
0xe7: {  	s12 =	sadd.s32 $0x1000, s12;
	s14 =	sadd.s32 $0x1, s14;
	v4 =	vld [tilespmem:s11+$0x8430];
	[tilespmem:s6+$0x8440] =	vst v10;
	v8 =	vmul.f32 $3.200000000e+01, v8  }
0xe8: {  	v10 =	vld [tilespmem:s11+$0x8440];
	[tilespmem:s6+$0x8450] =	vst v9;
	v7 =	vmul.f32 $3.200000000e+01, v7  }
0xe9: {  	v9 =	vld [tilespmem:s11+$0x8450];
	[tilespmem:s6+$0x8460] =	vst v8;
	v5 =	vmul.f32 $3.200000000e+01, v5  }
0xea: {  	v8 =	vld [tilespmem:s11+$0x8460];
	v6 =	vmul.f32 $3.200000000e+01, v6;
	[tilespmem:s6+$0x8470] =	vst v7  }
0xeb: {  	[tilespmem:s11+$0x8400] =	vst v5;
	v3 =	vmul.f32 $3.200000000e+01, v3;
	v5 =	vld [tilespmem:s11+$0x8470]  }
0xec: {  	[tilespmem:s11+$0x8410] =	vst v6;
	v4 =	vmul.f32 $3.200000000e+01, v4  }
0xed: {  	[tilespmem:s11+$0x8420] =	vst v3;
	v3 =	vmul.f32 $3.200000000e+01, v10  }
0xee: {  	[tilespmem:s11+$0x8430] =	vst v4;
	v4 =	vmul.f32 $3.200000000e+01, v9  }
0xef: {  	[tilespmem:s11+$0x8440] =	vst v3;
	v3 =	vmul.f32 $3.200000000e+01, v8  }
0xf0: {  	[tilespmem:s11+$0x8450] =	vst v4;
	v4 =	vmul.f32 $3.200000000e+01, v5  }
0xf1: {  	[tilespmem:s11+$0x8460] =	vst v3  }
0xf2: {  	[tilespmem:s11+$0x8470] =	vst v4  }
0xf3: {  	_ =	swait.ge [sflag:s0], $0x4000  }
0xf4: {  	[sflag:s0] =	ssyncset.done $0x0  }
0xf5: {  	[sflag:s0] =	ssyncadd.s32 $0xFFFFC000  }
0xf6: {  	v3 =	vld [tilespmem:$0x50];
	_ =	sdelay $0x4  }
0xf7: {  	v4 =	vshll.u32 v3, $0x3  }
0xf8: {  	v3 =	vand.u32 $0x7, v3;
	v4 =	vand.u32 $0xFFFFFFC0, v4  }
0xf9: {  	v3 =	vor.u32 v3, v4  }
0xfa: {  	v4 =	vperm.xlane v3, v0;
	_ =	sdelay $0x1  }
0xfb: {  	v4 =	vadd.s32 v1, v4;
	_ =	sdelay $0x3  }
0xfc: {  	s19 =	simm.s32 $0x0  }
0xfd: {  	[tilespmem:s29], [sflag:$0x1] =	stream.indirect_vreg.gather [hbm4b:s2+s19], $0x80, v4, vm0, $0xb8;
	[tilespmem:$0x10400] =	vst v63  }
0xfe: {  	s21 =	simm.s32 $0x4C00;
	v3 =	vperm.xlane v3, v2  }
0xff: {  	[tilespmem:s21], [sflag:$0x1] =	stream.indirect_vreg.gather [hbm4b:s7+s19], $0x80, v4, vm0, $0xb8;
	[tilespmem:$0x10400] =	vst v63  }
0x100: {  	s24 =	simm.s32 $0x5400;
	v3 =	vadd.s32 v1, v3  }
0x101: {  	[tilespmem:s24], [sflag:$0x1] =	stream.indirect_vreg.gather [hbm4b:s8+s19], $0x80, v4, vm0, $0xb8;
	[tilespmem:$0x10400] =	vst v63  }
0x102: {  	s12 =	simm.s32 $0x5C00  }
0x103: {  	[tilespmem:s12], [sflag:$0x1] =	stream.indirect_vreg.gather [hbm4b:s10+s19], $0x80, v4, vm0, $0xb8;
	[tilespmem:$0x10400] =	vst v63  }
0x104: {  	s14 =	simm.s32 $0x6400  }
0x105: {  	[tilespmem:s14], [sflag:$0x1] =	stream.indirect_vreg.gather [hbm4b:s2+s19], $0x80, v3, vm0, $0xb8;
	[tilespmem:$0x10400] =	vst v63  }
0x106: {  	s15 =	simm.s32 $0x6C00  }
0x107: {  	[tilespmem:s15], [sflag:$0x1] =	stream.indirect_vreg.gather [hbm4b:s7+s19], $0x80, v3, vm0, $0xb8;
	[tilespmem:$0x10400] =	vst v63  }
0x108: {  	s16 =	simm.s32 $0x7400  }
0x109: {  	[tilespmem:s16], [sflag:$0x1] =	stream.indirect_vreg.gather [hbm4b:s8+s19], $0x80, v3, vm0, $0xb8;
	[tilespmem:$0x10400] =	vst v63  }
0x10a: {  	s17 =	simm.s32 $0x7C00  }
0x10b: {  	[tilespmem:s17], [sflag:$0x1] =	stream.indirect_vreg.gather [hbm4b:s10+s19], $0x80, v3, vm0, $0xb8;
	[tilespmem:$0x10400] =	vst v63  }
0x10c: {  	s6 =	sand.u32 $0x7000, s19;
	s18 =	rddreg [dreg:$0x6]  }
0x10d: {  	[hbm4b:s18+s19] =	stream.linear.scatter [tilespmem:s13], [sflag:$0x2], $0x4000, $0x38;
	[tilespmem:$0x10400] =	vst v63  }
0x10e: {  	s6 =	sshrl.u32 s6, $0x2;
	s19 =	simm.s32 $0x0  }
0x10f: {  	s12 =	simm.s32 $0x0;
	_ =	swait.ge [sflag:s22], $0x4000;
	s11 =	sand.u32 $0x2000, s19  }
0x110: {  	s12 =	sand.u32 $0x380, s12;
	[sflag:s22] =	ssyncset.done $0x0;
	s6 =	sor.u32 s6, s11  }
0x111: {  	[sflag:s22] =	ssyncadd.s32 $0xFFFFC000;
	s6 =	sor.u32 s12, s6  }
0x112: {  	v3 =	vld [tilespmem:s6+$0xC400];
	_ =	sdelay $0x1  }
0x113: {  	v4 =	vld [tilespmem:s6+$0xC410]  }
0x114: {  	s21 =	simm.s32 $0x1000;
	v6 =	vld [tilespmem:s6+$0xC420]  }
0x115: {  	s24 =	simm.s32 $0x80;
	s11 =	sand.u32 $0x7000, s21;
	v7 =	vld [tilespmem:s6+$0xC430]  }
0x116: {  	s14 =	simm.s32 $0x10;
	s12 =	sand.u32 $0x2000, s24;
	s11 =	sshrl.u32 s11, $0x2;
	v8 =	vld [tilespmem:s6+$0xC440];
	v3 =	vmul.f32 $3.200000000e+01, v3  }
0x117: {  	s14 =	sand.u32 $0x380, s14;
	s11 =	sor.u32 s11, s12;
	v9 =	vld [tilespmem:s6+$0xC450]  }
0x118: {  	v10 =	vld [tilespmem:s6+$0xC460];
	s11 =	sor.u32 s14, s11;
	v4 =	vmul.f32 $3.200000000e+01, v4;
	[tilespmem:s6+$0xC400] =	vst v3  }
0x119: {  	v5 =	vld [tilespmem:s11+$0xC400]  }
0x11a: {  	v3 =	vmul.f32 $3.200000000e+01, v6;
	[tilespmem:s6+$0xC410] =	vst v4;
	v4 =	vmul.f32 $3.200000000e+01, v7;
	v7 =	vld [tilespmem:s6+$0xC470];
	_ =	sdelay $0x1  }
0x11b: {  	v8 =	vmul.f32 $3.200000000e+01, v8;
	v6 =	vld [tilespmem:s11+$0xC410];
	[tilespmem:s6+$0xC420] =	vst v3  }
0x11c: {  	v9 =	vmul.f32 $3.200000000e+01, v9;
	v3 =	vld [tilespmem:s11+$0xC420];
	[tilespmem:s6+$0xC430] =	vst v4  }
0x11d: {  	s12 =	simm.s32 $0x2000;
	s14 =	simm.s32 $0x2;
	v4 =	vld [tilespmem:s11+$0xC430];
	[tilespmem:s6+$0xC440] =	vst v8;
	v8 =	vmul.f32 $3.200000000e+01, v10  }
.LBB2_8:
0x11e: {  	s15 =	sand.u32 $0x7000, s12;
	s16 =	sshll.u32 s14, $0x7;
	p0 =	sne.s32 s14, $0x7F;
	v10 =	vld [tilespmem:s11+$0xC440];
	[tilespmem:s6+$0xC450] =	vst v9;
	v7 =	vmul.f32 $3.200000000e+01, v7  }
0x11f: {  	s17 =	sshll.u32 s14, $0x4;
	s16 =	sand.u32 $0x2000, s16;
	s15 =	sshrl.u32 s15, $0x2;
	v5 =	vmul.f32 $3.200000000e+01, v5;
	v9 =	vld [tilespmem:s11+$0xC450];
	[tilespmem:s6+$0xC460] =	vst v8  }
0x120: {  	s17 =	sand.u32 $0x380, s17;
	s15 =	sor.u32 s15, s16;
	v6 =	vmul.f32 $3.200000000e+01, v6;
	v8 =	vld [tilespmem:s11+$0xC460];
	[tilespmem:s6+$0xC470] =	vst v7;
	s6 =	smov.u32 s11  }
.Ltmp3:
0x121: {  	s11 =	sor.u32 s17, s15;
	[tilespmem:s6+$0xC400] =	vst v5;
	v3 =	vmul.f32 $3.200000000e+01, v3;
	v7 =	vld [tilespmem:s6+$0xC470];
	(pc) =	sbr.rel @p0 .LBB2_8-.Ltmp3, $4  }
0x122: {  	v5 =	vld [tilespmem:s11+$0xC400];
	[tilespmem:s6+$0xC410] =	vst v6;
	v4 =	vmul.f32 $3.200000000e+01, v4  }
0x123: {  	v6 =	vld [tilespmem:s11+$0xC410];
	[tilespmem:s6+$0xC420] =	vst v3;
	v10 =	vmul.f32 $3.200000000e+01, v10  }
0x124: {  	v3 =	vld [tilespmem:s11+$0xC420];
	[tilespmem:s6+$0xC430] =	vst v4;
	v9 =	vmul.f32 $3.200000000e+01, v9  }
0x125: {  	s12 =	sadd.s32 $0x1000, s12;
	s14 =	sadd.s32 $0x1, s14;
	v4 =	vld [tilespmem:s11+$0xC430];
	[tilespmem:s6+$0xC440] =	vst v10;
	v8 =	vmul.f32 $3.200000000e+01, v8  }
0x126: {  	v10 =	vld [tilespmem:s11+$0xC440];
	[tilespmem:s6+$0xC450] =	vst v9;
	v7 =	vmul.f32 $3.200000000e+01, v7  }
0x127: {  	v9 =	vld [tilespmem:s11+$0xC450];
	[tilespmem:s6+$0xC460] =	vst v8;
	v5 =	vmul.f32 $3.200000000e+01, v5  }
0x128: {  	v8 =	vld [tilespmem:s11+$0xC460];
	v6 =	vmul.f32 $3.200000000e+01, v6;
	[tilespmem:s6+$0xC470] =	vst v7  }
0x129: {  	[tilespmem:s11+$0xC400] =	vst v5;
	v3 =	vmul.f32 $3.200000000e+01, v3;
	v60 =	vld [tilespmem:s11+$0xC470]  }
0x12a: {  	[tilespmem:s11+$0xC410] =	vst v6;
	v4 =	vmul.f32 $3.200000000e+01, v4  }
0x12b: {  	[tilespmem:s11+$0xC420] =	vst v3;
	v3 =	vmul.f32 $3.200000000e+01, v10  }
0x12c: {  	[tilespmem:s11+$0xC430] =	vst v4;
	v61 =	vmul.f32 $3.200000000e+01, v9  }
0x12d: {  	[tilespmem:s11+$0xC440] =	vst v3;
	v3 =	vmul.f32 $3.200000000e+01, v8  }
0x12e: {  	[tilespmem:s11+$0xC450] =	vst v61;
	v62 =	vmul.f32 $3.200000000e+01, v60  }
0x12f: {  	[tilespmem:s11+$0xC460] =	vst v3  }
0x130: {  	[tilespmem:s11+$0xC470] =	vst v62  }
0x131: {  	_ =	swait.ge [sflag:s0], $0x4000  }
0x132: {  	[sflag:s0] =	ssyncset.done $0x0  }
0x133: {  	[sflag:s0] =	ssyncadd.s32 $0xFFFFC000  }
0x134: {  	v3 =	vld [tilespmem:$0x60];
	_ =	sdelay $0x4  }
0x135: {  	v63 =	vshll.u32 v3, $0x3  }
0x136: {  	v3 =	vand.u32 $0x7, v3;
	v4 =	vand.u32 $0xFFFFFFC0, v63  }
0x137: {  	v3 =	vor.u32 v3, v4  }
0x138: {  	v4 =	vperm.xlane v3, v0;
	_ =	sdelay $0x1  }
0x139: {  	v4 =	vadd.s32 v1, v4;
	_ =	sdelay $0x4  }
0x13a: {  	[tilespmem:s13], [sflag:$0x1] =	stream.indirect_vreg.gather [hbm4b:s2+s4], $0x80, v4, vm0, $0xb8;
	[tilespmem:$0x10400] =	vst v63  }
0x13b: {  	s14 =	simm.s32 $0x8C00;
	v3 =	vperm.xlane v3, v2  }
0x13c: {  	[tilespmem:s14], [sflag:$0x1] =	stream.indirect_vreg.gather [hbm4b:s7+s4], $0x80, v4, vm0, $0xb8;
	[tilespmem:$0x10400] =	vst v63  }
0x13d: {  	s15 =	simm.s32 $0x9400;
	v3 =	vadd.s32 v1, v3  }
0x13e: {  	[tilespmem:s15], [sflag:$0x1] =	stream.indirect_vreg.gather [hbm4b:s8+s4], $0x80, v4, vm0, $0xb8;
	[tilespmem:$0x10400] =	vst v63  }
0x13f: {  	s16 =	simm.s32 $0x9C00  }
0x140: {  	[tilespmem:s16], [sflag:$0x1] =	stream.indirect_vreg.gather [hbm4b:s10+s4], $0x80, v4, vm0, $0xb8;
	[tilespmem:$0x10400] =	vst v63  }
0x141: {  	s17 =	simm.s32 $0xA400  }
0x142: {  	[tilespmem:s17], [sflag:$0x1] =	stream.indirect_vreg.gather [hbm4b:s2+s4], $0x80, v3, vm0, $0xb8;
	[tilespmem:$0x10400] =	vst v63  }
0x143: {  	s18 =	simm.s32 $0xAC00  }
0x144: {  	[tilespmem:s18], [sflag:$0x1] =	stream.indirect_vreg.gather [hbm4b:s7+s4], $0x80, v3, vm0, $0xb8;
	[tilespmem:$0x10400] =	vst v63  }
0x145: {  	s19 =	simm.s32 $0xB400  }
0x146: {  	[tilespmem:s19], [sflag:$0x1] =	stream.indirect_vreg.gather [hbm4b:s8+s4], $0x80, v3, vm0, $0xb8;
	[tilespmem:$0x10400] =	vst v63  }
0x147: {  	s21 =	simm.s32 $0xBC00  }
0x148: {  	[tilespmem:s21], [sflag:$0x1] =	stream.indirect_vreg.gather [hbm4b:s10+s4], $0x80, v3, vm0, $0xb8;
	[tilespmem:$0x10400] =	vst v63  }
0x149: {  	s6 =	simm.s32 $0x1;
	s24 =	rddreg [dreg:$0x7]  }
0x14a: {  	[hbm4b:s24+s4] =	stream.linear.scatter [tilespmem:s23], [sflag:$0x2], $0x4000, $0x38;
	[tilespmem:$0x10400] =	vst v63  }
.LBB2_10:
0x14b: {  	s11 =	simm.s32 $0x0  }
0x14c: {  	_ =	swait.ge [sflag:s22], $0x4000;
	s12 =	simm.s32 $0x0;
	s11 =	sand.u32 $0x7000, s11  }
0x14d: {  	s14 =	simm.s32 $0x0;
	s12 =	sand.u32 $0x2000, s12;
	s11 =	sshrl.u32 s11, $0x2  }
0x14e: {  	[sflag:s22] =	ssyncset.done $0x0;
	s14 =	sand.u32 $0x380, s14;
	s11 =	sor.u32 s11, s12  }
0x14f: {  	[sflag:s22] =	ssyncadd.s32 $0xFFFFC000;
	s11 =	sor.u32 s14, s11  }
0x150: {  	v3 =	vld [tilespmem:s11+$0x400];
	_ =	sdelay $0x1  }
0x151: {  	v4 =	vld [tilespmem:s11+$0x410]  }
0x152: {  	s21 =	simm.s32 $0x1000;
	v6 =	vld [tilespmem:s11+$0x420]  }
0x153: {  	s24 =	simm.s32 $0x80;
	s12 =	sand.u32 $0x7000, s21;
	v7 =	vld [tilespmem:s11+$0x430]  }
0x154: {  	s15 =	simm.s32 $0x10;
	s14 =	sand.u32 $0x2000, s24;
	s12 =	sshrl.u32 s12, $0x2;
	v8 =	vld [tilespmem:s11+$0x440];
	v3 =	vmul.f32 $3.200000000e+01, v3  }
0x155: {  	s15 =	sand.u32 $0x380, s15;
	s12 =	sor.u32 s12, s14;
	v9 =	vld [tilespmem:s11+$0x450]  }
0x156: {  	v10 =	vld [tilespmem:s11+$0x460];
	s12 =	sor.u32 s15, s12;
	v4 =	vmul.f32 $3.200000000e+01, v4;
	[tilespmem:s11+$0x400] =	vst v3  }
0x157: {  	v5 =	vld [tilespmem:s12+$0x400]  }
0x158: {  	v3 =	vmul.f32 $3.200000000e+01, v6;
	[tilespmem:s11+$0x410] =	vst v4;
	v4 =	vmul.f32 $3.200000000e+01, v7;
	v7 =	vld [tilespmem:s11+$0x470];
	_ =	sdelay $0x1  }
0x159: {  	v8 =	vmul.f32 $3.200000000e+01, v8;
	v6 =	vld [tilespmem:s12+$0x410];
	[tilespmem:s11+$0x420] =	vst v3  }
0x15a: {  	v9 =	vmul.f32 $3.200000000e+01, v9;
	v3 =	vld [tilespmem:s12+$0x420];
	[tilespmem:s11+$0x430] =	vst v4  }
0x15b: {  	s14 =	simm.s32 $0x2000;
	s15 =	simm.s32 $0x2;
	v4 =	vld [tilespmem:s12+$0x430];
	[tilespmem:s11+$0x440] =	vst v8;
	v8 =	vmul.f32 $3.200000000e+01, v10  }
.LBB2_11:
0x15c: {  	s16 =	sand.u32 $0x7000, s14;
	s17 =	sshll.u32 s15, $0x7;
	p0 =	sne.s32 s15, $0x7F;
	v10 =	vld [tilespmem:s12+$0x440];
	[tilespmem:s11+$0x450] =	vst v9;
	v7 =	vmul.f32 $3.200000000e+01, v7  }
0x15d: {  	s18 =	sshll.u32 s15, $0x4;
	s17 =	sand.u32 $0x2000, s17;
	s16 =	sshrl.u32 s16, $0x2;
	v5 =	vmul.f32 $3.200000000e+01, v5;
	v9 =	vld [tilespmem:s12+$0x450];
	[tilespmem:s11+$0x460] =	vst v8  }
0x15e: {  	s18 =	sand.u32 $0x380, s18;
	s16 =	sor.u32 s16, s17;
	v6 =	vmul.f32 $3.200000000e+01, v6;
	v8 =	vld [tilespmem:s12+$0x460];
	[tilespmem:s11+$0x470] =	vst v7;
	s11 =	smov.u32 s12  }
.Ltmp4:
0x15f: {  	s12 =	sor.u32 s18, s16;
	[tilespmem:s11+$0x400] =	vst v5;
	v3 =	vmul.f32 $3.200000000e+01, v3;
	v7 =	vld [tilespmem:s11+$0x470];
	(pc) =	sbr.rel @p0 .LBB2_11-.Ltmp4, $4  }
0x160: {  	v5 =	vld [tilespmem:s12+$0x400];
	[tilespmem:s11+$0x410] =	vst v6;
	v4 =	vmul.f32 $3.200000000e+01, v4  }
0x161: {  	v6 =	vld [tilespmem:s12+$0x410];
	[tilespmem:s11+$0x420] =	vst v3;
	v10 =	vmul.f32 $3.200000000e+01, v10  }
0x162: {  	v3 =	vld [tilespmem:s12+$0x420];
	[tilespmem:s11+$0x430] =	vst v4;
	v9 =	vmul.f32 $3.200000000e+01, v9  }
0x163: {  	s14 =	sadd.s32 $0x1000, s14;
	s15 =	sadd.s32 $0x1, s15;
	v4 =	vld [tilespmem:s12+$0x430];
	[tilespmem:s11+$0x440] =	vst v10;
	v8 =	vmul.f32 $3.200000000e+01, v8  }
0x164: {  	v10 =	vld [tilespmem:s12+$0x440];
	[tilespmem:s11+$0x450] =	vst v9;
	v7 =	vmul.f32 $3.200000000e+01, v7  }
0x165: {  	v9 =	vld [tilespmem:s12+$0x450];
	[tilespmem:s11+$0x460] =	vst v8;
	v5 =	vmul.f32 $3.200000000e+01, v5  }
0x166: {  	v8 =	vld [tilespmem:s12+$0x460];
	v6 =	vmul.f32 $3.200000000e+01, v6;
	[tilespmem:s11+$0x470] =	vst v7  }
0x167: {  	[tilespmem:s12+$0x400] =	vst v5;
	v3 =	vmul.f32 $3.200000000e+01, v3;
	v5 =	vld [tilespmem:s12+$0x470]  }
0x168: {  	[tilespmem:s12+$0x410] =	vst v6;
	v4 =	vmul.f32 $3.200000000e+01, v4  }
0x169: {  	[tilespmem:s12+$0x420] =	vst v3;
	v3 =	vmul.f32 $3.200000000e+01, v10  }
0x16a: {  	[tilespmem:s12+$0x430] =	vst v4;
	v4 =	vmul.f32 $3.200000000e+01, v9  }
0x16b: {  	[tilespmem:s12+$0x440] =	vst v3;
	v3 =	vmul.f32 $3.200000000e+01, v8  }
0x16c: {  	[tilespmem:s12+$0x450] =	vst v4;
	v4 =	vmul.f32 $3.200000000e+01, v5  }
0x16d: {  	[tilespmem:s12+$0x460] =	vst v3  }
0x16e: {  	[tilespmem:s12+$0x470] =	vst v4  }
0x16f: {  	_ =	swait.ge [sflag:s0], $0x4000  }
0x170: {  	[sflag:s0] =	ssyncset.done $0x0  }
0x171: {  	s14 =	sshll.u32 s6, $0x6;
	[sflag:s0] =	ssyncadd.s32 $0xFFFFC000  }
0x172: {  	v3 =	vld [tilespmem:s14+$0x30];
	_ =	sdelay $0x4  }
0x173: {  	v4 =	vshll.u32 v3, $0x3  }
0x174: {  	v3 =	vand.u32 $0x7, v3;
	v4 =	vand.u32 $0xFFFFFFC0, v4  }
0x175: {  	v3 =	vor.u32 v3, v4  }
0x176: {  	v4 =	vperm.xlane v3, v0;
	_ =	sdelay $0x1  }
0x177: {  	v4 =	vadd.s32 v1, v4;
	_ =	sdelay $0x3  }
0x178: {  	s16 =	simm.s32 $0x0  }
0x179: {  	[tilespmem:s23], [sflag:$0x1] =	stream.indirect_vreg.gather [hbm4b:s2+s16], $0x80, v4, vm0, $0xb8;
	[tilespmem:$0x10400] =	vst v63  }
0x17a: {  	s17 =	simm.s32 $0xCC00;
	v3 =	vperm.xlane v3, v2  }
0x17b: {  	[tilespmem:s17], [sflag:$0x1] =	stream.indirect_vreg.gather [hbm4b:s7+s16], $0x80, v4, vm0, $0xb8;
	[tilespmem:$0x10400] =	vst v63  }
0x17c: {  	v3 =	vadd.s32 v1, v3  }
0x17d: {  	[tilespmem:s25], [sflag:$0x1] =	stream.indirect_vreg.gather [hbm4b:s8+s16], $0x80, v4, vm0, $0xb8;
	[tilespmem:$0x10400] =	vst v63  }
0x17e: {  	_ = 	snop  }
0x17f: {  	[tilespmem:s26], [sflag:$0x1] =	stream.indirect_vreg.gather [hbm4b:s10+s16], $0x80, v4, vm0, $0xb8;
	[tilespmem:$0x10400] =	vst v63  }
0x180: {  	_ = 	snop  }
0x181: {  	[tilespmem:s28], [sflag:$0x1] =	stream.indirect_vreg.gather [hbm4b:s2+s16], $0x80, v3, vm0, $0xb8;
	[tilespmem:$0x10400] =	vst v63  }
0x182: {  	_ = 	snop  }
0x183: {  	[tilespmem:s30], [sflag:$0x1] =	stream.indirect_vreg.gather [hbm4b:s7+s16], $0x80, v3, vm0, $0xb8;
	[tilespmem:$0x10400] =	vst v63  }
0x184: {  	_ = 	snop  }
0x185: {  	[tilespmem:s31], [sflag:$0x1] =	stream.indirect_vreg.gather [hbm4b:s8+s16], $0x80, v3, vm0, $0xb8;
	[tilespmem:$0x10400] =	vst v63  }
0x186: {  	s18 =	sshll.u32 s6, $0xD;
	s19 =	simm.s32 $0x0  }
0x187: {  	[tilespmem:s1], [sflag:$0x1] =	stream.indirect_vreg.gather [hbm4b:s10+s16], $0x80, v3, vm0, $0xb8;
	[tilespmem:$0x10400] =	vst v63  }
0x188: {  	s15 =	simm.s32 $0x0;
	s11 =	sand.u32 $0x7000, s16;
	s12 =	sadd.s32 s18, s9  }
0x189: {  	[hbm4b:s12+s16] =	stream.linear.scatter [tilespmem:s20], [sflag:$0x2], $0x4000, $0x38;
	[tilespmem:$0x10400] =	vst v63  }
0x18a: {  	s11 =	sshrl.u32 s11, $0x2;
	s12 =	sand.u32 $0x2000, s19;
	_ =	swait.ge [sflag:s22], $0x4000  }
0x18b: {  	s15 =	sand.u32 $0x380, s15;
	s11 =	sor.u32 s11, s12;
	[sflag:s22] =	ssyncset.done $0x0  }
0x18c: {  	s12 =	sor.u32 s15, s11;
	[sflag:s22] =	ssyncadd.s32 $0xFFFFC000  }
0x18d: {  	v3 =	vld [tilespmem:s12+$0x4400];
	_ =	sdelay $0x1  }
0x18e: {  	v4 =	vld [tilespmem:s12+$0x4410]  }
0x18f: {  	s21 =	simm.s32 $0x1000;
	v6 =	vld [tilespmem:s12+$0x4420]  }
0x190: {  	s24 =	simm.s32 $0x80;
	s11 =	sand.u32 $0x7000, s21;
	v7 =	vld [tilespmem:s12+$0x4430]  }
0x191: {  	s16 =	simm.s32 $0x10;
	s15 =	sand.u32 $0x2000, s24;
	s11 =	sshrl.u32 s11, $0x2;
	v8 =	vld [tilespmem:s12+$0x4440];
	v3 =	vmul.f32 $3.200000000e+01, v3  }
0x192: {  	s16 =	sand.u32 $0x380, s16;
	s11 =	sor.u32 s11, s15;
	v9 =	vld [tilespmem:s12+$0x4450]  }
0x193: {  	v10 =	vld [tilespmem:s12+$0x4460];
	s15 =	sor.u32 s16, s11;
	v4 =	vmul.f32 $3.200000000e+01, v4;
	[tilespmem:s12+$0x4400] =	vst v3  }
0x194: {  	v5 =	vld [tilespmem:s15+$0x4400]  }
0x195: {  	v3 =	vmul.f32 $3.200000000e+01, v6;
	[tilespmem:s12+$0x4410] =	vst v4;
	v4 =	vmul.f32 $3.200000000e+01, v7;
	v7 =	vld [tilespmem:s12+$0x4470];
	_ =	sdelay $0x1  }
0x196: {  	v8 =	vmul.f32 $3.200000000e+01, v8;
	v6 =	vld [tilespmem:s15+$0x4410];
	[tilespmem:s12+$0x4420] =	vst v3  }
0x197: {  	v9 =	vmul.f32 $3.200000000e+01, v9;
	v3 =	vld [tilespmem:s15+$0x4420];
	[tilespmem:s12+$0x4430] =	vst v4  }
0x198: {  	s17 =	simm.s32 $0x2;
	s11 =	sor.u32 $0x30, s14;
	s16 =	simm.s32 $0x2000;
	v4 =	vld [tilespmem:s15+$0x4430];
	[tilespmem:s12+$0x4440] =	vst v8;
	v8 =	vmul.f32 $3.200000000e+01, v10  }
.LBB2_13:
0x199: {  	s18 =	sand.u32 $0x7000, s16;
	s19 =	sshll.u32 s17, $0x7;
	p0 =	sne.s32 s17, $0x7F;
	v10 =	vld [tilespmem:s15+$0x4440];
	[tilespmem:s12+$0x4450] =	vst v9;
	v7 =	vmul.f32 $3.200000000e+01, v7  }
0x19a: {  	s21 =	sshll.u32 s17, $0x4;
	s19 =	sand.u32 $0x2000, s19;
	s18 =	sshrl.u32 s18, $0x2;
	v5 =	vmul.f32 $3.200000000e+01, v5;
	v9 =	vld [tilespmem:s15+$0x4450];
	[tilespmem:s12+$0x4460] =	vst v8  }
0x19b: {  	s21 =	sand.u32 $0x380, s21;
	s18 =	sor.u32 s18, s19;
	v6 =	vmul.f32 $3.200000000e+01, v6;
	v8 =	vld [tilespmem:s15+$0x4460];
	[tilespmem:s12+$0x4470] =	vst v7;
	s12 =	smov.u32 s15  }
.Ltmp5:
0x19c: {  	s15 =	sor.u32 s21, s18;
	[tilespmem:s12+$0x4400] =	vst v5;
	v3 =	vmul.f32 $3.200000000e+01, v3;
	v7 =	vld [tilespmem:s12+$0x4470];
	(pc) =	sbr.rel @p0 .LBB2_13-.Ltmp5, $4  }
0x19d: {  	v5 =	vld [tilespmem:s15+$0x4400];
	[tilespmem:s12+$0x4410] =	vst v6;
	v4 =	vmul.f32 $3.200000000e+01, v4  }
0x19e: {  	v6 =	vld [tilespmem:s15+$0x4410];
	[tilespmem:s12+$0x4420] =	vst v3;
	v10 =	vmul.f32 $3.200000000e+01, v10  }
0x19f: {  	v3 =	vld [tilespmem:s15+$0x4420];
	[tilespmem:s12+$0x4430] =	vst v4;
	v9 =	vmul.f32 $3.200000000e+01, v9  }
0x1a0: {  	s16 =	sadd.s32 $0x1000, s16;
	s17 =	sadd.s32 $0x1, s17;
	v4 =	vld [tilespmem:s15+$0x4430];
	[tilespmem:s12+$0x4440] =	vst v10;
	v8 =	vmul.f32 $3.200000000e+01, v8  }
0x1a1: {  	v10 =	vld [tilespmem:s15+$0x4440];
	[tilespmem:s12+$0x4450] =	vst v9;
	v7 =	vmul.f32 $3.200000000e+01, v7  }
0x1a2: {  	v9 =	vld [tilespmem:s15+$0x4450];
	[tilespmem:s12+$0x4460] =	vst v8;
	v5 =	vmul.f32 $3.200000000e+01, v5  }
0x1a3: {  	v8 =	vld [tilespmem:s15+$0x4460];
	v6 =	vmul.f32 $3.200000000e+01, v6;
	[tilespmem:s12+$0x4470] =	vst v7  }
0x1a4: {  	[tilespmem:s15+$0x4400] =	vst v5;
	v3 =	vmul.f32 $3.200000000e+01, v3;
	v5 =	vld [tilespmem:s15+$0x4470]  }
0x1a5: {  	[tilespmem:s15+$0x4410] =	vst v6;
	v4 =	vmul.f32 $3.200000000e+01, v4  }
0x1a6: {  	[tilespmem:s15+$0x4420] =	vst v3;
	v3 =	vmul.f32 $3.200000000e+01, v10  }
0x1a7: {  	[tilespmem:s15+$0x4430] =	vst v4;
	v4 =	vmul.f32 $3.200000000e+01, v9  }
0x1a8: {  	[tilespmem:s15+$0x4440] =	vst v3;
	v3 =	vmul.f32 $3.200000000e+01, v8  }
0x1a9: {  	[tilespmem:s15+$0x4450] =	vst v4;
	v4 =	vmul.f32 $3.200000000e+01, v5  }
0x1aa: {  	[tilespmem:s15+$0x4460] =	vst v3  }
0x1ab: {  	[tilespmem:s15+$0x4470] =	vst v4  }
0x1ac: {  	_ =	swait.ge [sflag:s0], $0x4000  }
0x1ad: {  	[sflag:s0] =	ssyncset.done $0x0  }
0x1ae: {  	s12 =	sand.u32 $0x3FFFFFC0, s14;
	[sflag:s0] =	ssyncadd.s32 $0xFFFFC000  }
0x1af: {  	v3 =	vld [tilespmem:s12+$0x40];
	_ =	sdelay $0x4  }
0x1b0: {  	v4 =	vshll.u32 v3, $0x3  }
0x1b1: {  	v3 =	vand.u32 $0x7, v3;
	v4 =	vand.u32 $0xFFFFFFC0, v4  }
0x1b2: {  	v3 =	vor.u32 v3, v4  }
0x1b3: {  	v4 =	vperm.xlane v3, v0;
	_ =	sdelay $0x1  }
0x1b4: {  	v4 =	vadd.s32 v1, v4;
	_ =	sdelay $0x3  }
0x1b5: {  	s15 =	simm.s32 $0x0  }
0x1b6: {  	[tilespmem:s20], [sflag:$0x1] =	stream.indirect_vreg.gather [hbm4b:s2+s15], $0x80, v4, vm0, $0xb8;
	[tilespmem:$0x10400] =	vst v63  }
0x1b7: {  	s16 =	simm.s32 $0xC00;
	v3 =	vperm.xlane v3, v2  }
0x1b8: {  	[tilespmem:s16], [sflag:$0x1] =	stream.indirect_vreg.gather [hbm4b:s7+s15], $0x80, v4, vm0, $0xb8;
	[tilespmem:$0x10400] =	vst v63  }
0x1b9: {  	s24 =	simm.s32 $0x1400;
	v3 =	vadd.s32 v1, v3  }
0x1ba: {  	[tilespmem:s24], [sflag:$0x1] =	stream.indirect_vreg.gather [hbm4b:s8+s15], $0x80, v4, vm0, $0xb8;
	[tilespmem:$0x10400] =	vst v63  }
0x1bb: {  	s17 =	simm.s32 $0x1C00  }
0x1bc: {  	[tilespmem:s17], [sflag:$0x1] =	stream.indirect_vreg.gather [hbm4b:s10+s15], $0x80, v4, vm0, $0xb8;
	[tilespmem:$0x10400] =	vst v63  }
0x1bd: {  	s18 =	simm.s32 $0x2400  }
0x1be: {  	[tilespmem:s18], [sflag:$0x1] =	stream.indirect_vreg.gather [hbm4b:s2+s15], $0x80, v3, vm0, $0xb8;
	[tilespmem:$0x10400] =	vst v63  }
0x1bf: {  	s19 =	simm.s32 $0x2C00;
	s17 =	sadd.s32 s14, s5  }
0x1c0: {  	[tilespmem:s19], [sflag:$0x1] =	stream.indirect_vreg.gather [hbm4b:s7+s15], $0x80, v3, vm0, $0xb8;
	[tilespmem:$0x10400] =	vst v63  }
0x1c1: {  	s21 =	simm.s32 $0x3400;
	s14 =	sshll.u32 s17, $0x7  }
0x1c2: {  	[tilespmem:s21], [sflag:$0x1] =	stream.indirect_vreg.gather [hbm4b:s8+s15], $0x80, v3, vm0, $0xb8;
	[tilespmem:$0x10400] =	vst v63  }
0x1c3: {  	s24 =	simm.s32 $0x3C00;
	s14 =	sadd.s32 s3, s14  }
0x1c4: {  	[tilespmem:s24], [sflag:$0x1] =	stream.indirect_vreg.gather [hbm4b:s10+s15], $0x80, v3, vm0, $0xb8;
	[tilespmem:$0x10400] =	vst v63  }
0x1c5: {  	s18 =	sadd.s32 $0x800, s14  }
0x1c6: {  	[hbm4b:s18+s15] =	stream.linear.scatter [tilespmem:s29], [sflag:$0x2], $0x4000, $0x38;
	[tilespmem:$0x10400] =	vst v63  }
0x1c7: {  	s17 =	simm.s32 $0x0;
	s19 =	simm.s32 $0x0;
	s15 =	sand.u32 $0x7000, s15  }
0x1c8: {  	s16 =	sand.u32 $0x2000, s19;
	_ =	swait.ge [sflag:s22], $0x4000;
	s15 =	sshrl.u32 s15, $0x2  }
0x1c9: {  	s17 =	sand.u32 $0x380, s17;
	[sflag:s22] =	ssyncset.done $0x0;
	s15 =	sor.u32 s15, s16  }
0x1ca: {  	[sflag:s22] =	ssyncadd.s32 $0xFFFFC000;
	s15 =	sor.u32 s17, s15  }
0x1cb: {  	v3 =	vld [tilespmem:s15+$0x8400];
	_ =	sdelay $0x1  }
0x1cc: {  	v4 =	vld [tilespmem:s15+$0x8410]  }
0x1cd: {  	s21 =	simm.s32 $0x1000;
	v6 =	vld [tilespmem:s15+$0x8420]  }
0x1ce: {  	s24 =	simm.s32 $0x80;
	s16 =	sand.u32 $0x7000, s21;
	v7 =	vld [tilespmem:s15+$0x8430]  }
0x1cf: {  	s18 =	simm.s32 $0x10;
	s17 =	sand.u32 $0x2000, s24;
	s16 =	sshrl.u32 s16, $0x2;
	v8 =	vld [tilespmem:s15+$0x8440];
	v3 =	vmul.f32 $3.200000000e+01, v3  }
0x1d0: {  	s18 =	sand.u32 $0x380, s18;
	s16 =	sor.u32 s16, s17;
	v9 =	vld [tilespmem:s15+$0x8450]  }
0x1d1: {  	v10 =	vld [tilespmem:s15+$0x8460];
	s16 =	sor.u32 s18, s16;
	v4 =	vmul.f32 $3.200000000e+01, v4;
	[tilespmem:s15+$0x8400] =	vst v3  }
0x1d2: {  	v5 =	vld [tilespmem:s16+$0x8400]  }
0x1d3: {  	v3 =	vmul.f32 $3.200000000e+01, v6;
	[tilespmem:s15+$0x8410] =	vst v4;
	v4 =	vmul.f32 $3.200000000e+01, v7;
	v7 =	vld [tilespmem:s15+$0x8470];
	_ =	sdelay $0x1  }
0x1d4: {  	v8 =	vmul.f32 $3.200000000e+01, v8;
	v6 =	vld [tilespmem:s16+$0x8410];
	[tilespmem:s15+$0x8420] =	vst v3  }
0x1d5: {  	v9 =	vmul.f32 $3.200000000e+01, v9;
	v3 =	vld [tilespmem:s16+$0x8420];
	[tilespmem:s15+$0x8430] =	vst v4  }
0x1d6: {  	s17 =	simm.s32 $0x2000;
	s18 =	simm.s32 $0x2;
	v4 =	vld [tilespmem:s16+$0x8430];
	[tilespmem:s15+$0x8440] =	vst v8;
	v8 =	vmul.f32 $3.200000000e+01, v10  }
.LBB2_15:
0x1d7: {  	s19 =	sand.u32 $0x7000, s17;
	s21 =	sshll.u32 s18, $0x7;
	p0 =	sne.s32 s18, $0x7F;
	v10 =	vld [tilespmem:s16+$0x8440];
	[tilespmem:s15+$0x8450] =	vst v9;
	v7 =	vmul.f32 $3.200000000e+01, v7  }
0x1d8: {  	s24 =	sshll.u32 s18, $0x4;
	s21 =	sand.u32 $0x2000, s21;
	s19 =	sshrl.u32 s19, $0x2;
	v5 =	vmul.f32 $3.200000000e+01, v5;
	v9 =	vld [tilespmem:s16+$0x8450];
	[tilespmem:s15+$0x8460] =	vst v8  }
0x1d9: {  	s24 =	sand.u32 $0x380, s24;
	s19 =	sor.u32 s19, s21;
	v6 =	vmul.f32 $3.200000000e+01, v6;
	v8 =	vld [tilespmem:s16+$0x8460];
	[tilespmem:s15+$0x8470] =	vst v7;
	s15 =	smov.u32 s16  }
.Ltmp6:
0x1da: {  	s16 =	sor.u32 s24, s19;
	[tilespmem:s15+$0x8400] =	vst v5;
	v3 =	vmul.f32 $3.200000000e+01, v3;
	v7 =	vld [tilespmem:s15+$0x8470];
	(pc) =	sbr.rel @p0 .LBB2_15-.Ltmp6, $4  }
0x1db: {  	v5 =	vld [tilespmem:s16+$0x8400];
	[tilespmem:s15+$0x8410] =	vst v6;
	v4 =	vmul.f32 $3.200000000e+01, v4  }
0x1dc: {  	v6 =	vld [tilespmem:s16+$0x8410];
	[tilespmem:s15+$0x8420] =	vst v3;
	v10 =	vmul.f32 $3.200000000e+01, v10  }
0x1dd: {  	v3 =	vld [tilespmem:s16+$0x8420];
	[tilespmem:s15+$0x8430] =	vst v4;
	v9 =	vmul.f32 $3.200000000e+01, v9  }
0x1de: {  	s17 =	sadd.s32 $0x1000, s17;
	s18 =	sadd.s32 $0x1, s18;
	v4 =	vld [tilespmem:s16+$0x8430];
	[tilespmem:s15+$0x8440] =	vst v10;
	v8 =	vmul.f32 $3.200000000e+01, v8  }
0x1df: {  	v10 =	vld [tilespmem:s16+$0x8440];
	[tilespmem:s15+$0x8450] =	vst v9;
	v7 =	vmul.f32 $3.200000000e+01, v7  }
0x1e0: {  	v9 =	vld [tilespmem:s16+$0x8450];
	[tilespmem:s15+$0x8460] =	vst v8;
	v5 =	vmul.f32 $3.200000000e+01, v5  }
0x1e1: {  	v8 =	vld [tilespmem:s16+$0x8460];
	v6 =	vmul.f32 $3.200000000e+01, v6;
	[tilespmem:s15+$0x8470] =	vst v7  }
0x1e2: {  	[tilespmem:s16+$0x8400] =	vst v5;
	v3 =	vmul.f32 $3.200000000e+01, v3;
	v5 =	vld [tilespmem:s16+$0x8470]  }
0x1e3: {  	[tilespmem:s16+$0x8410] =	vst v6;
	v4 =	vmul.f32 $3.200000000e+01, v4  }
0x1e4: {  	[tilespmem:s16+$0x8420] =	vst v3;
	v3 =	vmul.f32 $3.200000000e+01, v10  }
0x1e5: {  	[tilespmem:s16+$0x8430] =	vst v4;
	v4 =	vmul.f32 $3.200000000e+01, v9  }
0x1e6: {  	[tilespmem:s16+$0x8440] =	vst v3;
	v3 =	vmul.f32 $3.200000000e+01, v8  }
0x1e7: {  	[tilespmem:s16+$0x8450] =	vst v4;
	v4 =	vmul.f32 $3.200000000e+01, v5  }
0x1e8: {  	[tilespmem:s16+$0x8460] =	vst v3  }
0x1e9: {  	[tilespmem:s16+$0x8470] =	vst v4  }
0x1ea: {  	_ =	swait.ge [sflag:s0], $0x4000  }
0x1eb: {  	[sflag:s0] =	ssyncset.done $0x0  }
0x1ec: {  	[sflag:s0] =	ssyncadd.s32 $0xFFFFC000  }
0x1ed: {  	v3 =	vld [tilespmem:s12+$0x50];
	_ =	sdelay $0x4  }
0x1ee: {  	v4 =	vshll.u32 v3, $0x3  }
0x1ef: {  	v3 =	vand.u32 $0x7, v3;
	v4 =	vand.u32 $0xFFFFFFC0, v4  }
0x1f0: {  	v3 =	vor.u32 v3, v4  }
0x1f1: {  	v4 =	vperm.xlane v3, v0;
	_ =	sdelay $0x1  }
0x1f2: {  	v4 =	vadd.s32 v1, v4;
	_ =	sdelay $0x3  }
0x1f3: {  	s15 =	simm.s32 $0x0  }
0x1f4: {  	[tilespmem:s29], [sflag:$0x1] =	stream.indirect_vreg.gather [hbm4b:s2+s15], $0x80, v4, vm0, $0xb8;
	[tilespmem:$0x10400] =	vst v63  }
0x1f5: {  	s21 =	simm.s32 $0x4C00;
	v3 =	vperm.xlane v3, v2  }
0x1f6: {  	[tilespmem:s21], [sflag:$0x1] =	stream.indirect_vreg.gather [hbm4b:s7+s15], $0x80, v4, vm0, $0xb8;
	[tilespmem:$0x10400] =	vst v63  }
0x1f7: {  	s24 =	simm.s32 $0x5400;
	v3 =	vadd.s32 v1, v3  }
0x1f8: {  	[tilespmem:s24], [sflag:$0x1] =	stream.indirect_vreg.gather [hbm4b:s8+s15], $0x80, v4, vm0, $0xb8;
	[tilespmem:$0x10400] =	vst v63  }
0x1f9: {  	s17 =	simm.s32 $0x5C00  }
0x1fa: {  	[tilespmem:s17], [sflag:$0x1] =	stream.indirect_vreg.gather [hbm4b:s10+s15], $0x80, v4, vm0, $0xb8;
	[tilespmem:$0x10400] =	vst v63  }
0x1fb: {  	s18 =	simm.s32 $0x6400  }
0x1fc: {  	[tilespmem:s18], [sflag:$0x1] =	stream.indirect_vreg.gather [hbm4b:s2+s15], $0x80, v3, vm0, $0xb8;
	[tilespmem:$0x10400] =	vst v63  }
0x1fd: {  	s19 =	simm.s32 $0x6C00  }
0x1fe: {  	[tilespmem:s19], [sflag:$0x1] =	stream.indirect_vreg.gather [hbm4b:s7+s15], $0x80, v3, vm0, $0xb8;
	[tilespmem:$0x10400] =	vst v63  }
0x1ff: {  	s21 =	simm.s32 $0x7400  }
0x200: {  	[tilespmem:s21], [sflag:$0x1] =	stream.indirect_vreg.gather [hbm4b:s8+s15], $0x80, v3, vm0, $0xb8;
	[tilespmem:$0x10400] =	vst v63  }
0x201: {  	s14 =	sadd.s32 $0x1000, s14;
	s24 =	simm.s32 $0x7C00  }
0x202: {  	[tilespmem:s24], [sflag:$0x1] =	stream.indirect_vreg.gather [hbm4b:s10+s15], $0x80, v3, vm0, $0xb8;
	[tilespmem:$0x10400] =	vst v63  }
0x203: {  	s17 =	sand.u32 $0x7000, s15;
	s18 =	simm.s32 $0x0;
	s19 =	simm.s32 $0x0  }
0x204: {  	[hbm4b:s14+s15] =	stream.linear.scatter [tilespmem:s13], [sflag:$0x2], $0x4000, $0x38;
	[tilespmem:$0x10400] =	vst v63  }
0x205: {  	s15 =	sand.u32 $0x2000, s18;
	s14 =	sshrl.u32 s17, $0x2;
	_ =	swait.ge [sflag:s22], $0x4000  }
0x206: {  	s16 =	sand.u32 $0x380, s19;
	s14 =	sor.u32 s14, s15;
	[sflag:s22] =	ssyncset.done $0x0  }
0x207: {  	s14 =	sor.u32 s16, s14;
	[sflag:s22] =	ssyncadd.s32 $0xFFFFC000  }
0x208: {  	v3 =	vld [tilespmem:s14+$0xC400];
	_ =	sdelay $0x1  }
0x209: {  	v4 =	vld [tilespmem:s14+$0xC410]  }
0x20a: {  	s21 =	simm.s32 $0x1000;
	v6 =	vld [tilespmem:s14+$0xC420]  }
0x20b: {  	s24 =	simm.s32 $0x80;
	s15 =	sand.u32 $0x7000, s21;
	v7 =	vld [tilespmem:s14+$0xC430]  }
0x20c: {  	s17 =	simm.s32 $0x10;
	s16 =	sand.u32 $0x2000, s24;
	s15 =	sshrl.u32 s15, $0x2;
	v8 =	vld [tilespmem:s14+$0xC440];
	v3 =	vmul.f32 $3.200000000e+01, v3  }
0x20d: {  	s17 =	sand.u32 $0x380, s17;
	s15 =	sor.u32 s15, s16;
	v9 =	vld [tilespmem:s14+$0xC450]  }
0x20e: {  	s15 =	sor.u32 s17, s15;
	v10 =	vld [tilespmem:s14+$0xC460];
	v4 =	vmul.f32 $3.200000000e+01, v4;
	[tilespmem:s14+$0xC400] =	vst v3  }
0x20f: {  	v5 =	vld [tilespmem:s15+$0xC400]  }
0x210: {  	v3 =	vmul.f32 $3.200000000e+01, v6;
	[tilespmem:s14+$0xC410] =	vst v4;
	v4 =	vmul.f32 $3.200000000e+01, v7;
	v7 =	vld [tilespmem:s14+$0xC470];
	_ =	sdelay $0x1  }
0x211: {  	v8 =	vmul.f32 $3.200000000e+01, v8;
	v6 =	vld [tilespmem:s15+$0xC410];
	[tilespmem:s14+$0xC420] =	vst v3  }
0x212: {  	v9 =	vmul.f32 $3.200000000e+01, v9;
	v3 =	vld [tilespmem:s15+$0xC420];
	[tilespmem:s14+$0xC430] =	vst v4  }
0x213: {  	s16 =	simm.s32 $0x2000;
	s17 =	simm.s32 $0x2;
	v4 =	vld [tilespmem:s15+$0xC430];
	[tilespmem:s14+$0xC440] =	vst v8;
	v8 =	vmul.f32 $3.200000000e+01, v10  }
.LBB2_17:
0x214: {  	s18 =	sand.u32 $0x7000, s16;
	s19 =	sshll.u32 s17, $0x7;
	p0 =	sne.s32 s17, $0x7F;
	v10 =	vld [tilespmem:s15+$0xC440];
	[tilespmem:s14+$0xC450] =	vst v9;
	v7 =	vmul.f32 $3.200000000e+01, v7  }
0x215: {  	s21 =	sshll.u32 s17, $0x4;
	s19 =	sand.u32 $0x2000, s19;
	s18 =	sshrl.u32 s18, $0x2;
	v5 =	vmul.f32 $3.200000000e+01, v5;
	v9 =	vld [tilespmem:s15+$0xC450];
	[tilespmem:s14+$0xC460] =	vst v8  }
0x216: {  	s21 =	sand.u32 $0x380, s21;
	s18 =	sor.u32 s18, s19;
	v6 =	vmul.f32 $3.200000000e+01, v6;
	v8 =	vld [tilespmem:s15+$0xC460];
	[tilespmem:s14+$0xC470] =	vst v7;
	s14 =	smov.u32 s15  }
.Ltmp7:
0x217: {  	s15 =	sor.u32 s21, s18;
	[tilespmem:s14+$0xC400] =	vst v5;
	v3 =	vmul.f32 $3.200000000e+01, v3;
	v7 =	vld [tilespmem:s14+$0xC470];
	(pc) =	sbr.rel @p0 .LBB2_17-.Ltmp7, $4  }
0x218: {  	v5 =	vld [tilespmem:s15+$0xC400];
	[tilespmem:s14+$0xC410] =	vst v6;
	v4 =	vmul.f32 $3.200000000e+01, v4  }
0x219: {  	v6 =	vld [tilespmem:s15+$0xC410];
	[tilespmem:s14+$0xC420] =	vst v3;
	v10 =	vmul.f32 $3.200000000e+01, v10  }
0x21a: {  	v3 =	vld [tilespmem:s15+$0xC420];
	[tilespmem:s14+$0xC430] =	vst v4;
	v9 =	vmul.f32 $3.200000000e+01, v9  }
0x21b: {  	s16 =	sadd.s32 $0x1000, s16;
	s17 =	sadd.s32 $0x1, s17;
	v4 =	vld [tilespmem:s15+$0xC430];
	[tilespmem:s14+$0xC440] =	vst v10;
	v8 =	vmul.f32 $3.200000000e+01, v8  }
0x21c: {  	v10 =	vld [tilespmem:s15+$0xC440];
	[tilespmem:s14+$0xC450] =	vst v9;
	v7 =	vmul.f32 $3.200000000e+01, v7  }
0x21d: {  	v9 =	vld [tilespmem:s15+$0xC450];
	[tilespmem:s14+$0xC460] =	vst v8;
	v5 =	vmul.f32 $3.200000000e+01, v5  }
0x21e: {  	v8 =	vld [tilespmem:s15+$0xC460];
	v6 =	vmul.f32 $3.200000000e+01, v6;
	[tilespmem:s14+$0xC470] =	vst v7  }
0x21f: {  	[tilespmem:s15+$0xC400] =	vst v5;
	v3 =	vmul.f32 $3.200000000e+01, v3;
	v60 =	vld [tilespmem:s15+$0xC470]  }
0x220: {  	[tilespmem:s15+$0xC410] =	vst v6;
	v4 =	vmul.f32 $3.200000000e+01, v4  }
0x221: {  	[tilespmem:s15+$0xC420] =	vst v3;
	v3 =	vmul.f32 $3.200000000e+01, v10  }
0x222: {  	[tilespmem:s15+$0xC430] =	vst v4;
	v61 =	vmul.f32 $3.200000000e+01, v9  }
0x223: {  	[tilespmem:s15+$0xC440] =	vst v3;
	v3 =	vmul.f32 $3.200000000e+01, v8  }
0x224: {  	[tilespmem:s15+$0xC450] =	vst v61;
	v62 =	vmul.f32 $3.200000000e+01, v60  }
0x225: {  	[tilespmem:s15+$0xC460] =	vst v3  }
0x226: {  	[tilespmem:s15+$0xC470] =	vst v62  }
0x227: {  	_ =	swait.ge [sflag:s0], $0x4000  }
0x228: {  	[sflag:s0] =	ssyncset.done $0x0  }
0x229: {  	[sflag:s0] =	ssyncadd.s32 $0xFFFFC000  }
0x22a: {  	v3 =	vld [tilespmem:s12+$0x60];
	_ =	sdelay $0x4  }
0x22b: {  	v63 =	vshll.u32 v3, $0x3  }
0x22c: {  	v3 =	vand.u32 $0x7, v3;
	v4 =	vand.u32 $0xFFFFFFC0, v63  }
0x22d: {  	v3 =	vor.u32 v3, v4  }
0x22e: {  	v4 =	vperm.xlane v3, v0;
	_ =	sdelay $0x1  }
0x22f: {  	v4 =	vadd.s32 v1, v4;
	_ =	sdelay $0x4  }
0x230: {  	[tilespmem:s13], [sflag:$0x1] =	stream.indirect_vreg.gather [hbm4b:s2+s4], $0x80, v4, vm0, $0xb8;
	[tilespmem:$0x10400] =	vst v63  }
0x231: {  	s15 =	simm.s32 $0x8C00;
	v3 =	vperm.xlane v3, v2  }
0x232: {  	[tilespmem:s15], [sflag:$0x1] =	stream.indirect_vreg.gather [hbm4b:s7+s4], $0x80, v4, vm0, $0xb8;
	[tilespmem:$0x10400] =	vst v63  }
0x233: {  	s16 =	simm.s32 $0x9400;
	v3 =	vadd.s32 v1, v3  }
0x234: {  	[tilespmem:s16], [sflag:$0x1] =	stream.indirect_vreg.gather [hbm4b:s8+s4], $0x80, v4, vm0, $0xb8;
	[tilespmem:$0x10400] =	vst v63  }
0x235: {  	s17 =	simm.s32 $0x9C00  }
0x236: {  	[tilespmem:s17], [sflag:$0x1] =	stream.indirect_vreg.gather [hbm4b:s10+s4], $0x80, v4, vm0, $0xb8;
	[tilespmem:$0x10400] =	vst v63  }
0x237: {  	s18 =	simm.s32 $0xA400  }
0x238: {  	[tilespmem:s18], [sflag:$0x1] =	stream.indirect_vreg.gather [hbm4b:s2+s4], $0x80, v3, vm0, $0xb8;
	[tilespmem:$0x10400] =	vst v63  }
0x239: {  	s19 =	simm.s32 $0xAC00;
	s6 =	sadd.s32 $0x1, s6  }
0x23a: {  	[tilespmem:s19], [sflag:$0x1] =	stream.indirect_vreg.gather [hbm4b:s7+s4], $0x80, v3, vm0, $0xb8;
	[tilespmem:$0x10400] =	vst v63  }
0x23b: {  	s21 =	simm.s32 $0xB400;
	p0 =	sne.s32 s6, $0xF  }
0x23c: {  	[tilespmem:s21], [sflag:$0x1] =	stream.indirect_vreg.gather [hbm4b:s8+s4], $0x80, v3, vm0, $0xb8;
	[tilespmem:$0x10400] =	vst v63  }
.Ltmp8:
0x23d: {  	s11 =	sadd.s32 s5, s11;
	(pc) =	sbr.rel @p0 .LBB2_10-.Ltmp8, $4  }
0x23e: {  	s24 =	simm.s32 $0xBC00;
	s11 =	sshll.u32 s11, $0x7  }
0x23f: {  	[tilespmem:s24], [sflag:$0x1] =	stream.indirect_vreg.gather [hbm4b:s10+s4], $0x80, v3, vm0, $0xb8;
	[tilespmem:$0x10400] =	vst v63  }
0x240: {  	s11 =	sadd.s32 s3, s11  }
0x241: {  	[hbm4b:s11+s4] =	stream.linear.scatter [tilespmem:s23], [sflag:$0x2], $0x4000, $0x38;
	[tilespmem:$0x10400] =	vst v63  }
0x242: {  	s6 =	simm.s32 $0x0  }
0x243: {  	_ =	swait.ge [sflag:s22], $0x4000;
	s11 =	simm.s32 $0x0;
	s6 =	sand.u32 $0x7000, s6  }
0x244: {  	s12 =	simm.s32 $0x0;
	s11 =	sand.u32 $0x2000, s11;
	s6 =	sshrl.u32 s6, $0x2  }
0x245: {  	[sflag:s22] =	ssyncset.done $0x0;
	s12 =	sand.u32 $0x380, s12;
	s6 =	sor.u32 s6, s11  }
0x246: {  	[sflag:s22] =	ssyncadd.s32 $0xFFFFC000;
	s6 =	sor.u32 s12, s6  }
0x247: {  	v3 =	vld [tilespmem:s6+$0x400];
	_ =	sdelay $0x1  }
0x248: {  	v4 =	vld [tilespmem:s6+$0x410]  }
0x249: {  	s21 =	simm.s32 $0x1000;
	v6 =	vld [tilespmem:s6+$0x420]  }
0x24a: {  	s24 =	simm.s32 $0x80;
	s11 =	sand.u32 $0x7000, s21;
	v7 =	vld [tilespmem:s6+$0x430]  }
0x24b: {  	s14 =	simm.s32 $0x10;
	s12 =	sand.u32 $0x2000, s24;
	s11 =	sshrl.u32 s11, $0x2;
	v8 =	vld [tilespmem:s6+$0x440];
	v3 =	vmul.f32 $3.200000000e+01, v3  }
0x24c: {  	s14 =	sand.u32 $0x380, s14;
	s11 =	sor.u32 s11, s12;
	v9 =	vld [tilespmem:s6+$0x450]  }
0x24d: {  	v10 =	vld [tilespmem:s6+$0x460];
	s11 =	sor.u32 s14, s11;
	v4 =	vmul.f32 $3.200000000e+01, v4;
	[tilespmem:s6+$0x400] =	vst v3  }
0x24e: {  	v5 =	vld [tilespmem:s11+$0x400]  }
0x24f: {  	v3 =	vmul.f32 $3.200000000e+01, v6;
	[tilespmem:s6+$0x410] =	vst v4;
	v4 =	vmul.f32 $3.200000000e+01, v7;
	v7 =	vld [tilespmem:s6+$0x470];
	_ =	sdelay $0x1  }
0x250: {  	v8 =	vmul.f32 $3.200000000e+01, v8;
	v6 =	vld [tilespmem:s11+$0x410];
	[tilespmem:s6+$0x420] =	vst v3  }
0x251: {  	v9 =	vmul.f32 $3.200000000e+01, v9;
	v3 =	vld [tilespmem:s11+$0x420];
	[tilespmem:s6+$0x430] =	vst v4  }
0x252: {  	s12 =	simm.s32 $0x2000;
	s14 =	simm.s32 $0x2;
	v4 =	vld [tilespmem:s11+$0x430];
	[tilespmem:s6+$0x440] =	vst v8;
	v8 =	vmul.f32 $3.200000000e+01, v10  }
.LBB2_20:
0x253: {  	s15 =	sand.u32 $0x7000, s12;
	s16 =	sshll.u32 s14, $0x7;
	p0 =	sne.s32 s14, $0x7F;
	v10 =	vld [tilespmem:s11+$0x440];
	[tilespmem:s6+$0x450] =	vst v9;
	v7 =	vmul.f32 $3.200000000e+01, v7  }
0x254: {  	s17 =	sshll.u32 s14, $0x4;
	s16 =	sand.u32 $0x2000, s16;
	s15 =	sshrl.u32 s15, $0x2;
	v5 =	vmul.f32 $3.200000000e+01, v5;
	v9 =	vld [tilespmem:s11+$0x450];
	[tilespmem:s6+$0x460] =	vst v8  }
0x255: {  	s17 =	sand.u32 $0x380, s17;
	s15 =	sor.u32 s15, s16;
	v6 =	vmul.f32 $3.200000000e+01, v6;
	v8 =	vld [tilespmem:s11+$0x460];
	[tilespmem:s6+$0x470] =	vst v7;
	s6 =	smov.u32 s11  }
.Ltmp9:
0x256: {  	s11 =	sor.u32 s17, s15;
	[tilespmem:s6+$0x400] =	vst v5;
	v3 =	vmul.f32 $3.200000000e+01, v3;
	v7 =	vld [tilespmem:s6+$0x470];
	(pc) =	sbr.rel @p0 .LBB2_20-.Ltmp9, $4  }
0x257: {  	v5 =	vld [tilespmem:s11+$0x400];
	[tilespmem:s6+$0x410] =	vst v6;
	v4 =	vmul.f32 $3.200000000e+01, v4  }
0x258: {  	v6 =	vld [tilespmem:s11+$0x410];
	[tilespmem:s6+$0x420] =	vst v3;
	v10 =	vmul.f32 $3.200000000e+01, v10  }
0x259: {  	v3 =	vld [tilespmem:s11+$0x420];
	[tilespmem:s6+$0x430] =	vst v4;
	v9 =	vmul.f32 $3.200000000e+01, v9  }
0x25a: {  	s12 =	sadd.s32 $0x1000, s12;
	s14 =	sadd.s32 $0x1, s14;
	v4 =	vld [tilespmem:s11+$0x430];
	[tilespmem:s6+$0x440] =	vst v10;
	v8 =	vmul.f32 $3.200000000e+01, v8  }
0x25b: {  	v10 =	vld [tilespmem:s11+$0x440];
	[tilespmem:s6+$0x450] =	vst v9;
	v7 =	vmul.f32 $3.200000000e+01, v7  }
0x25c: {  	v9 =	vld [tilespmem:s11+$0x450];
	[tilespmem:s6+$0x460] =	vst v8;
	v5 =	vmul.f32 $3.200000000e+01, v5  }
0x25d: {  	v8 =	vld [tilespmem:s11+$0x460];
	v6 =	vmul.f32 $3.200000000e+01, v6;
	[tilespmem:s6+$0x470] =	vst v7  }
0x25e: {  	[tilespmem:s11+$0x400] =	vst v5;
	v3 =	vmul.f32 $3.200000000e+01, v3;
	v5 =	vld [tilespmem:s11+$0x470]  }
0x25f: {  	[tilespmem:s11+$0x410] =	vst v6;
	v4 =	vmul.f32 $3.200000000e+01, v4  }
0x260: {  	[tilespmem:s11+$0x420] =	vst v3;
	v3 =	vmul.f32 $3.200000000e+01, v10  }
0x261: {  	[tilespmem:s11+$0x430] =	vst v4;
	v4 =	vmul.f32 $3.200000000e+01, v9  }
0x262: {  	[tilespmem:s11+$0x440] =	vst v3;
	v3 =	vmul.f32 $3.200000000e+01, v8  }
0x263: {  	[tilespmem:s11+$0x450] =	vst v4;
	v4 =	vmul.f32 $3.200000000e+01, v5  }
0x264: {  	[tilespmem:s11+$0x460] =	vst v3  }
0x265: {  	[tilespmem:s11+$0x470] =	vst v4  }
0x266: {  	_ =	swait.ge [sflag:s0], $0x4000  }
0x267: {  	[sflag:s0] =	ssyncset.done $0x0  }
0x268: {  	[sflag:s0] =	ssyncadd.s32 $0xFFFFC000  }
0x269: {  	v3 =	vld [tilespmem:$0x3F0];
	_ =	sdelay $0x4  }
0x26a: {  	v4 =	vshll.u32 v3, $0x3  }
0x26b: {  	v3 =	vand.u32 $0x7, v3;
	v4 =	vand.u32 $0xFFFFFFC0, v4  }
0x26c: {  	v3 =	vor.u32 v3, v4  }
0x26d: {  	v4 =	vperm.xlane v3, v0;
	_ =	sdelay $0x1  }
0x26e: {  	v4 =	vadd.s32 v1, v4;
	_ =	sdelay $0x3  }
0x26f: {  	s16 =	simm.s32 $0x0  }
0x270: {  	[tilespmem:s23], [sflag:$0x1] =	stream.indirect_vreg.gather [hbm4b:s2+s16], $0x80, v4, vm0, $0xb8;
	[tilespmem:$0x10400] =	vst v63  }
0x271: {  	s17 =	simm.s32 $0xCC00;
	v3 =	vperm.xlane v3, v2  }
0x272: {  	[tilespmem:s17], [sflag:$0x1] =	stream.indirect_vreg.gather [hbm4b:s7+s16], $0x80, v4, vm0, $0xb8;
	[tilespmem:$0x10400] =	vst v63  }
0x273: {  	v3 =	vadd.s32 v1, v3  }
0x274: {  	[tilespmem:s25], [sflag:$0x1] =	stream.indirect_vreg.gather [hbm4b:s8+s16], $0x80, v4, vm0, $0xb8;
	[tilespmem:$0x10400] =	vst v63  }
0x275: {  	_ = 	snop  }
0x276: {  	[tilespmem:s26], [sflag:$0x1] =	stream.indirect_vreg.gather [hbm4b:s10+s16], $0x80, v4, vm0, $0xb8;
	[tilespmem:$0x10400] =	vst v63  }
0x277: {  	_ = 	snop  }
0x278: {  	[tilespmem:s28], [sflag:$0x1] =	stream.indirect_vreg.gather [hbm4b:s2+s16], $0x80, v3, vm0, $0xb8;
	[tilespmem:$0x10400] =	vst v63  }
0x279: {  	_ = 	snop  }
0x27a: {  	[tilespmem:s30], [sflag:$0x1] =	stream.indirect_vreg.gather [hbm4b:s7+s16], $0x80, v3, vm0, $0xb8;
	[tilespmem:$0x10400] =	vst v63  }
0x27b: {  	_ = 	snop  }
0x27c: {  	[tilespmem:s31], [sflag:$0x1] =	stream.indirect_vreg.gather [hbm4b:s8+s16], $0x80, v3, vm0, $0xb8;
	[tilespmem:$0x10400] =	vst v63  }
0x27d: {  	s19 =	simm.s32 $0x0  }
0x27e: {  	[tilespmem:s1], [sflag:$0x1] =	stream.indirect_vreg.gather [hbm4b:s10+s16], $0x80, v3, vm0, $0xb8;
	[tilespmem:$0x10400] =	vst v63  }
0x27f: {  	s12 =	simm.s32 $0x0;
	s6 =	sand.u32 $0x7000, s16;
	s18 =	rddreg [dreg:$0x8]  }
0x280: {  	[hbm4b:s18+s16] =	stream.linear.scatter [tilespmem:s20], [sflag:$0x2], $0x4000, $0x38;
	[tilespmem:$0x10400] =	vst v63  }
0x281: {  	s6 =	sshrl.u32 s6, $0x2;
	s11 =	sand.u32 $0x2000, s19;
	_ =	swait.ge [sflag:s22], $0x4000  }
0x282: {  	s12 =	sand.u32 $0x380, s12;
	s6 =	sor.u32 s6, s11;
	[sflag:s22] =	ssyncset.done $0x0  }
0x283: {  	s6 =	sor.u32 s12, s6;
	[sflag:s22] =	ssyncadd.s32 $0xFFFFC000  }
0x284: {  	v3 =	vld [tilespmem:s6+$0x4400];
	_ =	sdelay $0x1  }
0x285: {  	v4 =	vld [tilespmem:s6+$0x4410]  }
0x286: {  	s21 =	simm.s32 $0x1000;
	v6 =	vld [tilespmem:s6+$0x4420]  }
0x287: {  	s24 =	simm.s32 $0x80;
	s11 =	sand.u32 $0x7000, s21;
	v7 =	vld [tilespmem:s6+$0x4430]  }
0x288: {  	s14 =	simm.s32 $0x10;
	s12 =	sand.u32 $0x2000, s24;
	s11 =	sshrl.u32 s11, $0x2;
	v8 =	vld [tilespmem:s6+$0x4440];
	v3 =	vmul.f32 $3.200000000e+01, v3  }
0x289: {  	s14 =	sand.u32 $0x380, s14;
	s11 =	sor.u32 s11, s12;
	v9 =	vld [tilespmem:s6+$0x4450]  }
0x28a: {  	s11 =	sor.u32 s14, s11;
	v10 =	vld [tilespmem:s6+$0x4460];
	v4 =	vmul.f32 $3.200000000e+01, v4;
	[tilespmem:s6+$0x4400] =	vst v3  }
0x28b: {  	v5 =	vld [tilespmem:s11+$0x4400]  }
0x28c: {  	v3 =	vmul.f32 $3.200000000e+01, v6;
	[tilespmem:s6+$0x4410] =	vst v4;
	v4 =	vmul.f32 $3.200000000e+01, v7;
	v7 =	vld [tilespmem:s6+$0x4470];
	_ =	sdelay $0x1  }
0x28d: {  	v8 =	vmul.f32 $3.200000000e+01, v8;
	v6 =	vld [tilespmem:s11+$0x4410];
	[tilespmem:s6+$0x4420] =	vst v3  }
0x28e: {  	v9 =	vmul.f32 $3.200000000e+01, v9;
	v3 =	vld [tilespmem:s11+$0x4420];
	[tilespmem:s6+$0x4430] =	vst v4  }
0x28f: {  	s12 =	simm.s32 $0x2000;
	s14 =	simm.s32 $0x2;
	v4 =	vld [tilespmem:s11+$0x4430];
	[tilespmem:s6+$0x4440] =	vst v8;
	v8 =	vmul.f32 $3.200000000e+01, v10  }
.LBB2_22:
0x290: {  	s15 =	sand.u32 $0x7000, s12;
	s16 =	sshll.u32 s14, $0x7;
	p0 =	sne.s32 s14, $0x7F;
	v10 =	vld [tilespmem:s11+$0x4440];
	[tilespmem:s6+$0x4450] =	vst v9;
	v7 =	vmul.f32 $3.200000000e+01, v7  }
0x291: {  	s17 =	sshll.u32 s14, $0x4;
	s16 =	sand.u32 $0x2000, s16;
	s15 =	sshrl.u32 s15, $0x2;
	v5 =	vmul.f32 $3.200000000e+01, v5;
	v9 =	vld [tilespmem:s11+$0x4450];
	[tilespmem:s6+$0x4460] =	vst v8  }
0x292: {  	s17 =	sand.u32 $0x380, s17;
	s15 =	sor.u32 s15, s16;
	v6 =	vmul.f32 $3.200000000e+01, v6;
	v8 =	vld [tilespmem:s11+$0x4460];
	[tilespmem:s6+$0x4470] =	vst v7;
	s6 =	smov.u32 s11  }
.Ltmp10:
0x293: {  	s11 =	sor.u32 s17, s15;
	[tilespmem:s6+$0x4400] =	vst v5;
	v3 =	vmul.f32 $3.200000000e+01, v3;
	v7 =	vld [tilespmem:s6+$0x4470];
	(pc) =	sbr.rel @p0 .LBB2_22-.Ltmp10, $4  }
0x294: {  	v5 =	vld [tilespmem:s11+$0x4400];
	[tilespmem:s6+$0x4410] =	vst v6;
	v4 =	vmul.f32 $3.200000000e+01, v4  }
0x295: {  	v6 =	vld [tilespmem:s11+$0x4410];
	[tilespmem:s6+$0x4420] =	vst v3;
	v10 =	vmul.f32 $3.200000000e+01, v10  }
0x296: {  	v3 =	vld [tilespmem:s11+$0x4420];
	[tilespmem:s6+$0x4430] =	vst v4;
	v9 =	vmul.f32 $3.200000000e+01, v9  }
0x297: {  	s12 =	sadd.s32 $0x1000, s12;
	s14 =	sadd.s32 $0x1, s14;
	v4 =	vld [tilespmem:s11+$0x4430];
	[tilespmem:s6+$0x4440] =	vst v10;
	v8 =	vmul.f32 $3.200000000e+01, v8  }
0x298: {  	v10 =	vld [tilespmem:s11+$0x4440];
	[tilespmem:s6+$0x4450] =	vst v9;
	v7 =	vmul.f32 $3.200000000e+01, v7  }
0x299: {  	v9 =	vld [tilespmem:s11+$0x4450];
	[tilespmem:s6+$0x4460] =	vst v8;
	v5 =	vmul.f32 $3.200000000e+01, v5  }
0x29a: {  	v8 =	vld [tilespmem:s11+$0x4460];
	v6 =	vmul.f32 $3.200000000e+01, v6;
	[tilespmem:s6+$0x4470] =	vst v7  }
0x29b: {  	[tilespmem:s11+$0x4400] =	vst v5;
	v3 =	vmul.f32 $3.200000000e+01, v3;
	v5 =	vld [tilespmem:s11+$0x4470]  }
0x29c: {  	[tilespmem:s11+$0x4410] =	vst v6;
	v4 =	vmul.f32 $3.200000000e+01, v4  }
0x29d: {  	[tilespmem:s11+$0x4420] =	vst v3;
	v3 =	vmul.f32 $3.200000000e+01, v10  }
0x29e: {  	[tilespmem:s11+$0x4430] =	vst v4;
	v4 =	vmul.f32 $3.200000000e+01, v9  }
0x29f: {  	[tilespmem:s11+$0x4440] =	vst v3;
	v3 =	vmul.f32 $3.200000000e+01, v8  }
0x2a0: {  	[tilespmem:s11+$0x4450] =	vst v4;
	v4 =	vmul.f32 $3.200000000e+01, v5  }
0x2a1: {  	s17 =	simm.s32 $0x0;
	s18 =	rddreg [dreg:$0x9];
	[tilespmem:s11+$0x4460] =	vst v3  }
0x2a2: {  	s19 =	simm.s32 $0x0;
	s12 =	simm.s32 $0x0;
	s6 =	sand.u32 $0x7000, s17;
	[tilespmem:s11+$0x4470] =	vst v4  }
0x2a3: {  	[hbm4b:s18+s17] =	stream.linear.scatter [tilespmem:s29], [sflag:$0x2], $0x4000, $0x38;
	[tilespmem:$0x10400] =	vst v63  }
0x2a4: {  	s6 =	sshrl.u32 s6, $0x2;
	s11 =	sand.u32 $0x2000, s19;
	_ =	swait.ge [sflag:s22], $0x4000  }
0x2a5: {  	s12 =	sand.u32 $0x380, s12;
	s6 =	sor.u32 s6, s11;
	[sflag:s22] =	ssyncset.done $0x0  }
0x2a6: {  	s6 =	sor.u32 s12, s6;
	[sflag:s22] =	ssyncadd.s32 $0xFFFFC000  }
0x2a7: {  	v3 =	vld [tilespmem:s6+$0x8400];
	_ =	sdelay $0x1  }
0x2a8: {  	v4 =	vld [tilespmem:s6+$0x8410]  }
0x2a9: {  	s21 =	simm.s32 $0x1000;
	v6 =	vld [tilespmem:s6+$0x8420]  }
0x2aa: {  	s24 =	simm.s32 $0x80;
	s11 =	sand.u32 $0x7000, s21;
	v7 =	vld [tilespmem:s6+$0x8430]  }
0x2ab: {  	s14 =	simm.s32 $0x10;
	s12 =	sand.u32 $0x2000, s24;
	s11 =	sshrl.u32 s11, $0x2;
	v8 =	vld [tilespmem:s6+$0x8440];
	v3 =	vmul.f32 $3.200000000e+01, v3  }
0x2ac: {  	s14 =	sand.u32 $0x380, s14;
	s11 =	sor.u32 s11, s12;
	v9 =	vld [tilespmem:s6+$0x8450]  }
0x2ad: {  	s11 =	sor.u32 s14, s11;
	v10 =	vld [tilespmem:s6+$0x8460];
	v4 =	vmul.f32 $3.200000000e+01, v4;
	[tilespmem:s6+$0x8400] =	vst v3  }
0x2ae: {  	v5 =	vld [tilespmem:s11+$0x8400]  }
0x2af: {  	v3 =	vmul.f32 $3.200000000e+01, v6;
	[tilespmem:s6+$0x8410] =	vst v4;
	v4 =	vmul.f32 $3.200000000e+01, v7;
	v7 =	vld [tilespmem:s6+$0x8470];
	_ =	sdelay $0x1  }
0x2b0: {  	v8 =	vmul.f32 $3.200000000e+01, v8;
	v6 =	vld [tilespmem:s11+$0x8410];
	[tilespmem:s6+$0x8420] =	vst v3  }
0x2b1: {  	v9 =	vmul.f32 $3.200000000e+01, v9;
	v3 =	vld [tilespmem:s11+$0x8420];
	[tilespmem:s6+$0x8430] =	vst v4  }
0x2b2: {  	s12 =	simm.s32 $0x2000;
	s14 =	simm.s32 $0x2;
	v4 =	vld [tilespmem:s11+$0x8430];
	[tilespmem:s6+$0x8440] =	vst v8;
	v8 =	vmul.f32 $3.200000000e+01, v10  }
.LBB2_24:
0x2b3: {  	s15 =	sand.u32 $0x7000, s12;
	s16 =	sshll.u32 s14, $0x7;
	p0 =	sne.s32 s14, $0x7F;
	v10 =	vld [tilespmem:s11+$0x8440];
	[tilespmem:s6+$0x8450] =	vst v9;
	v7 =	vmul.f32 $3.200000000e+01, v7  }
0x2b4: {  	s17 =	sshll.u32 s14, $0x4;
	s16 =	sand.u32 $0x2000, s16;
	s15 =	sshrl.u32 s15, $0x2;
	v5 =	vmul.f32 $3.200000000e+01, v5;
	v9 =	vld [tilespmem:s11+$0x8450];
	[tilespmem:s6+$0x8460] =	vst v8  }
0x2b5: {  	s17 =	sand.u32 $0x380, s17;
	s15 =	sor.u32 s15, s16;
	v6 =	vmul.f32 $3.200000000e+01, v6;
	v8 =	vld [tilespmem:s11+$0x8460];
	[tilespmem:s6+$0x8470] =	vst v7;
	s6 =	smov.u32 s11  }
.Ltmp11:
0x2b6: {  	s11 =	sor.u32 s17, s15;
	[tilespmem:s6+$0x8400] =	vst v5;
	v3 =	vmul.f32 $3.200000000e+01, v3;
	v7 =	vld [tilespmem:s6+$0x8470];
	(pc) =	sbr.rel @p0 .LBB2_24-.Ltmp11, $4  }
0x2b7: {  	v5 =	vld [tilespmem:s11+$0x8400];
	[tilespmem:s6+$0x8410] =	vst v6;
	v4 =	vmul.f32 $3.200000000e+01, v4  }
0x2b8: {  	v6 =	vld [tilespmem:s11+$0x8410];
	[tilespmem:s6+$0x8420] =	vst v3;
	v10 =	vmul.f32 $3.200000000e+01, v10  }
0x2b9: {  	v3 =	vld [tilespmem:s11+$0x8420];
	[tilespmem:s6+$0x8430] =	vst v4;
	v9 =	vmul.f32 $3.200000000e+01, v9  }
0x2ba: {  	s12 =	sadd.s32 $0x1000, s12;
	s14 =	sadd.s32 $0x1, s14;
	v4 =	vld [tilespmem:s11+$0x8430];
	[tilespmem:s6+$0x8440] =	vst v10;
	v8 =	vmul.f32 $3.200000000e+01, v8  }
0x2bb: {  	v10 =	vld [tilespmem:s11+$0x8440];
	[tilespmem:s6+$0x8450] =	vst v9;
	v7 =	vmul.f32 $3.200000000e+01, v7  }
0x2bc: {  	v9 =	vld [tilespmem:s11+$0x8450];
	[tilespmem:s6+$0x8460] =	vst v8;
	v5 =	vmul.f32 $3.200000000e+01, v5  }
0x2bd: {  	v8 =	vld [tilespmem:s11+$0x8460];
	v6 =	vmul.f32 $3.200000000e+01, v6;
	[tilespmem:s6+$0x8470] =	vst v7  }
0x2be: {  	[tilespmem:s11+$0x8400] =	vst v5;
	v3 =	vmul.f32 $3.200000000e+01, v3;
	v5 =	vld [tilespmem:s11+$0x8470]  }
0x2bf: {  	[tilespmem:s11+$0x8410] =	vst v6;
	v4 =	vmul.f32 $3.200000000e+01, v4  }
0x2c0: {  	[tilespmem:s11+$0x8420] =	vst v3;
	v3 =	vmul.f32 $3.200000000e+01, v10  }
0x2c1: {  	[tilespmem:s11+$0x8430] =	vst v4;
	v4 =	vmul.f32 $3.200000000e+01, v9  }
0x2c2: {  	[tilespmem:s11+$0x8440] =	vst v3;
	v3 =	vmul.f32 $3.200000000e+01, v8  }
0x2c3: {  	[tilespmem:s11+$0x8450] =	vst v4;
	v4 =	vmul.f32 $3.200000000e+01, v5  }
0x2c4: {  	s17 =	simm.s32 $0x0;
	s18 =	rddreg [dreg:$0xa];
	[tilespmem:s11+$0x8460] =	vst v3  }
0x2c5: {  	s19 =	simm.s32 $0x0;
	s12 =	simm.s32 $0x0;
	s6 =	sand.u32 $0x7000, s17;
	[tilespmem:s11+$0x8470] =	vst v4  }
0x2c6: {  	[hbm4b:s18+s17] =	stream.linear.scatter [tilespmem:s13], [sflag:$0x2], $0x4000, $0x38;
	[tilespmem:$0x10400] =	vst v63  }
0x2c7: {  	s6 =	sshrl.u32 s6, $0x2;
	s11 =	sand.u32 $0x2000, s19;
	_ =	swait.ge [sflag:s22], $0x4000  }
0x2c8: {  	s12 =	sand.u32 $0x380, s12;
	s6 =	sor.u32 s6, s11;
	[sflag:s22] =	ssyncset.done $0x0  }
0x2c9: {  	s6 =	sor.u32 s12, s6;
	[sflag:s22] =	ssyncadd.s32 $0xFFFFC000  }
0x2ca: {  	v3 =	vld [tilespmem:s6+$0xC400];
	_ =	sdelay $0x1  }
0x2cb: {  	v4 =	vld [tilespmem:s6+$0xC410]  }
0x2cc: {  	s21 =	simm.s32 $0x1000;
	v6 =	vld [tilespmem:s6+$0xC420]  }
0x2cd: {  	s24 =	simm.s32 $0x80;
	s11 =	sand.u32 $0x7000, s21;
	v7 =	vld [tilespmem:s6+$0xC430]  }
0x2ce: {  	s14 =	simm.s32 $0x10;
	s12 =	sand.u32 $0x2000, s24;
	s11 =	sshrl.u32 s11, $0x2;
	v8 =	vld [tilespmem:s6+$0xC440];
	v3 =	vmul.f32 $3.200000000e+01, v3  }
0x2cf: {  	s14 =	sand.u32 $0x380, s14;
	s11 =	sor.u32 s11, s12;
	v9 =	vld [tilespmem:s6+$0xC450]  }
0x2d0: {  	s11 =	sor.u32 s14, s11;
	v10 =	vld [tilespmem:s6+$0xC460];
	v4 =	vmul.f32 $3.200000000e+01, v4;
	[tilespmem:s6+$0xC400] =	vst v3  }
0x2d1: {  	v5 =	vld [tilespmem:s11+$0xC400]  }
0x2d2: {  	v3 =	vmul.f32 $3.200000000e+01, v6;
	[tilespmem:s6+$0xC410] =	vst v4;
	v4 =	vmul.f32 $3.200000000e+01, v7;
	v7 =	vld [tilespmem:s6+$0xC470];
	_ =	sdelay $0x1  }
0x2d3: {  	v8 =	vmul.f32 $3.200000000e+01, v8;
	v6 =	vld [tilespmem:s11+$0xC410];
	[tilespmem:s6+$0xC420] =	vst v3  }
0x2d4: {  	v9 =	vmul.f32 $3.200000000e+01, v9;
	v3 =	vld [tilespmem:s11+$0xC420];
	[tilespmem:s6+$0xC430] =	vst v4  }
0x2d5: {  	s12 =	simm.s32 $0x2000;
	s14 =	simm.s32 $0x2;
	v4 =	vld [tilespmem:s11+$0xC430];
	[tilespmem:s6+$0xC440] =	vst v8;
	v8 =	vmul.f32 $3.200000000e+01, v10  }
.LBB2_26:
0x2d6: {  	s15 =	sand.u32 $0x7000, s12;
	s16 =	sshll.u32 s14, $0x7;
	p0 =	sne.s32 s14, $0x7F;
	v10 =	vld [tilespmem:s11+$0xC440];
	[tilespmem:s6+$0xC450] =	vst v9;
	v7 =	vmul.f32 $3.200000000e+01, v7  }
0x2d7: {  	s17 =	sshll.u32 s14, $0x4;
	s16 =	sand.u32 $0x2000, s16;
	s15 =	sshrl.u32 s15, $0x2;
	v5 =	vmul.f32 $3.200000000e+01, v5;
	v9 =	vld [tilespmem:s11+$0xC450];
	[tilespmem:s6+$0xC460] =	vst v8  }
0x2d8: {  	s17 =	sand.u32 $0x380, s17;
	s15 =	sor.u32 s15, s16;
	v6 =	vmul.f32 $3.200000000e+01, v6;
	v8 =	vld [tilespmem:s11+$0xC460];
	[tilespmem:s6+$0xC470] =	vst v7;
	s6 =	smov.u32 s11  }
.Ltmp12:
0x2d9: {  	s11 =	sor.u32 s17, s15;
	[tilespmem:s6+$0xC400] =	vst v5;
	v3 =	vmul.f32 $3.200000000e+01, v3;
	v7 =	vld [tilespmem:s6+$0xC470];
	(pc) =	sbr.rel @p0 .LBB2_26-.Ltmp12, $4  }
0x2da: {  	v5 =	vld [tilespmem:s11+$0xC400];
	[tilespmem:s6+$0xC410] =	vst v6;
	v4 =	vmul.f32 $3.200000000e+01, v4  }
0x2db: {  	v6 =	vld [tilespmem:s11+$0xC410];
	[tilespmem:s6+$0xC420] =	vst v3;
	v10 =	vmul.f32 $3.200000000e+01, v10  }
0x2dc: {  	v3 =	vld [tilespmem:s11+$0xC420];
	[tilespmem:s6+$0xC430] =	vst v4;
	v9 =	vmul.f32 $3.200000000e+01, v9  }
0x2dd: {  	s12 =	sadd.s32 $0x1000, s12;
	s14 =	sadd.s32 $0x1, s14;
	v4 =	vld [tilespmem:s11+$0xC430];
	[tilespmem:s6+$0xC440] =	vst v10;
	v8 =	vmul.f32 $3.200000000e+01, v8  }
0x2de: {  	v10 =	vld [tilespmem:s11+$0xC440];
	[tilespmem:s6+$0xC450] =	vst v9;
	v7 =	vmul.f32 $3.200000000e+01, v7  }
0x2df: {  	v9 =	vld [tilespmem:s11+$0xC450];
	[tilespmem:s6+$0xC460] =	vst v8;
	v5 =	vmul.f32 $3.200000000e+01, v5  }
0x2e0: {  	v8 =	vld [tilespmem:s11+$0xC460];
	v6 =	vmul.f32 $3.200000000e+01, v6;
	[tilespmem:s6+$0xC470] =	vst v7  }
0x2e1: {  	[tilespmem:s11+$0xC400] =	vst v5;
	v3 =	vmul.f32 $3.200000000e+01, v3;
	v61 =	vld [tilespmem:s11+$0xC470]  }
0x2e2: {  	[tilespmem:s11+$0xC410] =	vst v6;
	v4 =	vmul.f32 $3.200000000e+01, v4  }
0x2e3: {  	[tilespmem:s11+$0xC420] =	vst v3;
	v3 =	vmul.f32 $3.200000000e+01, v10  }
0x2e4: {  	[tilespmem:s11+$0xC430] =	vst v4;
	v62 =	vmul.f32 $3.200000000e+01, v9  }
0x2e5: {  	[tilespmem:s11+$0xC440] =	vst v3;
	v3 =	vmul.f32 $3.200000000e+01, v8  }
0x2e6: {  	[tilespmem:s11+$0xC450] =	vst v62;
	v63 =	vmul.f32 $3.200000000e+01, v61  }
0x2e7: {  	[tilespmem:s11+$0xC460] =	vst v3  }
0x2e8: {  	s19 =	rddreg [dreg:$0xb];
	[tilespmem:s11+$0xC470] =	vst v63  }
0x2e9: {  	[hbm4b:s19+s4] =	stream.linear.scatter [tilespmem:s23], [sflag:$0x2], $0x4000, $0x38;
	[tilespmem:$0x10400] =	vst v63  }
0x2ea: {  	_ =	swait.ge [sflag:s0], $0x4000  }
0x2eb: {  	[sflag:s0] =	ssyncset.done $0x0  }
0x2ec: {  	[sflag:s0] =	ssyncadd.s32 $0xFFFFC000  }
0x2ed: {  	_ =	swait.ge [sflag:s0], $0x4000  }
0x2ee: {  	[sflag:s0] =	ssyncset.done $0x0  }
0x2ef: {  	[sflag:s0] =	ssyncadd.s32 $0xFFFFC000  }
0x2f0: {  	_ =	swait.ge [sflag:s0], $0x4000  }
0x2f1: {  	[sflag:s0] =	ssyncset.done $0x0  }
0x2f2: {  	[sflag:s0] =	ssyncadd.s32 $0xFFFFC000  }
0x2f3: {  	_ =	swait.ge [sflag:s0], $0x4000  }
0x2f4: {  	s21 =	rddreg [dreg:$0xd]  }
0x2f5: {  	s24 =	rddreg [dreg:$0xc];
	s11 =	sadd.s32 $0x1, s21  }
0x2f6: {  	p0 =	sne.s32 s11, s24  }
.Ltmp13:
0x2f7: {  	_ = 	snop;
	(pc) =	sbr.rel @p0 .LBB2_1-.Ltmp13, $3  }
0x2f8: {  	_ =	sdelay $0x1  }
0x2f9: {  	[sflag:s0] =	ssyncset.done $0x0  }
0x2fa: {  	[sflag:s0] =	ssyncadd.s32 $0xFFFFC000  }
0x2fb: {  	_ =	sfence.sel $0x180000  }
0x2fc: {  	[bflag:$0x0] =	sbarrier.arrive $0xFFFF  }
0x2fd: {  	_ =	strace $0x90000047  }
0x2fe: {  	s0 =	stileid.u32;
	[bflag:$0x2] =	sbarrier.arrive $0xFFFF  }
0x2ff: {  	p0 =	sne.s32 s0, $0x0;
	s0 =	rddreg [dreg:$0x3]  }
0x300: {  	s0 =	sadd.s32 @!p0 $0x100000, s0  }
0x301: {  	[sflag:s0] =	ssyncadd.tile.s32 @!p0 $0x1;
	_ =	shalt  }
.Lfunc_end2:
_tile_overlayer_lowered:
.L_overlay_start_2:
0x302: {  	(tag) =	ssettag $0x2  }
0x303: {  	s0 =	rddreg [dreg:$0x0];
	s2 =	stileid.u32  }
0x304: {  	s1 =	rddreg [dreg:$0x1];
	p0 =	sne.s32 s2, $0x0  }
0x305: {  	s3 =	rddreg [dreg:$0x2];
	[bflag:$0x3] =	sbarrier.arrive $0xFFFF;
	s2 =	simm.s32 @!p0 $0x1C03  }
0x306: {  	[timem:s3], [sflag:s2] =	dma.local @!p0 [hbm:s0], s1  }
0x307: {  	s0 =	simm.s32 @!p0 $0x3  }
0x308: {  	_ =	swait.ge @!p0 [sflag:s0], s1  }
0x309: {  	s1 =	ssub.s32 @!p0 $0x0, s1;
	[sflag:s0] =	ssyncset.done @!p0 $0x0  }
0x30a: {  	[sflag:s0] =	ssyncadd.s32 @!p0 s1  }
0x30b: {  	[bflag:$0x3] =	sbarrier.arrive $0xFFFF  }
0x30c: {  	_ =	shalt  }

</sc_bundles>
